<compile_context>
chip_gen: v7x
topology: tpu7x:2x2x1
jax: 0.10.2.dev20260603
libtpu: 0.0.44.dev20260713+nightly
codegen_flags: <defaults>
</compile_context>

<pallas_src>
import functools

import jax
import jax.numpy as jnp
from jax import lax
from jax.experimental import pallas as pl
from jax.experimental.pallas import tpu as pltpu
from jax.experimental.pallas import tpu_sc as plsc

N_NODES = 10000
N_EDGES = 160000
IN_DIM = 256
HID_DIM = 512

NC = 2
NS = 16
NW = NC * NS
N_PAD = 10240

E_PAD = 160256
EPW = E_PAD // NW
EVECS = EPW // 16

HALF = IN_DIM // 2

_mesh = plsc.VectorSubcoreMesh(core_axis_name="c", subcore_axis_name="s")


@functools.partial(
    pl.kernel,
    out_type=jax.ShapeDtypeStruct((NW * N_PAD,), jnp.float32),
    mesh=_mesh,
    scratch_types=[
        pltpu.VMEM((EPW,), jnp.int32),
        pltpu.VMEM((N_PAD,), jnp.float32),
    ],
    compiler_params=pltpu.CompilerParams(needs_layout_passes=False),
)
def _sc_count(dst_flat, out, dst_v, acc_v):
    c = lax.axis_index("c")
    s = lax.axis_index("s")
    w = c * NS + s
    pltpu.sync_copy(dst_flat.at[pl.ds(w * EPW, EPW)], dst_v)

    zeros = jnp.zeros((16,), jnp.float32)
    ones = jnp.ones((16,), jnp.float32)

    @pl.loop(0, N_PAD // 16)
    def _(j):
        acc_v[pl.ds(j * 16, 16)] = zeros

    @pl.loop(0, EVECS)
    def _(i):
        d = dst_v[pl.ds(i * 16, 16)]
        plsc.addupdate_scatter(acc_v, [d], ones)

    pltpu.sync_copy(acc_v, out.at[pl.ds(w * N_PAD, N_PAD)])


def _tc_prep_body(cnt_ref, x_ref, dinv_ref, y_ref):
    ones = jnp.ones((NW, 1), jnp.float32)
    deg = lax.dot_general(cnt_ref[...], ones, (((0,), (0,)), ((), ())),
                          preferred_element_type=jnp.float32) + 1.0
    dinv = lax.rsqrt(deg)
    y = x_ref[...] * dinv
    y_ref[0, :, :] = y[:, :HALF]
    y_ref[1, :, :] = y[:, HALF:]
    dinv_ref[...] = jnp.broadcast_to(dinv, dinv_ref.shape)


def _tc_prep(cnt2, x):
    blk = 1024
    return pl.pallas_call(
        _tc_prep_body,
        grid=((N_NODES + blk - 1) // blk,),
        in_specs=[
            pl.BlockSpec((NW, blk), lambda i: (0, i)),
            pl.BlockSpec((blk, IN_DIM), lambda i: (i, 0)),
        ],
        out_specs=[pl.BlockSpec((blk, 16), lambda i: (i, 0)),
                   pl.BlockSpec((2, blk, HALF), lambda i: (0, i, 0))],
        out_shape=[jax.ShapeDtypeStruct((N_NODES, 16), jnp.float32),
                   jax.ShapeDtypeStruct((2, N_NODES, HALF), jnp.float32)],
    )(cnt2, x)


NHALF = N_PAD // 2
RPC = NHALF // NS
EPT = N_EDGES // NS
CVECS = EPT // 16
RB = 64
CCAP = EPT + 240


@functools.partial(
    pl.kernel,
    out_type=jax.ShapeDtypeStruct((2, N_PAD, HALF), jnp.float32),
    mesh=_mesh,
    scratch_types=[
        pltpu.VMEM((EPT,), jnp.int32),
        pltpu.VMEM((EPT,), jnp.int32),
        pltpu.VMEM((CCAP,), jnp.int32),
        pltpu.VMEM((CCAP,), jnp.int32),
        pltpu.VMEM((RB,), jnp.int32),
        pltpu.VMEM((RB,), jnp.int32),
        pltpu.VMEM((RB,), jnp.int32),
        pltpu.VMEM((RB,), jnp.int32),
        pltpu.VMEM((RB,), jnp.int32),
        pltpu.VMEM((RB,), jnp.int32),
        pltpu.VMEM((RB,), jnp.int32),
        pltpu.VMEM((RB,), jnp.int32),
        pltpu.VMEM((RB,), jnp.int32),
        pltpu.VMEM((RB,), jnp.int32),
        pltpu.VMEM((RB,), jnp.int32),
        pltpu.VMEM((RB,), jnp.int32),
        pltpu.VMEM((RB, HALF), jnp.float32),
        pltpu.VMEM((RB, HALF), jnp.float32),
        pltpu.VMEM((RB, HALF), jnp.float32),
        pltpu.VMEM((RB, HALF), jnp.float32),
        pltpu.VMEM((RB, HALF), jnp.float32),
        pltpu.VMEM_SHARED((NHALF + 8, HALF), jnp.float32),
        pltpu.SemaphoreType.DMA,
        pltpu.SemaphoreType.DMA,
        pltpu.SemaphoreType.DMA,
        pltpu.SemaphoreType.DMA,
        pltpu.SemaphoreType.DMA,
    ],
    compiler_params=pltpu.CompilerParams(needs_layout_passes=False),
)
def _sc_rowprop(src_h, dst_h, ycat, out,
                src_v, dst_v, src_c, dst_c, ss0, ss1, ss2, ss3, ss4, ss5,
                ds0, ds1, ds2, ds3, ds4, ds5,
                gb0, gb1, gb2, gb3, gb4, acc,
                se0, se1, se2, se3, se4):
    src_st = (ss0, ss1, ss2, ss3, ss4)
    dst_st = (ds0, ds1, ds2, ds3, ds4)
    gbuf = (gb0, gb1, gb2, gb3, gb4)
    sem = (se0, se1, se2, se3, se4)
    c = lax.axis_index("c")
    s = lax.axis_index("s")
    lo = c * NHALF
    pltpu.sync_copy(src_h.at[pl.ds(s * EPT, EPT)], src_v)
    pltpu.sync_copy(dst_h.at[pl.ds(s * EPT, EPT)], dst_v)

    @pl.loop(0, CVECS, init_carry=jnp.int32(0), unroll=4)
    def cnt(i, n):
        sl = pl.ds(i * 16, 16)
        sv = src_v[sl]
        dl = dst_v[sl] - lo
        m = (dl >= 0) & (dl < NHALF)
        plsc.store_compressed(src_c.at[pl.ds(n, 16)], sv, mask=m)
        plsc.store_compressed(dst_c.at[pl.ds(n, 16)], dl, mask=m)
        return n + jnp.sum(m.astype(jnp.int32))

    sent_src = jnp.zeros((16,), jnp.int32)
    sent_dst = jnp.full((16,), NHALF, jnp.int32)

    @pl.loop(0, RB // 16)
    def _(k):
        src_c[pl.ds(cnt + k * 16, 16)] = sent_src
        dst_c[pl.ds(cnt + k * 16, 16)] = sent_dst

    nb = (cnt + (RB - 1)) // RB
    zrow = jnp.zeros((16,), jnp.float32)
    D = 5

    @pl.loop(0, 2)
    def _(p):
        poff = p * N_NODES

        def stage(k, ss, ds):
            @pl.loop(0, RB // 16)
            def _(j):
                jl = pl.ds(j * 16, 16)
                ss[jl] = src_c[pl.ds(k * RB + j * 16, 16)] + poff
                ds[jl] = dst_c[pl.ds(k * RB + j * 16, 16)]

        @pl.loop(0, RB)
        def _(r):
            @pl.loop(0, HALF // 16)
            def _(q):
                gb0[r, pl.ds(q * 16, 16)] = zrow

        @pl.loop(0, RPC // RB)
        def _(j):
            pltpu.sync_copy(gb0, acc.at[pl.ds(s * RPC + j * RB, RB)])

        plsc.subcore_barrier()

        for i in range(D):
            @pl.when(i < nb)
            def _():
                stage(i, src_st[i], dst_st[i])
                pltpu.async_copy(ycat.at[src_st[i]], gbuf[i], sem[i])

        @pl.loop(0, nb, step=D)
        def _(k):
            for i in range(D):
                @pl.when(k + i < nb)
                def _():
                    pltpu.make_async_copy(
                        ycat.at[src_st[i]], gbuf[i], sem[i]).wait()
                    pltpu.sync_copy(gbuf[i], acc.at[dst_st[i]], add=True)

                    @pl.when(k + i + D < nb)
                    def _():
                        stage(k + i + D, src_st[i], dst_st[i])
                        pltpu.async_copy(ycat.at[src_st[i]], gbuf[i], sem[i])

        plsc.subcore_barrier()
        pltpu.sync_copy(acc.at[pl.ds(s * RPC, RPC)],
                        out.at[p, pl.ds(lo + s * RPC, RPC)])
        plsc.subcore_barrier()


def _tc_mm_body(a_ref, y_ref, dinv_ref, w1_ref, b1_ref, w2_ref, u_ref):
    d = dinv_ref[:, 0:1]
    p0 = d * (a_ref[0] + y_ref[0])
    p1 = d * (a_ref[1] + y_ref[1])
    h = jnp.dot(p0, w1_ref[:HALF, :], preferred_element_type=jnp.float32)
    h = h + jnp.dot(p1, w1_ref[HALF:, :], preferred_element_type=jnp.float32)
    h = jnp.maximum(h + b1_ref[...], 0.0)
    z = jnp.dot(h, w2_ref[...], preferred_element_type=jnp.float32)
    u_ref[...] = jnp.broadcast_to(z * d, u_ref.shape)


def _tc_mm(acc_cat, y_cat, dinv16, W1, b1r, W2):
    blk = 400
    cspec = pl.BlockSpec((2, blk, HALF), lambda i: (0, i, 0))
    return pl.pallas_call(
        _tc_mm_body,
        grid=(N_NODES // blk,),
        in_specs=[cspec, cspec,
                  pl.BlockSpec((blk, 16), lambda i: (i, 0)),
                  pl.BlockSpec((IN_DIM, HID_DIM), lambda i: (0, 0)),
                  pl.BlockSpec((1, HID_DIM), lambda i: (0, 0)),
                  pl.BlockSpec((HID_DIM, 1), lambda i: (0, 0))],
        out_specs=pl.BlockSpec((blk, 16), lambda i: (i, 0)),
        out_shape=jax.ShapeDtypeStruct((N_NODES, 16), jnp.float32),
    )(acc_cat, y_cat, dinv16, W1, b1r, W2)


@functools.partial(
    pl.kernel,
    out_type=jax.ShapeDtypeStruct((NW * N_PAD,), jnp.float32),
    mesh=_mesh,
    scratch_types=[
        pltpu.VMEM((EPW,), jnp.int32),
        pltpu.VMEM((EPW,), jnp.int32),
        pltpu.VMEM((N_PAD,), jnp.float32),
        pltpu.VMEM((N_PAD,), jnp.float32),
    ],
    compiler_params=pltpu.CompilerParams(needs_layout_passes=False),
)
def _sc_scalarprop(src_flat, dst_flat, u_flat, out, src_v, dst_v, u_v, acc_v):
    c = lax.axis_index("c")
    s = lax.axis_index("s")
    w = c * NS + s
    pltpu.sync_copy(src_flat.at[pl.ds(w * EPW, EPW)], src_v)
    pltpu.sync_copy(dst_flat.at[pl.ds(w * EPW, EPW)], dst_v)
    pltpu.sync_copy(u_flat, u_v)

    zeros = jnp.zeros((16,), jnp.float32)

    @pl.loop(0, N_PAD // 16)
    def _(j):
        acc_v[pl.ds(j * 16, 16)] = zeros

    @pl.loop(0, EVECS, unroll=4)
    def _(i):
        sl = pl.ds(i * 16, 16)
        idx = src_v[sl]
        d = dst_v[sl]
        vals = plsc.load_gather(u_v, [idx])
        plsc.addupdate_scatter(acc_v, [d], vals)

    pltpu.sync_copy(acc_v, out.at[pl.ds(w * N_PAD, N_PAD)])


def _tc_final_body(acc2_ref, u_ref, cnt_ref, b2_ref, out_ref):
    dinv = lax.rsqrt(jnp.sum(cnt_ref[...], axis=0) + 1.0)
    t = jnp.sum(acc2_ref[...], axis=0) + u_ref[...]
    out_ref[...] = jax.nn.sigmoid(dinv * t + b2_ref[0, 0])


def _tc_final(acc2p, u2d, cntp3, b2r):
    blk = 16
    return pl.pallas_call(
        _tc_final_body,
        grid=(N_PAD // 128 // blk,),
        in_specs=[
            pl.BlockSpec((NW, blk, 128), lambda i: (0, i, 0)),
            pl.BlockSpec((blk, 128), lambda i: (i, 0)),
            pl.BlockSpec((NW, blk, 128), lambda i: (0, i, 0)),
            pl.BlockSpec((1, 1), lambda i: (0, 0), memory_space=pltpu.SMEM),
        ],
        out_specs=pl.BlockSpec((blk, 128), lambda i: (i, 0)),
        out_shape=jax.ShapeDtypeStruct((N_PAD // 128, 128), jnp.float32),
    )(acc2p, u2d, cntp3, b2r)


@jax.jit
def kernel(x, edge_index, W1, b1, W2, b2):
    ei = edge_index.astype(jnp.int32)
    src = ei[0]
    dst = ei[1]
    npad = E_PAD - N_EDGES
    src_pade = jnp.concatenate([src, jnp.zeros((npad,), jnp.int32)])
    dst_pade = jnp.concatenate([dst, jnp.full((npad,), N_PAD - 1, jnp.int32)])
    b1r = b1.reshape(1, HID_DIM)
    b2r = b2.reshape(1, 1)

    cnt_flat = _sc_count(dst_pade)
    dinv16, y_cat = _tc_prep(cnt_flat.reshape(NW, N_PAD), x)
    acc_cat = _sc_rowprop(src, dst, y_cat.reshape(2 * N_NODES, HALF))
    u16 = _tc_mm(acc_cat, y_cat, dinv16, W1, b1r, W2)

    pad_n = N_PAD - N_NODES
    u_flat = jnp.concatenate([u16[:, 0], jnp.zeros((pad_n,), jnp.float32)])
    u2d = u_flat.reshape(-1, 128)

    acc2_flat = _sc_scalarprop(src_pade, dst_pade, u_flat)
    acc2p = acc2_flat.reshape(NW, N_PAD // 128, 128)
    out2d = _tc_final(acc2p, u2d, cnt_flat.reshape(NW, N_PAD // 128, 128), b2r)
    return out2d.reshape(N_PAD, 1)[:N_NODES]

# --- scband reference (transcript-rebuilt; emitter-appended) ---
"""Pipeline reference for scband-gnnlandmark-selector-75445395521875 (READ-ONLY COPY).

The authoritative reference and input builder live on the scoring server;
editing this copy changes nothing except your own understanding.
"""

import jax, jax.numpy as jnp
import numpy as np

N_NODES = 10000
N_EDGES = 160000
IN_DIM = 256
HID_DIM = 512


def gcn_conv(x, edge_index, W, b):
    N = x.shape[0]
    src = edge_index[0]
    dst = edge_index[1]
    # add self loops (PyG GCNConv default)
    loop = jnp.arange(N, dtype=edge_index.dtype)
    src = jnp.concatenate([src, loop])
    dst = jnp.concatenate([dst, loop])
    # symmetric normalization: deg computed on dst of A + I
    deg = jnp.zeros((N,), dtype=x.dtype).at[dst].add(1.0)
    dinv = jnp.where(deg > 0, 1.0 / jnp.sqrt(deg), 0.0)
    norm = dinv[src] * dinv[dst]
    h = x @ W
    msgs = h[src] * norm[:, None]
    out = jax.ops.segment_sum(msgs, dst, num_segments=N)
    return out + b


def setup_inputs(seed: int = 0) -> dict:
    key = jax.random.key(seed)
    k1, k2, k3, k4 = jax.random.split(key, 4)
    x = jax.random.normal(k1, (N_NODES, IN_DIM), dtype=jnp.float32)
    edge_index = jax.random.randint(k2, (2, N_EDGES), 0, N_NODES, dtype=jnp.int64)
    W1 = jax.random.normal(k3, (IN_DIM, HID_DIM), dtype=jnp.float32) * (1.0 / np.sqrt(IN_DIM))
    b1 = jnp.zeros((HID_DIM,), dtype=jnp.float32)
    W2 = jax.random.normal(k4, (HID_DIM, 1), dtype=jnp.float32) * (1.0 / np.sqrt(HID_DIM))
    b2 = jnp.zeros((1,), dtype=jnp.float32)
    return {"x": x, "edge_index": edge_index, "W1": W1, "b1": b1, "W2": W2, "b2": b2}


def reference(x, edge_index, W1, b1, W2, b2):
    h = jax.nn.relu(gcn_conv(x, edge_index, W1, b1))
    out = gcn_conv(h, edge_index, W2, b2)
    return jax.nn.sigmoid(out)

if __name__ == "__main__":
    import jax
    _d = setup_inputs()
    print(jax.jit(kernel)(*tuple(_d.values())))

</pallas_src>

<mosaic_0001>
#map = affine_map<(d0, d1) -> (0)>
#map1 = affine_map<(d0, d1) -> (0, 0)>
#map2 = affine_map<(d0, d1) -> (0, 0, 0)>
module attributes {stable_mosaic.version = 14 : i64} {
  func.func @_sc_rowprop(%arg0: i32, %arg1: i32, %arg2: memref<160000xi32, #tpu.memory_space<hbm>>, %arg3: memref<160000xi32, #tpu.memory_space<hbm>>, %arg4: memref<20000x128xf32, #tpu.memory_space<hbm>>, %arg5: memref<2x10240x128xf32, #tpu.memory_space<hbm>>, %arg6: memref<10000xi32, #tpu.memory_space<vmem>>, %arg7: memref<10000xi32, #tpu.memory_space<vmem>>, %arg8: memref<10240xi32, #tpu.memory_space<vmem>>, %arg9: memref<10240xi32, #tpu.memory_space<vmem>>, %arg10: memref<64xi32, #tpu.memory_space<vmem>>, %arg11: memref<64xi32, #tpu.memory_space<vmem>>, %arg12: memref<64xi32, #tpu.memory_space<vmem>>, %arg13: memref<64xi32, #tpu.memory_space<vmem>>, %arg14: memref<64xi32, #tpu.memory_space<vmem>>, %arg15: memref<64xi32, #tpu.memory_space<vmem>>, %arg16: memref<64xi32, #tpu.memory_space<vmem>>, %arg17: memref<64xi32, #tpu.memory_space<vmem>>, %arg18: memref<64xi32, #tpu.memory_space<vmem>>, %arg19: memref<64xi32, #tpu.memory_space<vmem>>, %arg20: memref<64xi32, #tpu.memory_space<vmem>>, %arg21: memref<64xi32, #tpu.memory_space<vmem>>, %arg22: memref<64x128xf32, #tpu.memory_space<vmem>>, %arg23: memref<64x128xf32, #tpu.memory_space<vmem>>, %arg24: memref<64x128xf32, #tpu.memory_space<vmem>>, %arg25: memref<64x128xf32, #tpu.memory_space<vmem>>, %arg26: memref<64x128xf32, #tpu.memory_space<vmem>>, %arg27: memref<5128x128xf32, #tpu.memory_space<vmem_shared>>, %arg28: memref<!tpu.dma_semaphore, #tpu.memory_space<semaphore_mem>>, %arg29: memref<!tpu.dma_semaphore, #tpu.memory_space<semaphore_mem>>, %arg30: memref<!tpu.dma_semaphore, #tpu.memory_space<semaphore_mem>>, %arg31: memref<!tpu.dma_semaphore, #tpu.memory_space<semaphore_mem>>, %arg32: memref<!tpu.dma_semaphore, #tpu.memory_space<semaphore_mem>>) attributes {dimension_semantics = [#tpu.dimension_semantics<core_parallel>, #tpu.dimension_semantics<subcore_parallel>], iteration_bounds = array<i64: 2, 16>, scalar_prefetch = 0 : i64, scratch_operands = 27 : i64, tpu.core_type = #tpu.core_type<sc_vector_subcore>, window_params = [{transform_indices = #map}, {transform_indices = #map}, {transform_indices = #map1}, {transform_indices = #map2}]} {
    %mul3A = arith.constant 5120 : i32
    %mul3A_0 = arith.muli %arg0, %mul3A : i32
    %mul3A_1 = arith.constant 10000 : i32
    %mul3A_2 = arith.muli %arg1, %mul3A_1 : i32
    "tpu.region"() ({
      %run_scoped3A = tpu.sem_alloc : memref<!tpu.dma_semaphore, #tpu.memory_space<semaphore_mem>>
      %dma_start3A = tpu.memref_slice %arg2[%mul3A_2] : memref<160000xi32, #tpu.memory_space<hbm>> -> memref<10000xi32, #tpu.memory_space<hbm>>
      %dma_start3A_68 = tpu.memref_slice %arg2[%mul3A_2] : memref<160000xi32, #tpu.memory_space<hbm>> -> memref<10000xi32, #tpu.memory_space<hbm>>
      tpu.enqueue_dma source(%dma_start3A_68 : memref<10000xi32, #tpu.memory_space<hbm>>) target(%arg6 : memref<10000xi32, #tpu.memory_space<vmem>>) target_semaphore(%run_scoped3A : memref<!tpu.dma_semaphore, #tpu.memory_space<semaphore_mem>>)
      %dma_wait3A = tpu.memref_slice %arg2[%mul3A_2] : memref<160000xi32, #tpu.memory_space<hbm>> -> memref<10000xi32, #tpu.memory_space<hbm>>
      %dma_wait3A_69 = tpu.memref_slice %arg2[%mul3A_2] : memref<160000xi32, #tpu.memory_space<hbm>> -> memref<10000xi32, #tpu.memory_space<hbm>>
      tpu.wait_dma2 semaphore(%run_scoped3A : memref<!tpu.dma_semaphore, #tpu.memory_space<semaphore_mem>>) src(%dma_wait3A_69 : memref<10000xi32, #tpu.memory_space<hbm>>) dst(%arg6 : memref<10000xi32, #tpu.memory_space<vmem>>)
      tpu.yield
    }) : () -> ()
    %mul3A_3 = arith.constant 10000 : i32
    %mul3A_4 = arith.muli %arg1, %mul3A_3 : i32
    "tpu.region"() ({
      %run_scoped3A = tpu.sem_alloc : memref<!tpu.dma_semaphore, #tpu.memory_space<semaphore_mem>>
      %dma_start3A = tpu.memref_slice %arg3[%mul3A_4] : memref<160000xi32, #tpu.memory_space<hbm>> -> memref<10000xi32, #tpu.memory_space<hbm>>
      %dma_start3A_68 = tpu.memref_slice %arg3[%mul3A_4] : memref<160000xi32, #tpu.memory_space<hbm>> -> memref<10000xi32, #tpu.memory_space<hbm>>
      tpu.enqueue_dma source(%dma_start3A_68 : memref<10000xi32, #tpu.memory_space<hbm>>) target(%arg7 : memref<10000xi32, #tpu.memory_space<vmem>>) target_semaphore(%run_scoped3A : memref<!tpu.dma_semaphore, #tpu.memory_space<semaphore_mem>>)
      %dma_wait3A = tpu.memref_slice %arg3[%mul3A_4] : memref<160000xi32, #tpu.memory_space<hbm>> -> memref<10000xi32, #tpu.memory_space<hbm>>
      %dma_wait3A_69 = tpu.memref_slice %arg3[%mul3A_4] : memref<160000xi32, #tpu.memory_space<hbm>> -> memref<10000xi32, #tpu.memory_space<hbm>>
      tpu.wait_dma2 semaphore(%run_scoped3A : memref<!tpu.dma_semaphore, #tpu.memory_space<semaphore_mem>>) src(%dma_wait3A_69 : memref<10000xi32, #tpu.memory_space<hbm>>) dst(%arg7 : memref<10000xi32, #tpu.memory_space<vmem>>)
      tpu.yield
    }) : () -> ()
    %scan3A = arith.constant 0 : i32
    %scan3A_5 = arith.constant 0 : i32
    %scan3A_6 = arith.constant 624 : i32
    %scan3A_7 = arith.addi %scan3A_5, %scan3A_6 : i32
    %scan3A_8 = arith.constant 4 : i32
    %scan3A_9 = scf.for %scan3A_68 = %scan3A_5 to %scan3A_7 step %scan3A_8 iter_args(%scan3A_69 = %scan3A) -> (i32)  : i32 {
      %mul3A_70 = arith.constant 1 : i32
      %mul3A_71 = arith.muli %scan3A_68, %mul3A_70 : i32
      %add3A_72 = arith.constant 0 : i32
      %add3A_73 = arith.addi %add3A_72, %mul3A_71 : i32
      %mul3A_74 = arith.constant 16 : i32
      %mul3A_75 = arith.muli %add3A_73, %mul3A_74 : i32
      %get3A_76 = arith.index_cast %mul3A_75 : i32 to index
      %get3A_77 = tpu.vector_load %arg6[%get3A_76] {strides = array<i32>} : memref<10000xi32, #tpu.memory_space<vmem>>, vector<16xi32>,
      %get3A_78 = arith.index_cast %mul3A_75 : i32 to index
      %get3A_79 = tpu.vector_load %arg7[%get3A_78] {strides = array<i32>} : memref<10000xi32, #tpu.memory_space<vmem>>, vector<16xi32>,
      %sub3A_80 = vector.broadcast %mul3A_0 : i32 to vector<16xi32>
      %sub3A_81 = arith.subi %get3A_79, %sub3A_80 : vector<16xi32>
      %ge3A_82 = arith.constant 0 : i32
      %ge3A_83 = vector.broadcast %ge3A_82 : i32 to vector<16xi32>
      %ge3A_84 = arith.cmpi sge, %sub3A_81, %ge3A_83 : vector<16xi32>
      %lt3A_85 = arith.constant 5120 : i32
      %lt3A_86 = vector.broadcast %lt3A_85 : i32 to vector<16xi32>
      %lt3A_87 = arith.cmpi slt, %sub3A_81, %lt3A_86 : vector<16xi32>
      %and3A_88 = arith.andi %ge3A_84, %lt3A_87 : vector<16xi1>
      %swap3A_89 = arith.index_cast %scan3A_69 : i32 to index
      %swap3A_90 = tpu.vector_load %arg8[%swap3A_89] masked %and3A_88 {strides = array<i32>} : memref<10240xi32, #tpu.memory_space<vmem>>, vector<16xi32>, vector<16xi1>
      tpu.vector_store %arg8[%swap3A_89], %get3A_77 masked %and3A_88 {strides = array<i32>} : memref<10240xi32, #tpu.memory_space<vmem>>, vector<16xi32>, vector<16xi1>
      %swap3A_91 = arith.index_cast %scan3A_69 : i32 to index
      %swap3A_92 = tpu.vector_load %arg9[%swap3A_91] masked %and3A_88 {strides = array<i32>} : memref<10240xi32, #tpu.memory_space<vmem>>, vector<16xi32>, vector<16xi1>
      tpu.vector_store %arg9[%swap3A_91], %sub3A_81 masked %and3A_88 {strides = array<i32>} : memref<10240xi32, #tpu.memory_space<vmem>>, vector<16xi32>, vector<16xi1>
      %convert_element_type3A_93 = arith.extui %and3A_88 : vector<16xi1> to vector<16xi32>
      %reduce_sum3A_94 = arith.constant true
      %reduce_sum3A_95 = vector.broadcast %reduce_sum3A_94 : i1 to vector<16xi1>
      %reduce_sum3A_96 = tpu.scan <sum>, %convert_element_type3A_93 masked %reduce_sum3A_95 : vector<16xi32>, vector<16xi1> -> vector<16xi32>
      %reduce_sum3A_97 = vector.extract %reduce_sum3A_96[15] : i32 from vector<16xi32>
      %add3A_98 = arith.addi %scan3A_69, %reduce_sum3A_97 : i32
      %scan3A_99 = arith.constant 1 : i32
      %scan3A_100 = arith.addi %scan3A_68, %scan3A_99 : i32
      %mul3A_101 = arith.constant 1 : i32
      %mul3A_102 = arith.muli %scan3A_100, %mul3A_101 : i32
      %add3A_103 = arith.constant 0 : i32
      %add3A_104 = arith.addi %add3A_103, %mul3A_102 : i32
      %mul3A_105 = arith.constant 16 : i32
      %mul3A_106 = arith.muli %add3A_104, %mul3A_105 : i32
      %get3A_107 = arith.index_cast %mul3A_106 : i32 to index
      %get3A_108 = tpu.vector_load %arg6[%get3A_107] {strides = array<i32>} : memref<10000xi32, #tpu.memory_space<vmem>>, vector<16xi32>,
      %get3A_109 = arith.index_cast %mul3A_106 : i32 to index
      %get3A_110 = tpu.vector_load %arg7[%get3A_109] {strides = array<i32>} : memref<10000xi32, #tpu.memory_space<vmem>>, vector<16xi32>,
      %sub3A_111 = vector.broadcast %mul3A_0 : i32 to vector<16xi32>
      %sub3A_112 = arith.subi %get3A_110, %sub3A_111 : vector<16xi32>
      %ge3A_113 = arith.constant 0 : i32
      %ge3A_114 = vector.broadcast %ge3A_113 : i32 to vector<16xi32>
      %ge3A_115 = arith.cmpi sge, %sub3A_112, %ge3A_114 : vector<16xi32>
      %lt3A_116 = arith.constant 5120 : i32
      %lt3A_117 = vector.broadcast %lt3A_116 : i32 to vector<16xi32>
      %lt3A_118 = arith.cmpi slt, %sub3A_112, %lt3A_117 : vector<16xi32>
      %and3A_119 = arith.andi %ge3A_115, %lt3A_118 : vector<16xi1>
      %swap3A_120 = arith.index_cast %add3A_98 : i32 to index
      %swap3A_121 = tpu.vector_load %arg8[%swap3A_120] masked %and3A_119 {strides = array<i32>} : memref<10240xi32, #tpu.memory_space<vmem>>, vector<16xi32>, vector<16xi1>
      tpu.vector_store %arg8[%swap3A_120], %get3A_108 masked %and3A_119 {strides = array<i32>} : memref<10240xi32, #tpu.memory_space<vmem>>, vector<16xi32>, vector<16xi1>
      %swap3A_122 = arith.index_cast %add3A_98 : i32 to index
      %swap3A_123 = tpu.vector_load %arg9[%swap3A_122] masked %and3A_119 {strides = array<i32>} : memref<10240xi32, #tpu.memory_space<vmem>>, vector<16xi32>, vector<16xi1>
      tpu.vector_store %arg9[%swap3A_122], %sub3A_112 masked %and3A_119 {strides = array<i32>} : memref<10240xi32, #tpu.memory_space<vmem>>, vector<16xi32>, vector<16xi1>
      %convert_element_type3A_124 = arith.extui %and3A_119 : vector<16xi1> to vector<16xi32>
      %reduce_sum3A_125 = arith.constant true
      %reduce_sum3A_126 = vector.broadcast %reduce_sum3A_125 : i1 to vector<16xi1>
      %reduce_sum3A_127 = tpu.scan <sum>, %convert_element_type3A_124 masked %reduce_sum3A_126 : vector<16xi32>, vector<16xi1> -> vector<16xi32>
      %reduce_sum3A_128 = vector.extract %reduce_sum3A_127[15] : i32 from vector<16xi32>
      %add3A_129 = arith.addi %add3A_98, %reduce_sum3A_128 : i32
      %scan3A_130 = arith.constant 2 : i32
      %scan3A_131 = arith.addi %scan3A_68, %scan3A_130 : i32
      %mul3A_132 = arith.constant 1 : i32
      %mul3A_133 = arith.muli %scan3A_131, %mul3A_132 : i32
      %add3A_134 = arith.constant 0 : i32
      %add3A_135 = arith.addi %add3A_134, %mul3A_133 : i32
      %mul3A_136 = arith.constant 16 : i32
      %mul3A_137 = arith.muli %add3A_135, %mul3A_136 : i32
      %get3A_138 = arith.index_cast %mul3A_137 : i32 to index
      %get3A_139 = tpu.vector_load %arg6[%get3A_138] {strides = array<i32>} : memref<10000xi32, #tpu.memory_space<vmem>>, vector<16xi32>,
      %get3A_140 = arith.index_cast %mul3A_137 : i32 to index
      %get3A_141 = tpu.vector_load %arg7[%get3A_140] {strides = array<i32>} : memref<10000xi32, #tpu.memory_space<vmem>>, vector<16xi32>,
      %sub3A_142 = vector.broadcast %mul3A_0 : i32 to vector<16xi32>
      %sub3A_143 = arith.subi %get3A_141, %sub3A_142 : vector<16xi32>
      %ge3A_144 = arith.constant 0 : i32
      %ge3A_145 = vector.broadcast %ge3A_144 : i32 to vector<16xi32>
      %ge3A_146 = arith.cmpi sge, %sub3A_143, %ge3A_145 : vector<16xi32>
      %lt3A_147 = arith.constant 5120 : i32
      %lt3A_148 = vector.broadcast %lt3A_147 : i32 to vector<16xi32>
      %lt3A_149 = arith.cmpi slt, %sub3A_143, %lt3A_148 : vector<16xi32>
      %and3A_150 = arith.andi %ge3A_146, %lt3A_149 : vector<16xi1>
      %swap3A_151 = arith.index_cast %add3A_129 : i32 to index
      %swap3A_152 = tpu.vector_load %arg8[%swap3A_151] masked %and3A_150 {strides = array<i32>} : memref<10240xi32, #tpu.memory_space<vmem>>, vector<16xi32>, vector<16xi1>
      tpu.vector_store %arg8[%swap3A_151], %get3A_139 masked %and3A_150 {strides = array<i32>} : memref<10240xi32, #tpu.memory_space<vmem>>, vector<16xi32>, vector<16xi1>
      %swap3A_153 = arith.index_cast %add3A_129 : i32 to index
      %swap3A_154 = tpu.vector_load %arg9[%swap3A_153] masked %and3A_150 {strides = array<i32>} : memref<10240xi32, #tpu.memory_space<vmem>>, vector<16xi32>, vector<16xi1>
      tpu.vector_store %arg9[%swap3A_153], %sub3A_143 masked %and3A_150 {strides = array<i32>} : memref<10240xi32, #tpu.memory_space<vmem>>, vector<16xi32>, vector<16xi1>
      %convert_element_type3A_155 = arith.extui %and3A_150 : vector<16xi1> to vector<16xi32>
      %reduce_sum3A_156 = arith.constant true
      %reduce_sum3A_157 = vector.broadcast %reduce_sum3A_156 : i1 to vector<16xi1>
      %reduce_sum3A_158 = tpu.scan <sum>, %convert_element_type3A_155 masked %reduce_sum3A_157 : vector<16xi32>, vector<16xi1> -> vector<16xi32>
      %reduce_sum3A_159 = vector.extract %reduce_sum3A_158[15] : i32 from vector<16xi32>
      %add3A_160 = arith.addi %add3A_129, %reduce_sum3A_159 : i32
      %scan3A_161 = arith.constant 3 : i32
      %scan3A_162 = arith.addi %scan3A_68, %scan3A_161 : i32
      %mul3A_163 = arith.constant 1 : i32
      %mul3A_164 = arith.muli %scan3A_162, %mul3A_163 : i32
      %add3A_165 = arith.constant 0 : i32
      %add3A_166 = arith.addi %add3A_165, %mul3A_164 : i32
      %mul3A_167 = arith.constant 16 : i32
      %mul3A_168 = arith.muli %add3A_166, %mul3A_167 : i32
      %get3A_169 = arith.index_cast %mul3A_168 : i32 to index
      %get3A_170 = tpu.vector_load %arg6[%get3A_169] {strides = array<i32>} : memref<10000xi32, #tpu.memory_space<vmem>>, vector<16xi32>,
      %get3A_171 = arith.index_cast %mul3A_168 : i32 to index
      %get3A_172 = tpu.vector_load %arg7[%get3A_171] {strides = array<i32>} : memref<10000xi32, #tpu.memory_space<vmem>>, vector<16xi32>,
      %sub3A_173 = vector.broadcast %mul3A_0 : i32 to vector<16xi32>
      %sub3A_174 = arith.subi %get3A_172, %sub3A_173 : vector<16xi32>
      %ge3A_175 = arith.constant 0 : i32
      %ge3A_176 = vector.broadcast %ge3A_175 : i32 to vector<16xi32>
      %ge3A_177 = arith.cmpi sge, %sub3A_174, %ge3A_176 : vector<16xi32>
      %lt3A_178 = arith.constant 5120 : i32
      %lt3A_179 = vector.broadcast %lt3A_178 : i32 to vector<16xi32>
      %lt3A_180 = arith.cmpi slt, %sub3A_174, %lt3A_179 : vector<16xi32>
      %and3A_181 = arith.andi %ge3A_177, %lt3A_180 : vector<16xi1>
      %swap3A_182 = arith.index_cast %add3A_160 : i32 to index
      %swap3A_183 = tpu.vector_load %arg8[%swap3A_182] masked %and3A_181 {strides = array<i32>} : memref<10240xi32, #tpu.memory_space<vmem>>, vector<16xi32>, vector<16xi1>
      tpu.vector_store %arg8[%swap3A_182], %get3A_170 masked %and3A_181 {strides = array<i32>} : memref<10240xi32, #tpu.memory_space<vmem>>, vector<16xi32>, vector<16xi1>
      %swap3A_184 = arith.index_cast %add3A_160 : i32 to index
      %swap3A_185 = tpu.vector_load %arg9[%swap3A_184] masked %and3A_181 {strides = array<i32>} : memref<10240xi32, #tpu.memory_space<vmem>>, vector<16xi32>, vector<16xi1>
      tpu.vector_store %arg9[%swap3A_184], %sub3A_174 masked %and3A_181 {strides = array<i32>} : memref<10240xi32, #tpu.memory_space<vmem>>, vector<16xi32>, vector<16xi1>
      %convert_element_type3A_186 = arith.extui %and3A_181 : vector<16xi1> to vector<16xi32>
      %reduce_sum3A_187 = arith.constant true
      %reduce_sum3A_188 = vector.broadcast %reduce_sum3A_187 : i1 to vector<16xi1>
      %reduce_sum3A_189 = tpu.scan <sum>, %convert_element_type3A_186 masked %reduce_sum3A_188 : vector<16xi32>, vector<16xi1> -> vector<16xi32>
      %reduce_sum3A_190 = vector.extract %reduce_sum3A_189[15] : i32 from vector<16xi32>
      %add3A_191 = arith.addi %add3A_160, %reduce_sum3A_190 : i32
      scf.yield %add3A_191 : i32
    }
    %scan3A_10 = arith.constant 624 : i32
    %scan3A_11 = arith.addi %scan3A_5, %scan3A_10 : i32
    %mul3A_12 = arith.constant 1 : i32
    %mul3A_13 = arith.muli %scan3A_11, %mul3A_12 : i32
    %add3A = arith.constant 0 : i32
    %add3A_14 = arith.addi %add3A, %mul3A_13 : i32
    %mul3A_15 = arith.constant 16 : i32
    %mul3A_16 = arith.muli %add3A_14, %mul3A_15 : i32
    %get3A = arith.index_cast %mul3A_16 : i32 to index
    %get3A_17 = tpu.vector_load %arg6[%get3A] {strides = array<i32>} : memref<10000xi32, #tpu.memory_space<vmem>>, vector<16xi32>,
    %get3A_18 = arith.index_cast %mul3A_16 : i32 to index
    %get3A_19 = tpu.vector_load %arg7[%get3A_18] {strides = array<i32>} : memref<10000xi32, #tpu.memory_space<vmem>>, vector<16xi32>,
    %sub3A = vector.broadcast %mul3A_0 : i32 to vector<16xi32>
    %sub3A_20 = arith.subi %get3A_19, %sub3A : vector<16xi32>
    %ge3A = arith.constant 0 : i32
    %ge3A_21 = vector.broadcast %ge3A : i32 to vector<16xi32>
    %ge3A_22 = arith.cmpi sge, %sub3A_20, %ge3A_21 : vector<16xi32>
    %lt3A = arith.constant 5120 : i32
    %lt3A_23 = vector.broadcast %lt3A : i32 to vector<16xi32>
    %lt3A_24 = arith.cmpi slt, %sub3A_20, %lt3A_23 : vector<16xi32>
    %and3A = arith.andi %ge3A_22, %lt3A_24 : vector<16xi1>
    %swap3A = arith.index_cast %scan3A_9 : i32 to index
    %swap3A_25 = tpu.vector_load %arg8[%swap3A] masked %and3A {strides = array<i32>} : memref<10240xi32, #tpu.memory_space<vmem>>, vector<16xi32>, vector<16xi1>
    tpu.vector_store %arg8[%swap3A], %get3A_17 masked %and3A {strides = array<i32>} : memref<10240xi32, #tpu.memory_space<vmem>>, vector<16xi32>, vector<16xi1>
    %swap3A_26 = arith.index_cast %scan3A_9 : i32 to index
    %swap3A_27 = tpu.vector_load %arg9[%swap3A_26] masked %and3A {strides = array<i32>} : memref<10240xi32, #tpu.memory_space<vmem>>, vector<16xi32>, vector<16xi1>
    tpu.vector_store %arg9[%swap3A_26], %sub3A_20 masked %and3A {strides = array<i32>} : memref<10240xi32, #tpu.memory_space<vmem>>, vector<16xi32>, vector<16xi1>
    %convert_element_type3A = arith.extui %and3A : vector<16xi1> to vector<16xi32>
    %reduce_sum3A = arith.constant true
    %reduce_sum3A_28 = vector.broadcast %reduce_sum3A : i1 to vector<16xi1>
    %reduce_sum3A_29 = tpu.scan <sum>, %convert_element_type3A masked %reduce_sum3A_28 : vector<16xi32>, vector<16xi1> -> vector<16xi32>
    %reduce_sum3A_30 = vector.extract %reduce_sum3A_29[15] : i32 from vector<16xi32>
    %add3A_31 = arith.addi %scan3A_9, %reduce_sum3A_30 : i32
    %scan3A_32 = arith.constant 625 : i32
    %broadcast_in_dim3A = arith.constant 0 : i32
    %broadcast_in_dim3A_33 = vector.broadcast %broadcast_in_dim3A : i32 to vector<16xi32>
    %broadcast_in_dim3A_34 = arith.constant 5120 : i32
    %broadcast_in_dim3A_35 = vector.broadcast %broadcast_in_dim3A_34 : i32 to vector<16xi32>
    %scan3A_36 = arith.constant 0 : i32
    %scan3A_37 = arith.constant 4 : i32
    %scan3A_38 = arith.addi %scan3A_36, %scan3A_37 : i32
    %scan3A_39 = arith.constant 1 : i32
    scf.for %scan3A_68 = %scan3A_36 to %scan3A_38 step %scan3A_39  : i32 {
      %mul3A_69 = arith.constant 1 : i32
      %mul3A_70 = arith.muli %scan3A_68, %mul3A_69 : i32
      %add3A_71 = arith.constant 0 : i32
      %add3A_72 = arith.addi %add3A_71, %mul3A_70 : i32
      %mul3A_73 = arith.constant 16 : i32
      %mul3A_74 = arith.muli %add3A_72, %mul3A_73 : i32
      %add3A_75 = arith.addi %add3A_31, %mul3A_74 : i32
      %swap3A_76 = arith.index_cast %add3A_75 : i32 to index
      %swap3A_77 = tpu.vector_load %arg8[%swap3A_76] {strides = array<i32>} : memref<10240xi32, #tpu.memory_space<vmem>>, vector<16xi32>,
      tpu.vector_store %arg8[%swap3A_76], %broadcast_in_dim3A_33 {strides = array<i32>} : memref<10240xi32, #tpu.memory_space<vmem>>, vector<16xi32>,
      %mul3A_78 = arith.constant 16 : i32
      %mul3A_79 = arith.muli %add3A_72, %mul3A_78 : i32
      %add3A_80 = arith.addi %add3A_31, %mul3A_79 : i32
      %swap3A_81 = arith.index_cast %add3A_80 : i32 to index
      %swap3A_82 = tpu.vector_load %arg9[%swap3A_81] {strides = array<i32>} : memref<10240xi32, #tpu.memory_space<vmem>>, vector<16xi32>,
      tpu.vector_store %arg9[%swap3A_81], %broadcast_in_dim3A_35 {strides = array<i32>} : memref<10240xi32, #tpu.memory_space<vmem>>, vector<16xi32>,
    }
    %scan3A_40 = arith.constant 4 : i32
    %add3A_41 = arith.constant 63 : i32
    %add3A_42 = arith.addi %add3A_31, %add3A_41 : i32
    %jit3A = arith.constant 64 : i32
    %div3A = arith.divsi %add3A_42, %jit3A : i32
    %sign3A = arith.constant 0 : i32
    %sign3A_43 = arith.cmpi sgt, %add3A_42, %sign3A : i32
    %sign3A_44 = arith.extui %sign3A_43 : i1 to i32
    %sign3A_45 = arith.constant 0 : i32
    %sign3A_46 = arith.cmpi slt, %add3A_42, %sign3A_45 : i32
    %sign3A_47 = arith.extui %sign3A_46 : i1 to i32
    %sign3A_48 = arith.subi %sign3A_44, %sign3A_47 : i32
    %sign3A_49 = arith.constant 0 : i32
    %sign3A_50 = arith.cmpi sgt, %jit3A, %sign3A_49 : i32
    %sign3A_51 = arith.extui %sign3A_50 : i1 to i32
    %sign3A_52 = arith.constant 0 : i32
    %sign3A_53 = arith.cmpi slt, %jit3A, %sign3A_52 : i32
    %sign3A_54 = arith.extui %sign3A_53 : i1 to i32
    %sign3A_55 = arith.subi %sign3A_51, %sign3A_54 : i32
    %ne3A = arith.cmpi ne, %sign3A_48, %sign3A_55 : i32
    %rem3A = arith.remsi %add3A_42, %jit3A : i32
    %ne3A_56 = arith.constant 0 : i32
    %ne3A_57 = arith.cmpi ne, %rem3A, %ne3A_56 : i32
    %and3A_58 = arith.andi %ne3A, %ne3A_57 : i1
    %sub3A_59 = arith.constant 1 : i32
    %sub3A_60 = arith.subi %div3A, %sub3A_59 : i32
    %select_n3A = arith.select %and3A_58, %sub3A_60, %div3A : i32
    %broadcast_in_dim3A_61 = arith.constant 0.000000e+00 : f32
    %broadcast_in_dim3A_62 = vector.broadcast %broadcast_in_dim3A_61 : f32 to vector<16xf32>
    %scan3A_63 = arith.constant 0 : i32
    %scan3A_64 = arith.constant 2 : i32
    %scan3A_65 = arith.addi %scan3A_63, %scan3A_64 : i32
    %scan3A_66 = arith.constant 1 : i32
    scf.for %scan3A_68 = %scan3A_63 to %scan3A_65 step %scan3A_66  : i32 {
      %mul3A_69 = arith.constant 1 : i32
      %mul3A_70 = arith.muli %scan3A_68, %mul3A_69 : i32
      %add3A_71 = arith.constant 0 : i32
      %add3A_72 = arith.addi %add3A_71, %mul3A_70 : i32
      %mul3A_73 = arith.constant 10000 : i32
      %mul3A_74 = arith.muli %add3A_72, %mul3A_73 : i32
      %scan3A_75 = arith.constant 0 : i32
      %scan3A_76 = arith.constant 64 : i32
      %scan3A_77 = arith.addi %scan3A_75, %scan3A_76 : i32
      %scan3A_78 = arith.constant 1 : i32
      scf.for %scan3A_133 = %scan3A_75 to %scan3A_77 step %scan3A_78  : i32 {
        %mul3A_134 = arith.constant 1 : i32
        %mul3A_135 = arith.muli %scan3A_133, %mul3A_134 : i32
        %add3A_136 = arith.constant 0 : i32
        %add3A_137 = arith.addi %add3A_136, %mul3A_135 : i32
        %scan3A_138 = arith.constant 0 : i32
        %scan3A_139 = arith.constant 8 : i32
        %scan3A_140 = arith.addi %scan3A_138, %scan3A_139 : i32
        %scan3A_141 = arith.constant 1 : i32
        scf.for %scan3A_143 = %scan3A_138 to %scan3A_140 step %scan3A_141  : i32 {
          %mul3A_144 = arith.constant 1 : i32
          %mul3A_145 = arith.muli %scan3A_143, %mul3A_144 : i32
          %add3A_146 = arith.constant 0 : i32
          %add3A_147 = arith.addi %add3A_146, %mul3A_145 : i32
          %mul3A_148 = arith.constant 16 : i32
          %mul3A_149 = arith.muli %add3A_147, %mul3A_148 : i32
          %swap3A_150 = arith.index_cast %add3A_137 : i32 to index
          %swap3A_151 = arith.index_cast %mul3A_149 : i32 to index
          %swap3A_152 = tpu.vector_load %arg22[%swap3A_150, %swap3A_151] {strides = array<i32>} : memref<64x128xf32, #tpu.memory_space<vmem>>, vector<16xf32>,
          tpu.vector_store %arg22[%swap3A_150, %swap3A_151], %broadcast_in_dim3A_62 {strides = array<i32>} : memref<64x128xf32, #tpu.memory_space<vmem>>, vector<16xf32>,
        }
        %scan3A_142 = arith.constant 8 : i32
      }
      %scan3A_79 = arith.constant 64 : i32
      %scan3A_80 = arith.constant 0 : i32
      %scan3A_81 = arith.constant 5 : i32
      %scan3A_82 = arith.addi %scan3A_80, %scan3A_81 : i32
      %scan3A_83 = arith.constant 1 : i32
      scf.for %scan3A_133 = %scan3A_80 to %scan3A_82 step %scan3A_83  : i32 {
        %mul3A_134 = arith.constant 1 : i32
        %mul3A_135 = arith.muli %scan3A_133, %mul3A_134 : i32
        %add3A_136 = arith.constant 0 : i32
        %add3A_137 = arith.addi %add3A_136, %mul3A_135 : i32
        %mul3A_138 = arith.constant 320 : i32
        %mul3A_139 = arith.muli %arg1, %mul3A_138 : i32
        %mul3A_140 = arith.constant 64 : i32
        %mul3A_141 = arith.muli %add3A_137, %mul3A_140 : i32
        %add3A_142 = arith.addi %mul3A_139, %mul3A_141 : i32
        "tpu.region"() ({
          %run_scoped3A = tpu.sem_alloc : memref<!tpu.dma_semaphore, #tpu.memory_space<semaphore_mem>>
          %dma_start3A = arith.constant 0 : i32
          %dma_start3A_143 = tpu.memref_slice %arg27[%add3A_142, %dma_start3A] : memref<5128x128xf32, #tpu.memory_space<vmem_shared>> -> memref<64x128xf32, #tpu.memory_space<vmem_shared>>
          %dma_start3A_144 = arith.constant 0 : i32
          %dma_start3A_145 = tpu.memref_slice %arg27[%add3A_142, %dma_start3A_144] : memref<5128x128xf32, #tpu.memory_space<vmem_shared>> -> memref<64x128xf32, #tpu.memory_space<vmem_shared>>
          tpu.enqueue_dma source(%arg22 : memref<64x128xf32, #tpu.memory_space<vmem>>) target(%dma_start3A_145 : memref<64x128xf32, #tpu.memory_space<vmem_shared>>) target_semaphore(%run_scoped3A : memref<!tpu.dma_semaphore, #tpu.memory_space<semaphore_mem>>)
          %dma_wait3A = arith.constant 0 : i32
          %dma_wait3A_146 = tpu.memref_slice %arg27[%add3A_142, %dma_wait3A] : memref<5128x128xf32, #tpu.memory_space<vmem_shared>> -> memref<64x128xf32, #tpu.memory_space<vmem_shared>>
          %dma_wait3A_147 = arith.constant 0 : i32
          %dma_wait3A_148 = tpu.memref_slice %arg27[%add3A_142, %dma_wait3A_147] : memref<5128x128xf32, #tpu.memory_space<vmem_shared>> -> memref<64x128xf32, #tpu.memory_space<vmem_shared>>
          tpu.wait_dma2 semaphore(%run_scoped3A : memref<!tpu.dma_semaphore, #tpu.memory_space<semaphore_mem>>) src(%arg22 : memref<64x128xf32, #tpu.memory_space<vmem>>) dst(%dma_wait3A_148 : memref<64x128xf32, #tpu.memory_space<vmem_shared>>)
          tpu.yield
        }) : () -> ()
      }
      %scan3A_84 = arith.constant 5 : i32
      %barrier3A = arith.constant 0 : index
      tpu.barrier barrier_id(%barrier3A)
      %gt3A = arith.constant 0 : i32
      %gt3A_85 = arith.cmpi sgt, %select_n3A, %gt3A : i32
      %convert_element_type3A_86 = arith.extui %gt3A_85 : i1 to i32
      %cond3A = arith.constant 0 : i32
      %cond3A_87 = arith.cmpi ne, %convert_element_type3A_86, %cond3A : i32
      scf.if %cond3A_87 {
        %scan3A_133 = arith.constant 0 : i32
        %scan3A_134 = arith.constant 4 : i32
        %scan3A_135 = arith.addi %scan3A_133, %scan3A_134 : i32
        %scan3A_136 = arith.constant 1 : i32
        scf.for %scan3A_140 = %scan3A_133 to %scan3A_135 step %scan3A_136  : i32 {
          %mul3A_141 = arith.constant 1 : i32
          %mul3A_142 = arith.muli %scan3A_140, %mul3A_141 : i32
          %add3A_143 = arith.constant 0 : i32
          %add3A_144 = arith.addi %add3A_143, %mul3A_142 : i32
          %mul3A_145 = arith.constant 16 : i32
          %mul3A_146 = arith.muli %add3A_144, %mul3A_145 : i32
          %mul3A_147 = arith.constant 16 : i32
          %mul3A_148 = arith.muli %add3A_144, %mul3A_147 : i32
          %add3A_149 = arith.constant 0 : i32
          %add3A_150 = arith.addi %add3A_149, %mul3A_148 : i32
          %get3A_151 = arith.index_cast %add3A_150 : i32 to index
          %get3A_152 = tpu.vector_load %arg8[%get3A_151] {strides = array<i32>} : memref<10240xi32, #tpu.memory_space<vmem>>, vector<16xi32>,
          %add3A_153 = vector.broadcast %mul3A_74 : i32 to vector<16xi32>
          %add3A_154 = arith.addi %get3A_152, %add3A_153 : vector<16xi32>
          %swap3A_155 = arith.index_cast %mul3A_146 : i32 to index
          %swap3A_156 = tpu.vector_load %arg10[%swap3A_155] {strides = array<i32>} : memref<64xi32, #tpu.memory_space<vmem>>, vector<16xi32>,
          tpu.vector_store %arg10[%swap3A_155], %add3A_154 {strides = array<i32>} : memref<64xi32, #tpu.memory_space<vmem>>, vector<16xi32>,
          %mul3A_157 = arith.constant 16 : i32
          %mul3A_158 = arith.muli %add3A_144, %mul3A_157 : i32
          %add3A_159 = arith.constant 0 : i32
          %add3A_160 = arith.addi %add3A_159, %mul3A_158 : i32
          %get3A_161 = arith.index_cast %add3A_160 : i32 to index
          %get3A_162 = tpu.vector_load %arg9[%get3A_161] {strides = array<i32>} : memref<10240xi32, #tpu.memory_space<vmem>>, vector<16xi32>,
          %swap3A_163 = arith.index_cast %mul3A_146 : i32 to index
          %swap3A_164 = tpu.vector_load %arg16[%swap3A_163] {strides = array<i32>} : memref<64xi32, #tpu.memory_space<vmem>>, vector<16xi32>,
          tpu.vector_store %arg16[%swap3A_163], %get3A_162 {strides = array<i32>} : memref<64xi32, #tpu.memory_space<vmem>>, vector<16xi32>,
        }
        %scan3A_137 = arith.constant 4 : i32
        %dma_start3A = arith.constant 0 : i32
        %dma_start3A_138 = arith.constant 0 : i32
        %dma_start3A_139 = tpu.memref_slice %arg4[%dma_start3A, %dma_start3A_138] : memref<20000x128xf32, #tpu.memory_space<hbm>> -> memref<20000x128xf32, #tpu.memory_space<hbm>>
        tpu.enqueue_indirect_dma source(%dma_start3A_139 : memref<20000x128xf32, #tpu.memory_space<hbm>>) target(%arg22 : memref<64x128xf32, #tpu.memory_space<vmem>>) offsets(%arg10 : memref<64xi32, #tpu.memory_space<vmem>>) semaphore(%arg28 : memref<!tpu.dma_semaphore, #tpu.memory_space<semaphore_mem>>)
      } else {
      }
      %gt3A_88 = arith.constant 1 : i32
      %gt3A_89 = arith.cmpi sgt, %select_n3A, %gt3A_88 : i32
      %convert_element_type3A_90 = arith.extui %gt3A_89 : i1 to i32
      %cond3A_91 = arith.constant 0 : i32
      %cond3A_92 = arith.cmpi ne, %convert_element_type3A_90, %cond3A_91 : i32
      scf.if %cond3A_92 {
        %scan3A_133 = arith.constant 0 : i32
        %scan3A_134 = arith.constant 4 : i32
        %scan3A_135 = arith.addi %scan3A_133, %scan3A_134 : i32
        %scan3A_136 = arith.constant 1 : i32
        scf.for %scan3A_140 = %scan3A_133 to %scan3A_135 step %scan3A_136  : i32 {
          %mul3A_141 = arith.constant 1 : i32
          %mul3A_142 = arith.muli %scan3A_140, %mul3A_141 : i32
          %add3A_143 = arith.constant 0 : i32
          %add3A_144 = arith.addi %add3A_143, %mul3A_142 : i32
          %mul3A_145 = arith.constant 16 : i32
          %mul3A_146 = arith.muli %add3A_144, %mul3A_145 : i32
          %mul3A_147 = arith.constant 16 : i32
          %mul3A_148 = arith.muli %add3A_144, %mul3A_147 : i32
          %add3A_149 = arith.constant 64 : i32
          %add3A_150 = arith.addi %add3A_149, %mul3A_148 : i32
          %get3A_151 = arith.index_cast %add3A_150 : i32 to index
          %get3A_152 = tpu.vector_load %arg8[%get3A_151] {strides = array<i32>} : memref<10240xi32, #tpu.memory_space<vmem>>, vector<16xi32>,
          %add3A_153 = vector.broadcast %mul3A_74 : i32 to vector<16xi32>
          %add3A_154 = arith.addi %get3A_152, %add3A_153 : vector<16xi32>
          %swap3A_155 = arith.index_cast %mul3A_146 : i32 to index
          %swap3A_156 = tpu.vector_load %arg11[%swap3A_155] {strides = array<i32>} : memref<64xi32, #tpu.memory_space<vmem>>, vector<16xi32>,
          tpu.vector_store %arg11[%swap3A_155], %add3A_154 {strides = array<i32>} : memref<64xi32, #tpu.memory_space<vmem>>, vector<16xi32>,
          %mul3A_157 = arith.constant 16 : i32
          %mul3A_158 = arith.muli %add3A_144, %mul3A_157 : i32
          %add3A_159 = arith.constant 64 : i32
          %add3A_160 = arith.addi %add3A_159, %mul3A_158 : i32
          %get3A_161 = arith.index_cast %add3A_160 : i32 to index
          %get3A_162 = tpu.vector_load %arg9[%get3A_161] {strides = array<i32>} : memref<10240xi32, #tpu.memory_space<vmem>>, vector<16xi32>,
          %swap3A_163 = arith.index_cast %mul3A_146 : i32 to index
          %swap3A_164 = tpu.vector_load %arg17[%swap3A_163] {strides = array<i32>} : memref<64xi32, #tpu.memory_space<vmem>>, vector<16xi32>,
          tpu.vector_store %arg17[%swap3A_163], %get3A_162 {strides = array<i32>} : memref<64xi32, #tpu.memory_space<vmem>>, vector<16xi32>,
        }
        %scan3A_137 = arith.constant 4 : i32
        %dma_start3A = arith.constant 0 : i32
        %dma_start3A_138 = arith.constant 0 : i32
        %dma_start3A_139 = tpu.memref_slice %arg4[%dma_start3A, %dma_start3A_138] : memref<20000x128xf32, #tpu.memory_space<hbm>> -> memref<20000x128xf32, #tpu.memory_space<hbm>>
        tpu.enqueue_indirect_dma source(%dma_start3A_139 : memref<20000x128xf32, #tpu.memory_space<hbm>>) target(%arg23 : memref<64x128xf32, #tpu.memory_space<vmem>>) offsets(%arg11 : memref<64xi32, #tpu.memory_space<vmem>>) semaphore(%arg29 : memref<!tpu.dma_semaphore, #tpu.memory_space<semaphore_mem>>)
      } else {
      }
      %gt3A_93 = arith.constant 2 : i32
      %gt3A_94 = arith.cmpi sgt, %select_n3A, %gt3A_93 : i32
      %convert_element_type3A_95 = arith.extui %gt3A_94 : i1 to i32
      %cond3A_96 = arith.constant 0 : i32
      %cond3A_97 = arith.cmpi ne, %convert_element_type3A_95, %cond3A_96 : i32
      scf.if %cond3A_97 {
        %scan3A_133 = arith.constant 0 : i32
        %scan3A_134 = arith.constant 4 : i32
        %scan3A_135 = arith.addi %scan3A_133, %scan3A_134 : i32
        %scan3A_136 = arith.constant 1 : i32
        scf.for %scan3A_140 = %scan3A_133 to %scan3A_135 step %scan3A_136  : i32 {
          %mul3A_141 = arith.constant 1 : i32
          %mul3A_142 = arith.muli %scan3A_140, %mul3A_141 : i32
          %add3A_143 = arith.constant 0 : i32
          %add3A_144 = arith.addi %add3A_143, %mul3A_142 : i32
          %mul3A_145 = arith.constant 16 : i32
          %mul3A_146 = arith.muli %add3A_144, %mul3A_145 : i32
          %mul3A_147 = arith.constant 16 : i32
          %mul3A_148 = arith.muli %add3A_144, %mul3A_147 : i32
          %add3A_149 = arith.constant 128 : i32
          %add3A_150 = arith.addi %add3A_149, %mul3A_148 : i32
          %get3A_151 = arith.index_cast %add3A_150 : i32 to index
          %get3A_152 = tpu.vector_load %arg8[%get3A_151] {strides = array<i32>} : memref<10240xi32, #tpu.memory_space<vmem>>, vector<16xi32>,
          %add3A_153 = vector.broadcast %mul3A_74 : i32 to vector<16xi32>
          %add3A_154 = arith.addi %get3A_152, %add3A_153 : vector<16xi32>
          %swap3A_155 = arith.index_cast %mul3A_146 : i32 to index
          %swap3A_156 = tpu.vector_load %arg12[%swap3A_155] {strides = array<i32>} : memref<64xi32, #tpu.memory_space<vmem>>, vector<16xi32>,
          tpu.vector_store %arg12[%swap3A_155], %add3A_154 {strides = array<i32>} : memref<64xi32, #tpu.memory_space<vmem>>, vector<16xi32>,
          %mul3A_157 = arith.constant 16 : i32
          %mul3A_158 = arith.muli %add3A_144, %mul3A_157 : i32
          %add3A_159 = arith.constant 128 : i32
          %add3A_160 = arith.addi %add3A_159, %mul3A_158 : i32
          %get3A_161 = arith.index_cast %add3A_160 : i32 to index
          %get3A_162 = tpu.vector_load %arg9[%get3A_161] {strides = array<i32>} : memref<10240xi32, #tpu.memory_space<vmem>>, vector<16xi32>,
          %swap3A_163 = arith.index_cast %mul3A_146 : i32 to index
          %swap3A_164 = tpu.vector_load %arg18[%swap3A_163] {strides = array<i32>} : memref<64xi32, #tpu.memory_space<vmem>>, vector<16xi32>,
          tpu.vector_store %arg18[%swap3A_163], %get3A_162 {strides = array<i32>} : memref<64xi32, #tpu.memory_space<vmem>>, vector<16xi32>,
        }
        %scan3A_137 = arith.constant 4 : i32
        %dma_start3A = arith.constant 0 : i32
        %dma_start3A_138 = arith.constant 0 : i32
        %dma_start3A_139 = tpu.memref_slice %arg4[%dma_start3A, %dma_start3A_138] : memref<20000x128xf32, #tpu.memory_space<hbm>> -> memref<20000x128xf32, #tpu.memory_space<hbm>>
        tpu.enqueue_indirect_dma source(%dma_start3A_139 : memref<20000x128xf32, #tpu.memory_space<hbm>>) target(%arg24 : memref<64x128xf32, #tpu.memory_space<vmem>>) offsets(%arg12 : memref<64xi32, #tpu.memory_space<vmem>>) semaphore(%arg30 : memref<!tpu.dma_semaphore, #tpu.memory_space<semaphore_mem>>)
      } else {
      }
      %gt3A_98 = arith.constant 3 : i32
      %gt3A_99 = arith.cmpi sgt, %select_n3A, %gt3A_98 : i32
      %convert_element_type3A_100 = arith.extui %gt3A_99 : i1 to i32
      %cond3A_101 = arith.constant 0 : i32
      %cond3A_102 = arith.cmpi ne, %convert_element_type3A_100, %cond3A_101 : i32
      scf.if %cond3A_102 {
        %scan3A_133 = arith.constant 0 : i32
        %scan3A_134 = arith.constant 4 : i32
        %scan3A_135 = arith.addi %scan3A_133, %scan3A_134 : i32
        %scan3A_136 = arith.constant 1 : i32
        scf.for %scan3A_140 = %scan3A_133 to %scan3A_135 step %scan3A_136  : i32 {
          %mul3A_141 = arith.constant 1 : i32
          %mul3A_142 = arith.muli %scan3A_140, %mul3A_141 : i32
          %add3A_143 = arith.constant 0 : i32
          %add3A_144 = arith.addi %add3A_143, %mul3A_142 : i32
          %mul3A_145 = arith.constant 16 : i32
          %mul3A_146 = arith.muli %add3A_144, %mul3A_145 : i32
          %mul3A_147 = arith.constant 16 : i32
          %mul3A_148 = arith.muli %add3A_144, %mul3A_147 : i32
          %add3A_149 = arith.constant 192 : i32
          %add3A_150 = arith.addi %add3A_149, %mul3A_148 : i32
          %get3A_151 = arith.index_cast %add3A_150 : i32 to index
          %get3A_152 = tpu.vector_load %arg8[%get3A_151] {strides = array<i32>} : memref<10240xi32, #tpu.memory_space<vmem>>, vector<16xi32>,
          %add3A_153 = vector.broadcast %mul3A_74 : i32 to vector<16xi32>
          %add3A_154 = arith.addi %get3A_152, %add3A_153 : vector<16xi32>
          %swap3A_155 = arith.index_cast %mul3A_146 : i32 to index
          %swap3A_156 = tpu.vector_load %arg13[%swap3A_155] {strides = array<i32>} : memref<64xi32, #tpu.memory_space<vmem>>, vector<16xi32>,
          tpu.vector_store %arg13[%swap3A_155], %add3A_154 {strides = array<i32>} : memref<64xi32, #tpu.memory_space<vmem>>, vector<16xi32>,
          %mul3A_157 = arith.constant 16 : i32
          %mul3A_158 = arith.muli %add3A_144, %mul3A_157 : i32
          %add3A_159 = arith.constant 192 : i32
          %add3A_160 = arith.addi %add3A_159, %mul3A_158 : i32
          %get3A_161 = arith.index_cast %add3A_160 : i32 to index
          %get3A_162 = tpu.vector_load %arg9[%get3A_161] {strides = array<i32>} : memref<10240xi32, #tpu.memory_space<vmem>>, vector<16xi32>,
          %swap3A_163 = arith.index_cast %mul3A_146 : i32 to index
          %swap3A_164 = tpu.vector_load %arg19[%swap3A_163] {strides = array<i32>} : memref<64xi32, #tpu.memory_space<vmem>>, vector<16xi32>,
          tpu.vector_store %arg19[%swap3A_163], %get3A_162 {strides = array<i32>} : memref<64xi32, #tpu.memory_space<vmem>>, vector<16xi32>,
        }
        %scan3A_137 = arith.constant 4 : i32
        %dma_start3A = arith.constant 0 : i32
        %dma_start3A_138 = arith.constant 0 : i32
        %dma_start3A_139 = tpu.memref_slice %arg4[%dma_start3A, %dma_start3A_138] : memref<20000x128xf32, #tpu.memory_space<hbm>> -> memref<20000x128xf32, #tpu.memory_space<hbm>>
        tpu.enqueue_indirect_dma source(%dma_start3A_139 : memref<20000x128xf32, #tpu.memory_space<hbm>>) target(%arg25 : memref<64x128xf32, #tpu.memory_space<vmem>>) offsets(%arg13 : memref<64xi32, #tpu.memory_space<vmem>>) semaphore(%arg31 : memref<!tpu.dma_semaphore, #tpu.memory_space<semaphore_mem>>)
      } else {
      }
      %gt3A_103 = arith.constant 4 : i32
      %gt3A_104 = arith.cmpi sgt, %select_n3A, %gt3A_103 : i32
      %convert_element_type3A_105 = arith.extui %gt3A_104 : i1 to i32
      %cond3A_106 = arith.constant 0 : i32
      %cond3A_107 = arith.cmpi ne, %convert_element_type3A_105, %cond3A_106 : i32
      scf.if %cond3A_107 {
        %scan3A_133 = arith.constant 0 : i32
        %scan3A_134 = arith.constant 4 : i32
        %scan3A_135 = arith.addi %scan3A_133, %scan3A_134 : i32
        %scan3A_136 = arith.constant 1 : i32
        scf.for %scan3A_140 = %scan3A_133 to %scan3A_135 step %scan3A_136  : i32 {
          %mul3A_141 = arith.constant 1 : i32
          %mul3A_142 = arith.muli %scan3A_140, %mul3A_141 : i32
          %add3A_143 = arith.constant 0 : i32
          %add3A_144 = arith.addi %add3A_143, %mul3A_142 : i32
          %mul3A_145 = arith.constant 16 : i32
          %mul3A_146 = arith.muli %add3A_144, %mul3A_145 : i32
          %mul3A_147 = arith.constant 16 : i32
          %mul3A_148 = arith.muli %add3A_144, %mul3A_147 : i32
          %add3A_149 = arith.constant 256 : i32
          %add3A_150 = arith.addi %add3A_149, %mul3A_148 : i32
          %get3A_151 = arith.index_cast %add3A_150 : i32 to index
          %get3A_152 = tpu.vector_load %arg8[%get3A_151] {strides = array<i32>} : memref<10240xi32, #tpu.memory_space<vmem>>, vector<16xi32>,
          %add3A_153 = vector.broadcast %mul3A_74 : i32 to vector<16xi32>
          %add3A_154 = arith.addi %get3A_152, %add3A_153 : vector<16xi32>
          %swap3A_155 = arith.index_cast %mul3A_146 : i32 to index
          %swap3A_156 = tpu.vector_load %arg14[%swap3A_155] {strides = array<i32>} : memref<64xi32, #tpu.memory_space<vmem>>, vector<16xi32>,
          tpu.vector_store %arg14[%swap3A_155], %add3A_154 {strides = array<i32>} : memref<64xi32, #tpu.memory_space<vmem>>, vector<16xi32>,
          %mul3A_157 = arith.constant 16 : i32
          %mul3A_158 = arith.muli %add3A_144, %mul3A_157 : i32
          %add3A_159 = arith.constant 256 : i32
          %add3A_160 = arith.addi %add3A_159, %mul3A_158 : i32
          %get3A_161 = arith.index_cast %add3A_160 : i32 to index
          %get3A_162 = tpu.vector_load %arg9[%get3A_161] {strides = array<i32>} : memref<10240xi32, #tpu.memory_space<vmem>>, vector<16xi32>,
          %swap3A_163 = arith.index_cast %mul3A_146 : i32 to index
          %swap3A_164 = tpu.vector_load %arg20[%swap3A_163] {strides = array<i32>} : memref<64xi32, #tpu.memory_space<vmem>>, vector<16xi32>,
          tpu.vector_store %arg20[%swap3A_163], %get3A_162 {strides = array<i32>} : memref<64xi32, #tpu.memory_space<vmem>>, vector<16xi32>,
        }
        %scan3A_137 = arith.constant 4 : i32
        %dma_start3A = arith.constant 0 : i32
        %dma_start3A_138 = arith.constant 0 : i32
        %dma_start3A_139 = tpu.memref_slice %arg4[%dma_start3A, %dma_start3A_138] : memref<20000x128xf32, #tpu.memory_space<hbm>> -> memref<20000x128xf32, #tpu.memory_space<hbm>>
        tpu.enqueue_indirect_dma source(%dma_start3A_139 : memref<20000x128xf32, #tpu.memory_space<hbm>>) target(%arg26 : memref<64x128xf32, #tpu.memory_space<vmem>>) offsets(%arg14 : memref<64xi32, #tpu.memory_space<vmem>>) semaphore(%arg32 : memref<!tpu.dma_semaphore, #tpu.memory_space<semaphore_mem>>)
      } else {
      }
      %sub3A_108 = arith.constant 0 : i32
      %sub3A_109 = arith.subi %select_n3A, %sub3A_108 : i32
      %sub3A_110 = arith.constant 5 : i32
      %sub3A_111 = arith.constant 1 : i32
      %sub3A_112 = arith.subi %sub3A_110, %sub3A_111 : i32
      %add3A_113 = arith.addi %sub3A_109, %sub3A_112 : i32
      %div3A_114 = arith.constant 5 : i32
      %div3A_115 = arith.divsi %add3A_113, %div3A_114 : i32
      %while3A = arith.constant 5 : i32
      %while3A_116 = arith.constant 0 : i32
      %while3A_117 = arith.constant 0 : i32
      %while3A_118 = arith.subi %div3A_115, %while3A_117 : i32
      %while3A_119 = arith.addi %while3A_117, %while3A_118 : i32
      %while3A_120 = arith.constant 1 : i32
      %while3A_121 = arith.divsi %while3A_118, %while3A_120 : i32
      %while3A_122 = arith.muli %while3A_121, %while3A_120 : i32
      %while3A_123 = arith.addi %while3A_117, %while3A_122 : i32
      %while3A_124 = arith.constant 1 : i32
      scf.for %while3A_133 = %while3A_117 to %while3A_123 step %while3A_124  : i32 {
        %mul3A_134 = arith.muli %while3A_133, %while3A : i32
        %add3A_135 = arith.addi %while3A_116, %mul3A_134 : i32
        %add3A_136 = arith.constant 0 : i32
        %add3A_137 = arith.addi %add3A_135, %add3A_136 : i32
        %lt3A_138 = arith.cmpi slt, %add3A_137, %select_n3A : i32
        %convert_element_type3A_139 = arith.extui %lt3A_138 : i1 to i32
        %cond3A_140 = arith.constant 0 : i32
        %cond3A_141 = arith.cmpi ne, %convert_element_type3A_139, %cond3A_140 : i32
        scf.if %cond3A_141 {
          %dma_wait3A = arith.constant 0 : i32
          %dma_wait3A_166 = arith.constant 0 : i32
          %dma_wait3A_167 = tpu.memref_slice %arg4[%dma_wait3A, %dma_wait3A_166] : memref<20000x128xf32, #tpu.memory_space<hbm>> -> memref<20000x128xf32, #tpu.memory_space<hbm>>
          tpu.wait_indirect_dma semaphore(%arg28 : memref<!tpu.dma_semaphore, #tpu.memory_space<semaphore_mem>>) src(%dma_wait3A_167 : memref<20000x128xf32, #tpu.memory_space<hbm>>) dst(%arg22 : memref<64x128xf32, #tpu.memory_space<vmem>>)
          "tpu.region"() ({
            %run_scoped3A = tpu.sem_alloc : memref<!tpu.dma_semaphore, #tpu.memory_space<semaphore_mem>>
            %dma_start3A = arith.constant 0 : i32
            %dma_start3A_176 = arith.constant 0 : i32
            %dma_start3A_177 = tpu.memref_slice %arg27[%dma_start3A, %dma_start3A_176] : memref<5128x128xf32, #tpu.memory_space<vmem_shared>> -> memref<5128x128xf32, #tpu.memory_space<vmem_shared>>
            tpu.enqueue_indirect_dma source(%arg22 : memref<64x128xf32, #tpu.memory_space<vmem>>) target(%dma_start3A_177 : memref<5128x128xf32, #tpu.memory_space<vmem_shared>>) offsets(%arg16 : memref<64xi32, #tpu.memory_space<vmem>>) semaphore(%run_scoped3A : memref<!tpu.dma_semaphore, #tpu.memory_space<semaphore_mem>>) {add = true}
            %dma_wait3A_178 = arith.constant 0 : i32
            %dma_wait3A_179 = arith.constant 0 : i32
            %dma_wait3A_180 = tpu.memref_slice %arg27[%dma_wait3A_178, %dma_wait3A_179] : memref<5128x128xf32, #tpu.memory_space<vmem_shared>> -> memref<5128x128xf32, #tpu.memory_space<vmem_shared>>
            tpu.wait_indirect_dma semaphore(%run_scoped3A : memref<!tpu.dma_semaphore, #tpu.memory_space<semaphore_mem>>) src(%arg22 : memref<64x128xf32, #tpu.memory_space<vmem>>) dst(%dma_wait3A_180 : memref<5128x128xf32, #tpu.memory_space<vmem_shared>>)
            tpu.yield
          }) : () -> ()
          %add3A_168 = arith.constant 0 : i32
          %add3A_169 = arith.addi %add3A_135, %add3A_168 : i32
          %add3A_170 = arith.constant 5 : i32
          %add3A_171 = arith.addi %add3A_169, %add3A_170 : i32
          %lt3A_172 = arith.cmpi slt, %add3A_171, %select_n3A : i32
          %convert_element_type3A_173 = arith.extui %lt3A_172 : i1 to i32
          %cond3A_174 = arith.constant 0 : i32
          %cond3A_175 = arith.cmpi ne, %convert_element_type3A_173, %cond3A_174 : i32
          scf.if %cond3A_175 {
            %add3A_176 = arith.constant 0 : i32
            %add3A_177 = arith.addi %add3A_135, %add3A_176 : i32
            %add3A_178 = arith.constant 5 : i32
            %add3A_179 = arith.addi %add3A_177, %add3A_178 : i32
            %scan3A_180 = arith.constant 0 : i32
            %scan3A_181 = arith.constant 4 : i32
            %scan3A_182 = arith.addi %scan3A_180, %scan3A_181 : i32
            %scan3A_183 = arith.constant 1 : i32
            scf.for %scan3A_187 = %scan3A_180 to %scan3A_182 step %scan3A_183  : i32 {
              %mul3A_188 = arith.constant 1 : i32
              %mul3A_189 = arith.muli %scan3A_187, %mul3A_188 : i32
              %add3A_190 = arith.constant 0 : i32
              %add3A_191 = arith.addi %add3A_190, %mul3A_189 : i32
              %mul3A_192 = arith.constant 16 : i32
              %mul3A_193 = arith.muli %add3A_191, %mul3A_192 : i32
              %mul3A_194 = arith.constant 64 : i32
              %mul3A_195 = arith.muli %add3A_179, %mul3A_194 : i32
              %mul3A_196 = arith.constant 16 : i32
              %mul3A_197 = arith.muli %add3A_191, %mul3A_196 : i32
              %add3A_198 = arith.addi %mul3A_195, %mul3A_197 : i32
              %get3A_199 = arith.index_cast %add3A_198 : i32 to index
              %get3A_200 = tpu.vector_load %arg8[%get3A_199] {strides = array<i32>} : memref<10240xi32, #tpu.memory_space<vmem>>, vector<16xi32>,
              %add3A_201 = vector.broadcast %mul3A_74 : i32 to vector<16xi32>
              %add3A_202 = arith.addi %get3A_200, %add3A_201 : vector<16xi32>
              %swap3A_203 = arith.index_cast %mul3A_193 : i32 to index
              %swap3A_204 = tpu.vector_load %arg10[%swap3A_203] {strides = array<i32>} : memref<64xi32, #tpu.memory_space<vmem>>, vector<16xi32>,
              tpu.vector_store %arg10[%swap3A_203], %add3A_202 {strides = array<i32>} : memref<64xi32, #tpu.memory_space<vmem>>, vector<16xi32>,
              %mul3A_205 = arith.constant 64 : i32
              %mul3A_206 = arith.muli %add3A_179, %mul3A_205 : i32
              %mul3A_207 = arith.constant 16 : i32
              %mul3A_208 = arith.muli %add3A_191, %mul3A_207 : i32
              %add3A_209 = arith.addi %mul3A_206, %mul3A_208 : i32
              %get3A_210 = arith.index_cast %add3A_209 : i32 to index
              %get3A_211 = tpu.vector_load %arg9[%get3A_210] {strides = array<i32>} : memref<10240xi32, #tpu.memory_space<vmem>>, vector<16xi32>,
              %swap3A_212 = arith.index_cast %mul3A_193 : i32 to index
              %swap3A_213 = tpu.vector_load %arg16[%swap3A_212] {strides = array<i32>} : memref<64xi32, #tpu.memory_space<vmem>>, vector<16xi32>,
              tpu.vector_store %arg16[%swap3A_212], %get3A_211 {strides = array<i32>} : memref<64xi32, #tpu.memory_space<vmem>>, vector<16xi32>,
            }
            %scan3A_184 = arith.constant 4 : i32
            %dma_start3A = arith.constant 0 : i32
            %dma_start3A_185 = arith.constant 0 : i32
            %dma_start3A_186 = tpu.memref_slice %arg4[%dma_start3A, %dma_start3A_185] : memref<20000x128xf32, #tpu.memory_space<hbm>> -> memref<20000x128xf32, #tpu.memory_space<hbm>>
            tpu.enqueue_indirect_dma source(%dma_start3A_186 : memref<20000x128xf32, #tpu.memory_space<hbm>>) target(%arg22 : memref<64x128xf32, #tpu.memory_space<vmem>>) offsets(%arg10 : memref<64xi32, #tpu.memory_space<vmem>>) semaphore(%arg28 : memref<!tpu.dma_semaphore, #tpu.memory_space<semaphore_mem>>)
          } else {
          }
        } else {
        }
        %add3A_142 = arith.constant 1 : i32
        %add3A_143 = arith.addi %add3A_135, %add3A_142 : i32
        %lt3A_144 = arith.cmpi slt, %add3A_143, %select_n3A : i32
        %convert_element_type3A_145 = arith.extui %lt3A_144 : i1 to i32
        %cond3A_146 = arith.constant 0 : i32
        %cond3A_147 = arith.cmpi ne, %convert_element_type3A_145, %cond3A_146 : i32
        scf.if %cond3A_147 {
          %dma_wait3A = arith.constant 0 : i32
          %dma_wait3A_166 = arith.constant 0 : i32
          %dma_wait3A_167 = tpu.memref_slice %arg4[%dma_wait3A, %dma_wait3A_166] : memref<20000x128xf32, #tpu.memory_space<hbm>> -> memref<20000x128xf32, #tpu.memory_space<hbm>>
          tpu.wait_indirect_dma semaphore(%arg29 : memref<!tpu.dma_semaphore, #tpu.memory_space<semaphore_mem>>) src(%dma_wait3A_167 : memref<20000x128xf32, #tpu.memory_space<hbm>>) dst(%arg23 : memref<64x128xf32, #tpu.memory_space<vmem>>)
          "tpu.region"() ({
            %run_scoped3A = tpu.sem_alloc : memref<!tpu.dma_semaphore, #tpu.memory_space<semaphore_mem>>
            %dma_start3A = arith.constant 0 : i32
            %dma_start3A_176 = arith.constant 0 : i32
            %dma_start3A_177 = tpu.memref_slice %arg27[%dma_start3A, %dma_start3A_176] : memref<5128x128xf32, #tpu.memory_space<vmem_shared>> -> memref<5128x128xf32, #tpu.memory_space<vmem_shared>>
            tpu.enqueue_indirect_dma source(%arg23 : memref<64x128xf32, #tpu.memory_space<vmem>>) target(%dma_start3A_177 : memref<5128x128xf32, #tpu.memory_space<vmem_shared>>) offsets(%arg17 : memref<64xi32, #tpu.memory_space<vmem>>) semaphore(%run_scoped3A : memref<!tpu.dma_semaphore, #tpu.memory_space<semaphore_mem>>) {add = true}
            %dma_wait3A_178 = arith.constant 0 : i32
            %dma_wait3A_179 = arith.constant 0 : i32
            %dma_wait3A_180 = tpu.memref_slice %arg27[%dma_wait3A_178, %dma_wait3A_179] : memref<5128x128xf32, #tpu.memory_space<vmem_shared>> -> memref<5128x128xf32, #tpu.memory_space<vmem_shared>>
            tpu.wait_indirect_dma semaphore(%run_scoped3A : memref<!tpu.dma_semaphore, #tpu.memory_space<semaphore_mem>>) src(%arg23 : memref<64x128xf32, #tpu.memory_space<vmem>>) dst(%dma_wait3A_180 : memref<5128x128xf32, #tpu.memory_space<vmem_shared>>)
            tpu.yield
          }) : () -> ()
          %add3A_168 = arith.constant 1 : i32
          %add3A_169 = arith.addi %add3A_135, %add3A_168 : i32
          %add3A_170 = arith.constant 5 : i32
          %add3A_171 = arith.addi %add3A_169, %add3A_170 : i32
          %lt3A_172 = arith.cmpi slt, %add3A_171, %select_n3A : i32
          %convert_element_type3A_173 = arith.extui %lt3A_172 : i1 to i32
          %cond3A_174 = arith.constant 0 : i32
          %cond3A_175 = arith.cmpi ne, %convert_element_type3A_173, %cond3A_174 : i32
          scf.if %cond3A_175 {
            %add3A_176 = arith.constant 1 : i32
            %add3A_177 = arith.addi %add3A_135, %add3A_176 : i32
            %add3A_178 = arith.constant 5 : i32
            %add3A_179 = arith.addi %add3A_177, %add3A_178 : i32
            %scan3A_180 = arith.constant 0 : i32
            %scan3A_181 = arith.constant 4 : i32
            %scan3A_182 = arith.addi %scan3A_180, %scan3A_181 : i32
            %scan3A_183 = arith.constant 1 : i32
            scf.for %scan3A_187 = %scan3A_180 to %scan3A_182 step %scan3A_183  : i32 {
              %mul3A_188 = arith.constant 1 : i32
              %mul3A_189 = arith.muli %scan3A_187, %mul3A_188 : i32
              %add3A_190 = arith.constant 0 : i32
              %add3A_191 = arith.addi %add3A_190, %mul3A_189 : i32
              %mul3A_192 = arith.constant 16 : i32
              %mul3A_193 = arith.muli %add3A_191, %mul3A_192 : i32
              %mul3A_194 = arith.constant 64 : i32
              %mul3A_195 = arith.muli %add3A_179, %mul3A_194 : i32
              %mul3A_196 = arith.constant 16 : i32
              %mul3A_197 = arith.muli %add3A_191, %mul3A_196 : i32
              %add3A_198 = arith.addi %mul3A_195, %mul3A_197 : i32
              %get3A_199 = arith.index_cast %add3A_198 : i32 to index
              %get3A_200 = tpu.vector_load %arg8[%get3A_199] {strides = array<i32>} : memref<10240xi32, #tpu.memory_space<vmem>>, vector<16xi32>,
              %add3A_201 = vector.broadcast %mul3A_74 : i32 to vector<16xi32>
              %add3A_202 = arith.addi %get3A_200, %add3A_201 : vector<16xi32>
              %swap3A_203 = arith.index_cast %mul3A_193 : i32 to index
              %swap3A_204 = tpu.vector_load %arg11[%swap3A_203] {strides = array<i32>} : memref<64xi32, #tpu.memory_space<vmem>>, vector<16xi32>,
              tpu.vector_store %arg11[%swap3A_203], %add3A_202 {strides = array<i32>} : memref<64xi32, #tpu.memory_space<vmem>>, vector<16xi32>,
              %mul3A_205 = arith.constant 64 : i32
              %mul3A_206 = arith.muli %add3A_179, %mul3A_205 : i32
              %mul3A_207 = arith.constant 16 : i32
              %mul3A_208 = arith.muli %add3A_191, %mul3A_207 : i32
              %add3A_209 = arith.addi %mul3A_206, %mul3A_208 : i32
              %get3A_210 = arith.index_cast %add3A_209 : i32 to index
              %get3A_211 = tpu.vector_load %arg9[%get3A_210] {strides = array<i32>} : memref<10240xi32, #tpu.memory_space<vmem>>, vector<16xi32>,
              %swap3A_212 = arith.index_cast %mul3A_193 : i32 to index
              %swap3A_213 = tpu.vector_load %arg17[%swap3A_212] {strides = array<i32>} : memref<64xi32, #tpu.memory_space<vmem>>, vector<16xi32>,
              tpu.vector_store %arg17[%swap3A_212], %get3A_211 {strides = array<i32>} : memref<64xi32, #tpu.memory_space<vmem>>, vector<16xi32>,
            }
            %scan3A_184 = arith.constant 4 : i32
            %dma_start3A = arith.constant 0 : i32
            %dma_start3A_185 = arith.constant 0 : i32
            %dma_start3A_186 = tpu.memref_slice %arg4[%dma_start3A, %dma_start3A_185] : memref<20000x128xf32, #tpu.memory_space<hbm>> -> memref<20000x128xf32, #tpu.memory_space<hbm>>
            tpu.enqueue_indirect_dma source(%dma_start3A_186 : memref<20000x128xf32, #tpu.memory_space<hbm>>) target(%arg23 : memref<64x128xf32, #tpu.memory_space<vmem>>) offsets(%arg11 : memref<64xi32, #tpu.memory_space<vmem>>) semaphore(%arg29 : memref<!tpu.dma_semaphore, #tpu.memory_space<semaphore_mem>>)
          } else {
          }
        } else {
        }
        %add3A_148 = arith.constant 2 : i32
        %add3A_149 = arith.addi %add3A_135, %add3A_148 : i32
        %lt3A_150 = arith.cmpi slt, %add3A_149, %select_n3A : i32
        %convert_element_type3A_151 = arith.extui %lt3A_150 : i1 to i32
        %cond3A_152 = arith.constant 0 : i32
        %cond3A_153 = arith.cmpi ne, %convert_element_type3A_151, %cond3A_152 : i32
        scf.if %cond3A_153 {
          %dma_wait3A = arith.constant 0 : i32
          %dma_wait3A_166 = arith.constant 0 : i32
          %dma_wait3A_167 = tpu.memref_slice %arg4[%dma_wait3A, %dma_wait3A_166] : memref<20000x128xf32, #tpu.memory_space<hbm>> -> memref<20000x128xf32, #tpu.memory_space<hbm>>
          tpu.wait_indirect_dma semaphore(%arg30 : memref<!tpu.dma_semaphore, #tpu.memory_space<semaphore_mem>>) src(%dma_wait3A_167 : memref<20000x128xf32, #tpu.memory_space<hbm>>) dst(%arg24 : memref<64x128xf32, #tpu.memory_space<vmem>>)
          "tpu.region"() ({
            %run_scoped3A = tpu.sem_alloc : memref<!tpu.dma_semaphore, #tpu.memory_space<semaphore_mem>>
            %dma_start3A = arith.constant 0 : i32
            %dma_start3A_176 = arith.constant 0 : i32
            %dma_start3A_177 = tpu.memref_slice %arg27[%dma_start3A, %dma_start3A_176] : memref<5128x128xf32, #tpu.memory_space<vmem_shared>> -> memref<5128x128xf32, #tpu.memory_space<vmem_shared>>
            tpu.enqueue_indirect_dma source(%arg24 : memref<64x128xf32, #tpu.memory_space<vmem>>) target(%dma_start3A_177 : memref<5128x128xf32, #tpu.memory_space<vmem_shared>>) offsets(%arg18 : memref<64xi32, #tpu.memory_space<vmem>>) semaphore(%run_scoped3A : memref<!tpu.dma_semaphore, #tpu.memory_space<semaphore_mem>>) {add = true}
            %dma_wait3A_178 = arith.constant 0 : i32
            %dma_wait3A_179 = arith.constant 0 : i32
            %dma_wait3A_180 = tpu.memref_slice %arg27[%dma_wait3A_178, %dma_wait3A_179] : memref<5128x128xf32, #tpu.memory_space<vmem_shared>> -> memref<5128x128xf32, #tpu.memory_space<vmem_shared>>
            tpu.wait_indirect_dma semaphore(%run_scoped3A : memref<!tpu.dma_semaphore, #tpu.memory_space<semaphore_mem>>) src(%arg24 : memref<64x128xf32, #tpu.memory_space<vmem>>) dst(%dma_wait3A_180 : memref<5128x128xf32, #tpu.memory_space<vmem_shared>>)
            tpu.yield
          }) : () -> ()
          %add3A_168 = arith.constant 2 : i32
          %add3A_169 = arith.addi %add3A_135, %add3A_168 : i32
          %add3A_170 = arith.constant 5 : i32
          %add3A_171 = arith.addi %add3A_169, %add3A_170 : i32
          %lt3A_172 = arith.cmpi slt, %add3A_171, %select_n3A : i32
          %convert_element_type3A_173 = arith.extui %lt3A_172 : i1 to i32
          %cond3A_174 = arith.constant 0 : i32
          %cond3A_175 = arith.cmpi ne, %convert_element_type3A_173, %cond3A_174 : i32
          scf.if %cond3A_175 {
            %add3A_176 = arith.constant 2 : i32
            %add3A_177 = arith.addi %add3A_135, %add3A_176 : i32
            %add3A_178 = arith.constant 5 : i32
            %add3A_179 = arith.addi %add3A_177, %add3A_178 : i32
            %scan3A_180 = arith.constant 0 : i32
            %scan3A_181 = arith.constant 4 : i32
            %scan3A_182 = arith.addi %scan3A_180, %scan3A_181 : i32
            %scan3A_183 = arith.constant 1 : i32
            scf.for %scan3A_187 = %scan3A_180 to %scan3A_182 step %scan3A_183  : i32 {
              %mul3A_188 = arith.constant 1 : i32
              %mul3A_189 = arith.muli %scan3A_187, %mul3A_188 : i32
              %add3A_190 = arith.constant 0 : i32
              %add3A_191 = arith.addi %add3A_190, %mul3A_189 : i32
              %mul3A_192 = arith.constant 16 : i32
              %mul3A_193 = arith.muli %add3A_191, %mul3A_192 : i32
              %mul3A_194 = arith.constant 64 : i32
              %mul3A_195 = arith.muli %add3A_179, %mul3A_194 : i32
              %mul3A_196 = arith.constant 16 : i32
              %mul3A_197 = arith.muli %add3A_191, %mul3A_196 : i32
              %add3A_198 = arith.addi %mul3A_195, %mul3A_197 : i32
              %get3A_199 = arith.index_cast %add3A_198 : i32 to index
              %get3A_200 = tpu.vector_load %arg8[%get3A_199] {strides = array<i32>} : memref<10240xi32, #tpu.memory_space<vmem>>, vector<16xi32>,
              %add3A_201 = vector.broadcast %mul3A_74 : i32 to vector<16xi32>
              %add3A_202 = arith.addi %get3A_200, %add3A_201 : vector<16xi32>
              %swap3A_203 = arith.index_cast %mul3A_193 : i32 to index
              %swap3A_204 = tpu.vector_load %arg12[%swap3A_203] {strides = array<i32>} : memref<64xi32, #tpu.memory_space<vmem>>, vector<16xi32>,
              tpu.vector_store %arg12[%swap3A_203], %add3A_202 {strides = array<i32>} : memref<64xi32, #tpu.memory_space<vmem>>, vector<16xi32>,
              %mul3A_205 = arith.constant 64 : i32
              %mul3A_206 = arith.muli %add3A_179, %mul3A_205 : i32
              %mul3A_207 = arith.constant 16 : i32
              %mul3A_208 = arith.muli %add3A_191, %mul3A_207 : i32
              %add3A_209 = arith.addi %mul3A_206, %mul3A_208 : i32
              %get3A_210 = arith.index_cast %add3A_209 : i32 to index
              %get3A_211 = tpu.vector_load %arg9[%get3A_210] {strides = array<i32>} : memref<10240xi32, #tpu.memory_space<vmem>>, vector<16xi32>,
              %swap3A_212 = arith.index_cast %mul3A_193 : i32 to index
              %swap3A_213 = tpu.vector_load %arg18[%swap3A_212] {strides = array<i32>} : memref<64xi32, #tpu.memory_space<vmem>>, vector<16xi32>,
              tpu.vector_store %arg18[%swap3A_212], %get3A_211 {strides = array<i32>} : memref<64xi32, #tpu.memory_space<vmem>>, vector<16xi32>,
            }
            %scan3A_184 = arith.constant 4 : i32
            %dma_start3A = arith.constant 0 : i32
            %dma_start3A_185 = arith.constant 0 : i32
            %dma_start3A_186 = tpu.memref_slice %arg4[%dma_start3A, %dma_start3A_185] : memref<20000x128xf32, #tpu.memory_space<hbm>> -> memref<20000x128xf32, #tpu.memory_space<hbm>>
            tpu.enqueue_indirect_dma source(%dma_start3A_186 : memref<20000x128xf32, #tpu.memory_space<hbm>>) target(%arg24 : memref<64x128xf32, #tpu.memory_space<vmem>>) offsets(%arg12 : memref<64xi32, #tpu.memory_space<vmem>>) semaphore(%arg30 : memref<!tpu.dma_semaphore, #tpu.memory_space<semaphore_mem>>)
          } else {
          }
        } else {
        }
        %add3A_154 = arith.constant 3 : i32
        %add3A_155 = arith.addi %add3A_135, %add3A_154 : i32
        %lt3A_156 = arith.cmpi slt, %add3A_155, %select_n3A : i32
        %convert_element_type3A_157 = arith.extui %lt3A_156 : i1 to i32
        %cond3A_158 = arith.constant 0 : i32
        %cond3A_159 = arith.cmpi ne, %convert_element_type3A_157, %cond3A_158 : i32
        scf.if %cond3A_159 {
          %dma_wait3A = arith.constant 0 : i32
          %dma_wait3A_166 = arith.constant 0 : i32
          %dma_wait3A_167 = tpu.memref_slice %arg4[%dma_wait3A, %dma_wait3A_166] : memref<20000x128xf32, #tpu.memory_space<hbm>> -> memref<20000x128xf32, #tpu.memory_space<hbm>>
          tpu.wait_indirect_dma semaphore(%arg31 : memref<!tpu.dma_semaphore, #tpu.memory_space<semaphore_mem>>) src(%dma_wait3A_167 : memref<20000x128xf32, #tpu.memory_space<hbm>>) dst(%arg25 : memref<64x128xf32, #tpu.memory_space<vmem>>)
          "tpu.region"() ({
            %run_scoped3A = tpu.sem_alloc : memref<!tpu.dma_semaphore, #tpu.memory_space<semaphore_mem>>
            %dma_start3A = arith.constant 0 : i32
            %dma_start3A_176 = arith.constant 0 : i32
            %dma_start3A_177 = tpu.memref_slice %arg27[%dma_start3A, %dma_start3A_176] : memref<5128x128xf32, #tpu.memory_space<vmem_shared>> -> memref<5128x128xf32, #tpu.memory_space<vmem_shared>>
            tpu.enqueue_indirect_dma source(%arg25 : memref<64x128xf32, #tpu.memory_space<vmem>>) target(%dma_start3A_177 : memref<5128x128xf32, #tpu.memory_space<vmem_shared>>) offsets(%arg19 : memref<64xi32, #tpu.memory_space<vmem>>) semaphore(%run_scoped3A : memref<!tpu.dma_semaphore, #tpu.memory_space<semaphore_mem>>) {add = true}
            %dma_wait3A_178 = arith.constant 0 : i32
            %dma_wait3A_179 = arith.constant 0 : i32
            %dma_wait3A_180 = tpu.memref_slice %arg27[%dma_wait3A_178, %dma_wait3A_179] : memref<5128x128xf32, #tpu.memory_space<vmem_shared>> -> memref<5128x128xf32, #tpu.memory_space<vmem_shared>>
            tpu.wait_indirect_dma semaphore(%run_scoped3A : memref<!tpu.dma_semaphore, #tpu.memory_space<semaphore_mem>>) src(%arg25 : memref<64x128xf32, #tpu.memory_space<vmem>>) dst(%dma_wait3A_180 : memref<5128x128xf32, #tpu.memory_space<vmem_shared>>)
            tpu.yield
          }) : () -> ()
          %add3A_168 = arith.constant 3 : i32
          %add3A_169 = arith.addi %add3A_135, %add3A_168 : i32
          %add3A_170 = arith.constant 5 : i32
          %add3A_171 = arith.addi %add3A_169, %add3A_170 : i32
          %lt3A_172 = arith.cmpi slt, %add3A_171, %select_n3A : i32
          %convert_element_type3A_173 = arith.extui %lt3A_172 : i1 to i32
          %cond3A_174 = arith.constant 0 : i32
          %cond3A_175 = arith.cmpi ne, %convert_element_type3A_173, %cond3A_174 : i32
          scf.if %cond3A_175 {
            %add3A_176 = arith.constant 3 : i32
            %add3A_177 = arith.addi %add3A_135, %add3A_176 : i32
            %add3A_178 = arith.constant 5 : i32
            %add3A_179 = arith.addi %add3A_177, %add3A_178 : i32
            %scan3A_180 = arith.constant 0 : i32
            %scan3A_181 = arith.constant 4 : i32
            %scan3A_182 = arith.addi %scan3A_180, %scan3A_181 : i32
            %scan3A_183 = arith.constant 1 : i32
            scf.for %scan3A_187 = %scan3A_180 to %scan3A_182 step %scan3A_183  : i32 {
              %mul3A_188 = arith.constant 1 : i32
              %mul3A_189 = arith.muli %scan3A_187, %mul3A_188 : i32
              %add3A_190 = arith.constant 0 : i32
              %add3A_191 = arith.addi %add3A_190, %mul3A_189 : i32
              %mul3A_192 = arith.constant 16 : i32
              %mul3A_193 = arith.muli %add3A_191, %mul3A_192 : i32
              %mul3A_194 = arith.constant 64 : i32
              %mul3A_195 = arith.muli %add3A_179, %mul3A_194 : i32
              %mul3A_196 = arith.constant 16 : i32
              %mul3A_197 = arith.muli %add3A_191, %mul3A_196 : i32
              %add3A_198 = arith.addi %mul3A_195, %mul3A_197 : i32
              %get3A_199 = arith.index_cast %add3A_198 : i32 to index
              %get3A_200 = tpu.vector_load %arg8[%get3A_199] {strides = array<i32>} : memref<10240xi32, #tpu.memory_space<vmem>>, vector<16xi32>,
              %add3A_201 = vector.broadcast %mul3A_74 : i32 to vector<16xi32>
              %add3A_202 = arith.addi %get3A_200, %add3A_201 : vector<16xi32>
              %swap3A_203 = arith.index_cast %mul3A_193 : i32 to index
              %swap3A_204 = tpu.vector_load %arg13[%swap3A_203] {strides = array<i32>} : memref<64xi32, #tpu.memory_space<vmem>>, vector<16xi32>,
              tpu.vector_store %arg13[%swap3A_203], %add3A_202 {strides = array<i32>} : memref<64xi32, #tpu.memory_space<vmem>>, vector<16xi32>,
              %mul3A_205 = arith.constant 64 : i32
              %mul3A_206 = arith.muli %add3A_179, %mul3A_205 : i32
              %mul3A_207 = arith.constant 16 : i32
              %mul3A_208 = arith.muli %add3A_191, %mul3A_207 : i32
              %add3A_209 = arith.addi %mul3A_206, %mul3A_208 : i32
              %get3A_210 = arith.index_cast %add3A_209 : i32 to index
              %get3A_211 = tpu.vector_load %arg9[%get3A_210] {strides = array<i32>} : memref<10240xi32, #tpu.memory_space<vmem>>, vector<16xi32>,
              %swap3A_212 = arith.index_cast %mul3A_193 : i32 to index
              %swap3A_213 = tpu.vector_load %arg19[%swap3A_212] {strides = array<i32>} : memref<64xi32, #tpu.memory_space<vmem>>, vector<16xi32>,
              tpu.vector_store %arg19[%swap3A_212], %get3A_211 {strides = array<i32>} : memref<64xi32, #tpu.memory_space<vmem>>, vector<16xi32>,
            }
            %scan3A_184 = arith.constant 4 : i32
            %dma_start3A = arith.constant 0 : i32
            %dma_start3A_185 = arith.constant 0 : i32
            %dma_start3A_186 = tpu.memref_slice %arg4[%dma_start3A, %dma_start3A_185] : memref<20000x128xf32, #tpu.memory_space<hbm>> -> memref<20000x128xf32, #tpu.memory_space<hbm>>
            tpu.enqueue_indirect_dma source(%dma_start3A_186 : memref<20000x128xf32, #tpu.memory_space<hbm>>) target(%arg25 : memref<64x128xf32, #tpu.memory_space<vmem>>) offsets(%arg13 : memref<64xi32, #tpu.memory_space<vmem>>) semaphore(%arg31 : memref<!tpu.dma_semaphore, #tpu.memory_space<semaphore_mem>>)
          } else {
          }
        } else {
        }
        %add3A_160 = arith.constant 4 : i32
        %add3A_161 = arith.addi %add3A_135, %add3A_160 : i32
        %lt3A_162 = arith.cmpi slt, %add3A_161, %select_n3A : i32
        %convert_element_type3A_163 = arith.extui %lt3A_162 : i1 to i32
        %cond3A_164 = arith.constant 0 : i32
        %cond3A_165 = arith.cmpi ne, %convert_element_type3A_163, %cond3A_164 : i32
        scf.if %cond3A_165 {
          %dma_wait3A = arith.constant 0 : i32
          %dma_wait3A_166 = arith.constant 0 : i32
          %dma_wait3A_167 = tpu.memref_slice %arg4[%dma_wait3A, %dma_wait3A_166] : memref<20000x128xf32, #tpu.memory_space<hbm>> -> memref<20000x128xf32, #tpu.memory_space<hbm>>
          tpu.wait_indirect_dma semaphore(%arg32 : memref<!tpu.dma_semaphore, #tpu.memory_space<semaphore_mem>>) src(%dma_wait3A_167 : memref<20000x128xf32, #tpu.memory_space<hbm>>) dst(%arg26 : memref<64x128xf32, #tpu.memory_space<vmem>>)
          "tpu.region"() ({
            %run_scoped3A = tpu.sem_alloc : memref<!tpu.dma_semaphore, #tpu.memory_space<semaphore_mem>>
            %dma_start3A = arith.constant 0 : i32
            %dma_start3A_176 = arith.constant 0 : i32
            %dma_start3A_177 = tpu.memref_slice %arg27[%dma_start3A, %dma_start3A_176] : memref<5128x128xf32, #tpu.memory_space<vmem_shared>> -> memref<5128x128xf32, #tpu.memory_space<vmem_shared>>
            tpu.enqueue_indirect_dma source(%arg26 : memref<64x128xf32, #tpu.memory_space<vmem>>) target(%dma_start3A_177 : memref<5128x128xf32, #tpu.memory_space<vmem_shared>>) offsets(%arg20 : memref<64xi32, #tpu.memory_space<vmem>>) semaphore(%run_scoped3A : memref<!tpu.dma_semaphore, #tpu.memory_space<semaphore_mem>>) {add = true}
            %dma_wait3A_178 = arith.constant 0 : i32
            %dma_wait3A_179 = arith.constant 0 : i32
            %dma_wait3A_180 = tpu.memref_slice %arg27[%dma_wait3A_178, %dma_wait3A_179] : memref<5128x128xf32, #tpu.memory_space<vmem_shared>> -> memref<5128x128xf32, #tpu.memory_space<vmem_shared>>
            tpu.wait_indirect_dma semaphore(%run_scoped3A : memref<!tpu.dma_semaphore, #tpu.memory_space<semaphore_mem>>) src(%arg26 : memref<64x128xf32, #tpu.memory_space<vmem>>) dst(%dma_wait3A_180 : memref<5128x128xf32, #tpu.memory_space<vmem_shared>>)
            tpu.yield
          }) : () -> ()
          %add3A_168 = arith.constant 4 : i32
          %add3A_169 = arith.addi %add3A_135, %add3A_168 : i32
          %add3A_170 = arith.constant 5 : i32
          %add3A_171 = arith.addi %add3A_169, %add3A_170 : i32
          %lt3A_172 = arith.cmpi slt, %add3A_171, %select_n3A : i32
          %convert_element_type3A_173 = arith.extui %lt3A_172 : i1 to i32
          %cond3A_174 = arith.constant 0 : i32
          %cond3A_175 = arith.cmpi ne, %convert_element_type3A_173, %cond3A_174 : i32
          scf.if %cond3A_175 {
            %add3A_176 = arith.constant 4 : i32
            %add3A_177 = arith.addi %add3A_135, %add3A_176 : i32
            %add3A_178 = arith.constant 5 : i32
            %add3A_179 = arith.addi %add3A_177, %add3A_178 : i32
            %scan3A_180 = arith.constant 0 : i32
            %scan3A_181 = arith.constant 4 : i32
            %scan3A_182 = arith.addi %scan3A_180, %scan3A_181 : i32
            %scan3A_183 = arith.constant 1 : i32
            scf.for %scan3A_187 = %scan3A_180 to %scan3A_182 step %scan3A_183  : i32 {
              %mul3A_188 = arith.constant 1 : i32
              %mul3A_189 = arith.muli %scan3A_187, %mul3A_188 : i32
              %add3A_190 = arith.constant 0 : i32
              %add3A_191 = arith.addi %add3A_190, %mul3A_189 : i32
              %mul3A_192 = arith.constant 16 : i32
              %mul3A_193 = arith.muli %add3A_191, %mul3A_192 : i32
              %mul3A_194 = arith.constant 64 : i32
              %mul3A_195 = arith.muli %add3A_179, %mul3A_194 : i32
              %mul3A_196 = arith.constant 16 : i32
              %mul3A_197 = arith.muli %add3A_191, %mul3A_196 : i32
              %add3A_198 = arith.addi %mul3A_195, %mul3A_197 : i32
              %get3A_199 = arith.index_cast %add3A_198 : i32 to index
              %get3A_200 = tpu.vector_load %arg8[%get3A_199] {strides = array<i32>} : memref<10240xi32, #tpu.memory_space<vmem>>, vector<16xi32>,
              %add3A_201 = vector.broadcast %mul3A_74 : i32 to vector<16xi32>
              %add3A_202 = arith.addi %get3A_200, %add3A_201 : vector<16xi32>
              %swap3A_203 = arith.index_cast %mul3A_193 : i32 to index
              %swap3A_204 = tpu.vector_load %arg14[%swap3A_203] {strides = array<i32>} : memref<64xi32, #tpu.memory_space<vmem>>, vector<16xi32>,
              tpu.vector_store %arg14[%swap3A_203], %add3A_202 {strides = array<i32>} : memref<64xi32, #tpu.memory_space<vmem>>, vector<16xi32>,
              %mul3A_205 = arith.constant 64 : i32
              %mul3A_206 = arith.muli %add3A_179, %mul3A_205 : i32
              %mul3A_207 = arith.constant 16 : i32
              %mul3A_208 = arith.muli %add3A_191, %mul3A_207 : i32
              %add3A_209 = arith.addi %mul3A_206, %mul3A_208 : i32
              %get3A_210 = arith.index_cast %add3A_209 : i32 to index
              %get3A_211 = tpu.vector_load %arg9[%get3A_210] {strides = array<i32>} : memref<10240xi32, #tpu.memory_space<vmem>>, vector<16xi32>,
              %swap3A_212 = arith.index_cast %mul3A_193 : i32 to index
              %swap3A_213 = tpu.vector_load %arg20[%swap3A_212] {strides = array<i32>} : memref<64xi32, #tpu.memory_space<vmem>>, vector<16xi32>,
              tpu.vector_store %arg20[%swap3A_212], %get3A_211 {strides = array<i32>} : memref<64xi32, #tpu.memory_space<vmem>>, vector<16xi32>,
            }
            %scan3A_184 = arith.constant 4 : i32
            %dma_start3A = arith.constant 0 : i32
            %dma_start3A_185 = arith.constant 0 : i32
            %dma_start3A_186 = tpu.memref_slice %arg4[%dma_start3A, %dma_start3A_185] : memref<20000x128xf32, #tpu.memory_space<hbm>> -> memref<20000x128xf32, #tpu.memory_space<hbm>>
            tpu.enqueue_indirect_dma source(%dma_start3A_186 : memref<20000x128xf32, #tpu.memory_space<hbm>>) target(%arg26 : memref<64x128xf32, #tpu.memory_space<vmem>>) offsets(%arg14 : memref<64xi32, #tpu.memory_space<vmem>>) semaphore(%arg32 : memref<!tpu.dma_semaphore, #tpu.memory_space<semaphore_mem>>)
          } else {
          }
        } else {
        }
      }
      %while3A_125 = arith.constant 1 : i32
      scf.for %while3A_133 = %while3A_123 to %while3A_119 step %while3A_125  : i32 {
        %mul3A_134 = arith.muli %while3A_133, %while3A : i32
        %add3A_135 = arith.addi %while3A_116, %mul3A_134 : i32
        %add3A_136 = arith.constant 0 : i32
        %add3A_137 = arith.addi %add3A_135, %add3A_136 : i32
        %lt3A_138 = arith.cmpi slt, %add3A_137, %select_n3A : i32
        %convert_element_type3A_139 = arith.extui %lt3A_138 : i1 to i32
        %cond3A_140 = arith.constant 0 : i32
        %cond3A_141 = arith.cmpi ne, %convert_element_type3A_139, %cond3A_140 : i32
        scf.if %cond3A_141 {
          %dma_wait3A = arith.constant 0 : i32
          %dma_wait3A_166 = arith.constant 0 : i32
          %dma_wait3A_167 = tpu.memref_slice %arg4[%dma_wait3A, %dma_wait3A_166] : memref<20000x128xf32, #tpu.memory_space<hbm>> -> memref<20000x128xf32, #tpu.memory_space<hbm>>
          tpu.wait_indirect_dma semaphore(%arg28 : memref<!tpu.dma_semaphore, #tpu.memory_space<semaphore_mem>>) src(%dma_wait3A_167 : memref<20000x128xf32, #tpu.memory_space<hbm>>) dst(%arg22 : memref<64x128xf32, #tpu.memory_space<vmem>>)
          "tpu.region"() ({
            %run_scoped3A = tpu.sem_alloc : memref<!tpu.dma_semaphore, #tpu.memory_space<semaphore_mem>>
            %dma_start3A = arith.constant 0 : i32
            %dma_start3A_176 = arith.constant 0 : i32
            %dma_start3A_177 = tpu.memref_slice %arg27[%dma_start3A, %dma_start3A_176] : memref<5128x128xf32, #tpu.memory_space<vmem_shared>> -> memref<5128x128xf32, #tpu.memory_space<vmem_shared>>
            tpu.enqueue_indirect_dma source(%arg22 : memref<64x128xf32, #tpu.memory_space<vmem>>) target(%dma_start3A_177 : memref<5128x128xf32, #tpu.memory_space<vmem_shared>>) offsets(%arg16 : memref<64xi32, #tpu.memory_space<vmem>>) semaphore(%run_scoped3A : memref<!tpu.dma_semaphore, #tpu.memory_space<semaphore_mem>>) {add = true}
            %dma_wait3A_178 = arith.constant 0 : i32
            %dma_wait3A_179 = arith.constant 0 : i32
            %dma_wait3A_180 = tpu.memref_slice %arg27[%dma_wait3A_178, %dma_wait3A_179] : memref<5128x128xf32, #tpu.memory_space<vmem_shared>> -> memref<5128x128xf32, #tpu.memory_space<vmem_shared>>
            tpu.wait_indirect_dma semaphore(%run_scoped3A : memref<!tpu.dma_semaphore, #tpu.memory_space<semaphore_mem>>) src(%arg22 : memref<64x128xf32, #tpu.memory_space<vmem>>) dst(%dma_wait3A_180 : memref<5128x128xf32, #tpu.memory_space<vmem_shared>>)
            tpu.yield
          }) : () -> ()
          %add3A_168 = arith.constant 0 : i32
          %add3A_169 = arith.addi %add3A_135, %add3A_168 : i32
          %add3A_170 = arith.constant 5 : i32
          %add3A_171 = arith.addi %add3A_169, %add3A_170 : i32
          %lt3A_172 = arith.cmpi slt, %add3A_171, %select_n3A : i32
          %convert_element_type3A_173 = arith.extui %lt3A_172 : i1 to i32
          %cond3A_174 = arith.constant 0 : i32
          %cond3A_175 = arith.cmpi ne, %convert_element_type3A_173, %cond3A_174 : i32
          scf.if %cond3A_175 {
            %add3A_176 = arith.constant 0 : i32
            %add3A_177 = arith.addi %add3A_135, %add3A_176 : i32
            %add3A_178 = arith.constant 5 : i32
            %add3A_179 = arith.addi %add3A_177, %add3A_178 : i32
            %scan3A_180 = arith.constant 0 : i32
            %scan3A_181 = arith.constant 4 : i32
            %scan3A_182 = arith.addi %scan3A_180, %scan3A_181 : i32
            %scan3A_183 = arith.constant 1 : i32
            scf.for %scan3A_187 = %scan3A_180 to %scan3A_182 step %scan3A_183  : i32 {
              %mul3A_188 = arith.constant 1 : i32
              %mul3A_189 = arith.muli %scan3A_187, %mul3A_188 : i32
              %add3A_190 = arith.constant 0 : i32
              %add3A_191 = arith.addi %add3A_190, %mul3A_189 : i32
              %mul3A_192 = arith.constant 16 : i32
              %mul3A_193 = arith.muli %add3A_191, %mul3A_192 : i32
              %mul3A_194 = arith.constant 64 : i32
              %mul3A_195 = arith.muli %add3A_179, %mul3A_194 : i32
              %mul3A_196 = arith.constant 16 : i32
              %mul3A_197 = arith.muli %add3A_191, %mul3A_196 : i32
              %add3A_198 = arith.addi %mul3A_195, %mul3A_197 : i32
              %get3A_199 = arith.index_cast %add3A_198 : i32 to index
              %get3A_200 = tpu.vector_load %arg8[%get3A_199] {strides = array<i32>} : memref<10240xi32, #tpu.memory_space<vmem>>, vector<16xi32>,
              %add3A_201 = vector.broadcast %mul3A_74 : i32 to vector<16xi32>
              %add3A_202 = arith.addi %get3A_200, %add3A_201 : vector<16xi32>
              %swap3A_203 = arith.index_cast %mul3A_193 : i32 to index
              %swap3A_204 = tpu.vector_load %arg10[%swap3A_203] {strides = array<i32>} : memref<64xi32, #tpu.memory_space<vmem>>, vector<16xi32>,
              tpu.vector_store %arg10[%swap3A_203], %add3A_202 {strides = array<i32>} : memref<64xi32, #tpu.memory_space<vmem>>, vector<16xi32>,
              %mul3A_205 = arith.constant 64 : i32
              %mul3A_206 = arith.muli %add3A_179, %mul3A_205 : i32
              %mul3A_207 = arith.constant 16 : i32
              %mul3A_208 = arith.muli %add3A_191, %mul3A_207 : i32
              %add3A_209 = arith.addi %mul3A_206, %mul3A_208 : i32
              %get3A_210 = arith.index_cast %add3A_209 : i32 to index
              %get3A_211 = tpu.vector_load %arg9[%get3A_210] {strides = array<i32>} : memref<10240xi32, #tpu.memory_space<vmem>>, vector<16xi32>,
              %swap3A_212 = arith.index_cast %mul3A_193 : i32 to index
              %swap3A_213 = tpu.vector_load %arg16[%swap3A_212] {strides = array<i32>} : memref<64xi32, #tpu.memory_space<vmem>>, vector<16xi32>,
              tpu.vector_store %arg16[%swap3A_212], %get3A_211 {strides = array<i32>} : memref<64xi32, #tpu.memory_space<vmem>>, vector<16xi32>,
            }
            %scan3A_184 = arith.constant 4 : i32
            %dma_start3A = arith.constant 0 : i32
            %dma_start3A_185 = arith.constant 0 : i32
            %dma_start3A_186 = tpu.memref_slice %arg4[%dma_start3A, %dma_start3A_185] : memref<20000x128xf32, #tpu.memory_space<hbm>> -> memref<20000x128xf32, #tpu.memory_space<hbm>>
            tpu.enqueue_indirect_dma source(%dma_start3A_186 : memref<20000x128xf32, #tpu.memory_space<hbm>>) target(%arg22 : memref<64x128xf32, #tpu.memory_space<vmem>>) offsets(%arg10 : memref<64xi32, #tpu.memory_space<vmem>>) semaphore(%arg28 : memref<!tpu.dma_semaphore, #tpu.memory_space<semaphore_mem>>)
          } else {
          }
        } else {
        }
        %add3A_142 = arith.constant 1 : i32
        %add3A_143 = arith.addi %add3A_135, %add3A_142 : i32
        %lt3A_144 = arith.cmpi slt, %add3A_143, %select_n3A : i32
        %convert_element_type3A_145 = arith.extui %lt3A_144 : i1 to i32
        %cond3A_146 = arith.constant 0 : i32
        %cond3A_147 = arith.cmpi ne, %convert_element_type3A_145, %cond3A_146 : i32
        scf.if %cond3A_147 {
          %dma_wait3A = arith.constant 0 : i32
          %dma_wait3A_166 = arith.constant 0 : i32
          %dma_wait3A_167 = tpu.memref_slice %arg4[%dma_wait3A, %dma_wait3A_166] : memref<20000x128xf32, #tpu.memory_space<hbm>> -> memref<20000x128xf32, #tpu.memory_space<hbm>>
          tpu.wait_indirect_dma semaphore(%arg29 : memref<!tpu.dma_semaphore, #tpu.memory_space<semaphore_mem>>) src(%dma_wait3A_167 : memref<20000x128xf32, #tpu.memory_space<hbm>>) dst(%arg23 : memref<64x128xf32, #tpu.memory_space<vmem>>)
          "tpu.region"() ({
            %run_scoped3A = tpu.sem_alloc : memref<!tpu.dma_semaphore, #tpu.memory_space<semaphore_mem>>
            %dma_start3A = arith.constant 0 : i32
            %dma_start3A_176 = arith.constant 0 : i32
            %dma_start3A_177 = tpu.memref_slice %arg27[%dma_start3A, %dma_start3A_176] : memref<5128x128xf32, #tpu.memory_space<vmem_shared>> -> memref<5128x128xf32, #tpu.memory_space<vmem_shared>>
            tpu.enqueue_indirect_dma source(%arg23 : memref<64x128xf32, #tpu.memory_space<vmem>>) target(%dma_start3A_177 : memref<5128x128xf32, #tpu.memory_space<vmem_shared>>) offsets(%arg17 : memref<64xi32, #tpu.memory_space<vmem>>) semaphore(%run_scoped3A : memref<!tpu.dma_semaphore, #tpu.memory_space<semaphore_mem>>) {add = true}
            %dma_wait3A_178 = arith.constant 0 : i32
            %dma_wait3A_179 = arith.constant 0 : i32
            %dma_wait3A_180 = tpu.memref_slice %arg27[%dma_wait3A_178, %dma_wait3A_179] : memref<5128x128xf32, #tpu.memory_space<vmem_shared>> -> memref<5128x128xf32, #tpu.memory_space<vmem_shared>>
            tpu.wait_indirect_dma semaphore(%run_scoped3A : memref<!tpu.dma_semaphore, #tpu.memory_space<semaphore_mem>>) src(%arg23 : memref<64x128xf32, #tpu.memory_space<vmem>>) dst(%dma_wait3A_180 : memref<5128x128xf32, #tpu.memory_space<vmem_shared>>)
            tpu.yield
          }) : () -> ()
          %add3A_168 = arith.constant 1 : i32
          %add3A_169 = arith.addi %add3A_135, %add3A_168 : i32
          %add3A_170 = arith.constant 5 : i32
          %add3A_171 = arith.addi %add3A_169, %add3A_170 : i32
          %lt3A_172 = arith.cmpi slt, %add3A_171, %select_n3A : i32
          %convert_element_type3A_173 = arith.extui %lt3A_172 : i1 to i32
          %cond3A_174 = arith.constant 0 : i32
          %cond3A_175 = arith.cmpi ne, %convert_element_type3A_173, %cond3A_174 : i32
          scf.if %cond3A_175 {
            %add3A_176 = arith.constant 1 : i32
            %add3A_177 = arith.addi %add3A_135, %add3A_176 : i32
            %add3A_178 = arith.constant 5 : i32
            %add3A_179 = arith.addi %add3A_177, %add3A_178 : i32
            %scan3A_180 = arith.constant 0 : i32
            %scan3A_181 = arith.constant 4 : i32
            %scan3A_182 = arith.addi %scan3A_180, %scan3A_181 : i32
            %scan3A_183 = arith.constant 1 : i32
            scf.for %scan3A_187 = %scan3A_180 to %scan3A_182 step %scan3A_183  : i32 {
              %mul3A_188 = arith.constant 1 : i32
              %mul3A_189 = arith.muli %scan3A_187, %mul3A_188 : i32
              %add3A_190 = arith.constant 0 : i32
              %add3A_191 = arith.addi %add3A_190, %mul3A_189 : i32
              %mul3A_192 = arith.constant 16 : i32
              %mul3A_193 = arith.muli %add3A_191, %mul3A_192 : i32
              %mul3A_194 = arith.constant 64 : i32
              %mul3A_195 = arith.muli %add3A_179, %mul3A_194 : i32
              %mul3A_196 = arith.constant 16 : i32
              %mul3A_197 = arith.muli %add3A_191, %mul3A_196 : i32
              %add3A_198 = arith.addi %mul3A_195, %mul3A_197 : i32
              %get3A_199 = arith.index_cast %add3A_198 : i32 to index
              %get3A_200 = tpu.vector_load %arg8[%get3A_199] {strides = array<i32>} : memref<10240xi32, #tpu.memory_space<vmem>>, vector<16xi32>,
              %add3A_201 = vector.broadcast %mul3A_74 : i32 to vector<16xi32>
              %add3A_202 = arith.addi %get3A_200, %add3A_201 : vector<16xi32>
              %swap3A_203 = arith.index_cast %mul3A_193 : i32 to index
              %swap3A_204 = tpu.vector_load %arg11[%swap3A_203] {strides = array<i32>} : memref<64xi32, #tpu.memory_space<vmem>>, vector<16xi32>,
              tpu.vector_store %arg11[%swap3A_203], %add3A_202 {strides = array<i32>} : memref<64xi32, #tpu.memory_space<vmem>>, vector<16xi32>,
              %mul3A_205 = arith.constant 64 : i32
              %mul3A_206 = arith.muli %add3A_179, %mul3A_205 : i32
              %mul3A_207 = arith.constant 16 : i32
              %mul3A_208 = arith.muli %add3A_191, %mul3A_207 : i32
              %add3A_209 = arith.addi %mul3A_206, %mul3A_208 : i32
              %get3A_210 = arith.index_cast %add3A_209 : i32 to index
              %get3A_211 = tpu.vector_load %arg9[%get3A_210] {strides = array<i32>} : memref<10240xi32, #tpu.memory_space<vmem>>, vector<16xi32>,
              %swap3A_212 = arith.index_cast %mul3A_193 : i32 to index
              %swap3A_213 = tpu.vector_load %arg17[%swap3A_212] {strides = array<i32>} : memref<64xi32, #tpu.memory_space<vmem>>, vector<16xi32>,
              tpu.vector_store %arg17[%swap3A_212], %get3A_211 {strides = array<i32>} : memref<64xi32, #tpu.memory_space<vmem>>, vector<16xi32>,
            }
            %scan3A_184 = arith.constant 4 : i32
            %dma_start3A = arith.constant 0 : i32
            %dma_start3A_185 = arith.constant 0 : i32
            %dma_start3A_186 = tpu.memref_slice %arg4[%dma_start3A, %dma_start3A_185] : memref<20000x128xf32, #tpu.memory_space<hbm>> -> memref<20000x128xf32, #tpu.memory_space<hbm>>
            tpu.enqueue_indirect_dma source(%dma_start3A_186 : memref<20000x128xf32, #tpu.memory_space<hbm>>) target(%arg23 : memref<64x128xf32, #tpu.memory_space<vmem>>) offsets(%arg11 : memref<64xi32, #tpu.memory_space<vmem>>) semaphore(%arg29 : memref<!tpu.dma_semaphore, #tpu.memory_space<semaphore_mem>>)
          } else {
          }
        } else {
        }
        %add3A_148 = arith.constant 2 : i32
        %add3A_149 = arith.addi %add3A_135, %add3A_148 : i32
        %lt3A_150 = arith.cmpi slt, %add3A_149, %select_n3A : i32
        %convert_element_type3A_151 = arith.extui %lt3A_150 : i1 to i32
        %cond3A_152 = arith.constant 0 : i32
        %cond3A_153 = arith.cmpi ne, %convert_element_type3A_151, %cond3A_152 : i32
        scf.if %cond3A_153 {
          %dma_wait3A = arith.constant 0 : i32
          %dma_wait3A_166 = arith.constant 0 : i32
          %dma_wait3A_167 = tpu.memref_slice %arg4[%dma_wait3A, %dma_wait3A_166] : memref<20000x128xf32, #tpu.memory_space<hbm>> -> memref<20000x128xf32, #tpu.memory_space<hbm>>
          tpu.wait_indirect_dma semaphore(%arg30 : memref<!tpu.dma_semaphore, #tpu.memory_space<semaphore_mem>>) src(%dma_wait3A_167 : memref<20000x128xf32, #tpu.memory_space<hbm>>) dst(%arg24 : memref<64x128xf32, #tpu.memory_space<vmem>>)
          "tpu.region"() ({
            %run_scoped3A = tpu.sem_alloc : memref<!tpu.dma_semaphore, #tpu.memory_space<semaphore_mem>>
            %dma_start3A = arith.constant 0 : i32
            %dma_start3A_176 = arith.constant 0 : i32
            %dma_start3A_177 = tpu.memref_slice %arg27[%dma_start3A, %dma_start3A_176] : memref<5128x128xf32, #tpu.memory_space<vmem_shared>> -> memref<5128x128xf32, #tpu.memory_space<vmem_shared>>
            tpu.enqueue_indirect_dma source(%arg24 : memref<64x128xf32, #tpu.memory_space<vmem>>) target(%dma_start3A_177 : memref<5128x128xf32, #tpu.memory_space<vmem_shared>>) offsets(%arg18 : memref<64xi32, #tpu.memory_space<vmem>>) semaphore(%run_scoped3A : memref<!tpu.dma_semaphore, #tpu.memory_space<semaphore_mem>>) {add = true}
            %dma_wait3A_178 = arith.constant 0 : i32
            %dma_wait3A_179 = arith.constant 0 : i32
            %dma_wait3A_180 = tpu.memref_slice %arg27[%dma_wait3A_178, %dma_wait3A_179] : memref<5128x128xf32, #tpu.memory_space<vmem_shared>> -> memref<5128x128xf32, #tpu.memory_space<vmem_shared>>
            tpu.wait_indirect_dma semaphore(%run_scoped3A : memref<!tpu.dma_semaphore, #tpu.memory_space<semaphore_mem>>) src(%arg24 : memref<64x128xf32, #tpu.memory_space<vmem>>) dst(%dma_wait3A_180 : memref<5128x128xf32, #tpu.memory_space<vmem_shared>>)
            tpu.yield
          }) : () -> ()
          %add3A_168 = arith.constant 2 : i32
          %add3A_169 = arith.addi %add3A_135, %add3A_168 : i32
          %add3A_170 = arith.constant 5 : i32
          %add3A_171 = arith.addi %add3A_169, %add3A_170 : i32
          %lt3A_172 = arith.cmpi slt, %add3A_171, %select_n3A : i32
          %convert_element_type3A_173 = arith.extui %lt3A_172 : i1 to i32
          %cond3A_174 = arith.constant 0 : i32
          %cond3A_175 = arith.cmpi ne, %convert_element_type3A_173, %cond3A_174 : i32
          scf.if %cond3A_175 {
            %add3A_176 = arith.constant 2 : i32
            %add3A_177 = arith.addi %add3A_135, %add3A_176 : i32
            %add3A_178 = arith.constant 5 : i32
            %add3A_179 = arith.addi %add3A_177, %add3A_178 : i32
            %scan3A_180 = arith.constant 0 : i32
            %scan3A_181 = arith.constant 4 : i32
            %scan3A_182 = arith.addi %scan3A_180, %scan3A_181 : i32
            %scan3A_183 = arith.constant 1 : i32
            scf.for %scan3A_187 = %scan3A_180 to %scan3A_182 step %scan3A_183  : i32 {
              %mul3A_188 = arith.constant 1 : i32
              %mul3A_189 = arith.muli %scan3A_187, %mul3A_188 : i32
              %add3A_190 = arith.constant 0 : i32
              %add3A_191 = arith.addi %add3A_190, %mul3A_189 : i32
              %mul3A_192 = arith.constant 16 : i32
              %mul3A_193 = arith.muli %add3A_191, %mul3A_192 : i32
              %mul3A_194 = arith.constant 64 : i32
              %mul3A_195 = arith.muli %add3A_179, %mul3A_194 : i32
              %mul3A_196 = arith.constant 16 : i32
              %mul3A_197 = arith.muli %add3A_191, %mul3A_196 : i32
              %add3A_198 = arith.addi %mul3A_195, %mul3A_197 : i32
              %get3A_199 = arith.index_cast %add3A_198 : i32 to index
              %get3A_200 = tpu.vector_load %arg8[%get3A_199] {strides = array<i32>} : memref<10240xi32, #tpu.memory_space<vmem>>, vector<16xi32>,
              %add3A_201 = vector.broadcast %mul3A_74 : i32 to vector<16xi32>
              %add3A_202 = arith.addi %get3A_200, %add3A_201 : vector<16xi32>
              %swap3A_203 = arith.index_cast %mul3A_193 : i32 to index
              %swap3A_204 = tpu.vector_load %arg12[%swap3A_203] {strides = array<i32>} : memref<64xi32, #tpu.memory_space<vmem>>, vector<16xi32>,
              tpu.vector_store %arg12[%swap3A_203], %add3A_202 {strides = array<i32>} : memref<64xi32, #tpu.memory_space<vmem>>, vector<16xi32>,
              %mul3A_205 = arith.constant 64 : i32
              %mul3A_206 = arith.muli %add3A_179, %mul3A_205 : i32
              %mul3A_207 = arith.constant 16 : i32
              %mul3A_208 = arith.muli %add3A_191, %mul3A_207 : i32
              %add3A_209 = arith.addi %mul3A_206, %mul3A_208 : i32
              %get3A_210 = arith.index_cast %add3A_209 : i32 to index
              %get3A_211 = tpu.vector_load %arg9[%get3A_210] {strides = array<i32>} : memref<10240xi32, #tpu.memory_space<vmem>>, vector<16xi32>,
              %swap3A_212 = arith.index_cast %mul3A_193 : i32 to index
              %swap3A_213 = tpu.vector_load %arg18[%swap3A_212] {strides = array<i32>} : memref<64xi32, #tpu.memory_space<vmem>>, vector<16xi32>,
              tpu.vector_store %arg18[%swap3A_212], %get3A_211 {strides = array<i32>} : memref<64xi32, #tpu.memory_space<vmem>>, vector<16xi32>,
            }
            %scan3A_184 = arith.constant 4 : i32
            %dma_start3A = arith.constant 0 : i32
            %dma_start3A_185 = arith.constant 0 : i32
            %dma_start3A_186 = tpu.memref_slice %arg4[%dma_start3A, %dma_start3A_185] : memref<20000x128xf32, #tpu.memory_space<hbm>> -> memref<20000x128xf32, #tpu.memory_space<hbm>>
            tpu.enqueue_indirect_dma source(%dma_start3A_186 : memref<20000x128xf32, #tpu.memory_space<hbm>>) target(%arg24 : memref<64x128xf32, #tpu.memory_space<vmem>>) offsets(%arg12 : memref<64xi32, #tpu.memory_space<vmem>>) semaphore(%arg30 : memref<!tpu.dma_semaphore, #tpu.memory_space<semaphore_mem>>)
          } else {
          }
        } else {
        }
        %add3A_154 = arith.constant 3 : i32
        %add3A_155 = arith.addi %add3A_135, %add3A_154 : i32
        %lt3A_156 = arith.cmpi slt, %add3A_155, %select_n3A : i32
        %convert_element_type3A_157 = arith.extui %lt3A_156 : i1 to i32
        %cond3A_158 = arith.constant 0 : i32
        %cond3A_159 = arith.cmpi ne, %convert_element_type3A_157, %cond3A_158 : i32
        scf.if %cond3A_159 {
          %dma_wait3A = arith.constant 0 : i32
          %dma_wait3A_166 = arith.constant 0 : i32
          %dma_wait3A_167 = tpu.memref_slice %arg4[%dma_wait3A, %dma_wait3A_166] : memref<20000x128xf32, #tpu.memory_space<hbm>> -> memref<20000x128xf32, #tpu.memory_space<hbm>>
          tpu.wait_indirect_dma semaphore(%arg31 : memref<!tpu.dma_semaphore, #tpu.memory_space<semaphore_mem>>) src(%dma_wait3A_167 : memref<20000x128xf32, #tpu.memory_space<hbm>>) dst(%arg25 : memref<64x128xf32, #tpu.memory_space<vmem>>)
          "tpu.region"() ({
            %run_scoped3A = tpu.sem_alloc : memref<!tpu.dma_semaphore, #tpu.memory_space<semaphore_mem>>
            %dma_start3A = arith.constant 0 : i32
            %dma_start3A_176 = arith.constant 0 : i32
            %dma_start3A_177 = tpu.memref_slice %arg27[%dma_start3A, %dma_start3A_176] : memref<5128x128xf32, #tpu.memory_space<vmem_shared>> -> memref<5128x128xf32, #tpu.memory_space<vmem_shared>>
            tpu.enqueue_indirect_dma source(%arg25 : memref<64x128xf32, #tpu.memory_space<vmem>>) target(%dma_start3A_177 : memref<5128x128xf32, #tpu.memory_space<vmem_shared>>) offsets(%arg19 : memref<64xi32, #tpu.memory_space<vmem>>) semaphore(%run_scoped3A : memref<!tpu.dma_semaphore, #tpu.memory_space<semaphore_mem>>) {add = true}
            %dma_wait3A_178 = arith.constant 0 : i32
            %dma_wait3A_179 = arith.constant 0 : i32
            %dma_wait3A_180 = tpu.memref_slice %arg27[%dma_wait3A_178, %dma_wait3A_179] : memref<5128x128xf32, #tpu.memory_space<vmem_shared>> -> memref<5128x128xf32, #tpu.memory_space<vmem_shared>>
            tpu.wait_indirect_dma semaphore(%run_scoped3A : memref<!tpu.dma_semaphore, #tpu.memory_space<semaphore_mem>>) src(%arg25 : memref<64x128xf32, #tpu.memory_space<vmem>>) dst(%dma_wait3A_180 : memref<5128x128xf32, #tpu.memory_space<vmem_shared>>)
            tpu.yield
          }) : () -> ()
          %add3A_168 = arith.constant 3 : i32
          %add3A_169 = arith.addi %add3A_135, %add3A_168 : i32
          %add3A_170 = arith.constant 5 : i32
          %add3A_171 = arith.addi %add3A_169, %add3A_170 : i32
          %lt3A_172 = arith.cmpi slt, %add3A_171, %select_n3A : i32
          %convert_element_type3A_173 = arith.extui %lt3A_172 : i1 to i32
          %cond3A_174 = arith.constant 0 : i32
          %cond3A_175 = arith.cmpi ne, %convert_element_type3A_173, %cond3A_174 : i32
          scf.if %cond3A_175 {
            %add3A_176 = arith.constant 3 : i32
            %add3A_177 = arith.addi %add3A_135, %add3A_176 : i32
            %add3A_178 = arith.constant 5 : i32
            %add3A_179 = arith.addi %add3A_177, %add3A_178 : i32
            %scan3A_180 = arith.constant 0 : i32
            %scan3A_181 = arith.constant 4 : i32
            %scan3A_182 = arith.addi %scan3A_180, %scan3A_181 : i32
            %scan3A_183 = arith.constant 1 : i32
            scf.for %scan3A_187 = %scan3A_180 to %scan3A_182 step %scan3A_183  : i32 {
              %mul3A_188 = arith.constant 1 : i32
              %mul3A_189 = arith.muli %scan3A_187, %mul3A_188 : i32
              %add3A_190 = arith.constant 0 : i32
              %add3A_191 = arith.addi %add3A_190, %mul3A_189 : i32
              %mul3A_192 = arith.constant 16 : i32
              %mul3A_193 = arith.muli %add3A_191, %mul3A_192 : i32
              %mul3A_194 = arith.constant 64 : i32
              %mul3A_195 = arith.muli %add3A_179, %mul3A_194 : i32
              %mul3A_196 = arith.constant 16 : i32
              %mul3A_197 = arith.muli %add3A_191, %mul3A_196 : i32
              %add3A_198 = arith.addi %mul3A_195, %mul3A_197 : i32
              %get3A_199 = arith.index_cast %add3A_198 : i32 to index
              %get3A_200 = tpu.vector_load %arg8[%get3A_199] {strides = array<i32>} : memref<10240xi32, #tpu.memory_space<vmem>>, vector<16xi32>,
              %add3A_201 = vector.broadcast %mul3A_74 : i32 to vector<16xi32>
              %add3A_202 = arith.addi %get3A_200, %add3A_201 : vector<16xi32>
              %swap3A_203 = arith.index_cast %mul3A_193 : i32 to index
              %swap3A_204 = tpu.vector_load %arg13[%swap3A_203] {strides = array<i32>} : memref<64xi32, #tpu.memory_space<vmem>>, vector<16xi32>,
              tpu.vector_store %arg13[%swap3A_203], %add3A_202 {strides = array<i32>} : memref<64xi32, #tpu.memory_space<vmem>>, vector<16xi32>,
              %mul3A_205 = arith.constant 64 : i32
              %mul3A_206 = arith.muli %add3A_179, %mul3A_205 : i32
              %mul3A_207 = arith.constant 16 : i32
              %mul3A_208 = arith.muli %add3A_191, %mul3A_207 : i32
              %add3A_209 = arith.addi %mul3A_206, %mul3A_208 : i32
              %get3A_210 = arith.index_cast %add3A_209 : i32 to index
              %get3A_211 = tpu.vector_load %arg9[%get3A_210] {strides = array<i32>} : memref<10240xi32, #tpu.memory_space<vmem>>, vector<16xi32>,
              %swap3A_212 = arith.index_cast %mul3A_193 : i32 to index
              %swap3A_213 = tpu.vector_load %arg19[%swap3A_212] {strides = array<i32>} : memref<64xi32, #tpu.memory_space<vmem>>, vector<16xi32>,
              tpu.vector_store %arg19[%swap3A_212], %get3A_211 {strides = array<i32>} : memref<64xi32, #tpu.memory_space<vmem>>, vector<16xi32>,
            }
            %scan3A_184 = arith.constant 4 : i32
            %dma_start3A = arith.constant 0 : i32
            %dma_start3A_185 = arith.constant 0 : i32
            %dma_start3A_186 = tpu.memref_slice %arg4[%dma_start3A, %dma_start3A_185] : memref<20000x128xf32, #tpu.memory_space<hbm>> -> memref<20000x128xf32, #tpu.memory_space<hbm>>
            tpu.enqueue_indirect_dma source(%dma_start3A_186 : memref<20000x128xf32, #tpu.memory_space<hbm>>) target(%arg25 : memref<64x128xf32, #tpu.memory_space<vmem>>) offsets(%arg13 : memref<64xi32, #tpu.memory_space<vmem>>) semaphore(%arg31 : memref<!tpu.dma_semaphore, #tpu.memory_space<semaphore_mem>>)
          } else {
          }
        } else {
        }
        %add3A_160 = arith.constant 4 : i32
        %add3A_161 = arith.addi %add3A_135, %add3A_160 : i32
        %lt3A_162 = arith.cmpi slt, %add3A_161, %select_n3A : i32
        %convert_element_type3A_163 = arith.extui %lt3A_162 : i1 to i32
        %cond3A_164 = arith.constant 0 : i32
        %cond3A_165 = arith.cmpi ne, %convert_element_type3A_163, %cond3A_164 : i32
        scf.if %cond3A_165 {
          %dma_wait3A = arith.constant 0 : i32
          %dma_wait3A_166 = arith.constant 0 : i32
          %dma_wait3A_167 = tpu.memref_slice %arg4[%dma_wait3A, %dma_wait3A_166] : memref<20000x128xf32, #tpu.memory_space<hbm>> -> memref<20000x128xf32, #tpu.memory_space<hbm>>
          tpu.wait_indirect_dma semaphore(%arg32 : memref<!tpu.dma_semaphore, #tpu.memory_space<semaphore_mem>>) src(%dma_wait3A_167 : memref<20000x128xf32, #tpu.memory_space<hbm>>) dst(%arg26 : memref<64x128xf32, #tpu.memory_space<vmem>>)
          "tpu.region"() ({
            %run_scoped3A = tpu.sem_alloc : memref<!tpu.dma_semaphore, #tpu.memory_space<semaphore_mem>>
            %dma_start3A = arith.constant 0 : i32
            %dma_start3A_176 = arith.constant 0 : i32
            %dma_start3A_177 = tpu.memref_slice %arg27[%dma_start3A, %dma_start3A_176] : memref<5128x128xf32, #tpu.memory_space<vmem_shared>> -> memref<5128x128xf32, #tpu.memory_space<vmem_shared>>
            tpu.enqueue_indirect_dma source(%arg26 : memref<64x128xf32, #tpu.memory_space<vmem>>) target(%dma_start3A_177 : memref<5128x128xf32, #tpu.memory_space<vmem_shared>>) offsets(%arg20 : memref<64xi32, #tpu.memory_space<vmem>>) semaphore(%run_scoped3A : memref<!tpu.dma_semaphore, #tpu.memory_space<semaphore_mem>>) {add = true}
            %dma_wait3A_178 = arith.constant 0 : i32
            %dma_wait3A_179 = arith.constant 0 : i32
            %dma_wait3A_180 = tpu.memref_slice %arg27[%dma_wait3A_178, %dma_wait3A_179] : memref<5128x128xf32, #tpu.memory_space<vmem_shared>> -> memref<5128x128xf32, #tpu.memory_space<vmem_shared>>
            tpu.wait_indirect_dma semaphore(%run_scoped3A : memref<!tpu.dma_semaphore, #tpu.memory_space<semaphore_mem>>) src(%arg26 : memref<64x128xf32, #tpu.memory_space<vmem>>) dst(%dma_wait3A_180 : memref<5128x128xf32, #tpu.memory_space<vmem_shared>>)
            tpu.yield
          }) : () -> ()
          %add3A_168 = arith.constant 4 : i32
          %add3A_169 = arith.addi %add3A_135, %add3A_168 : i32
          %add3A_170 = arith.constant 5 : i32
          %add3A_171 = arith.addi %add3A_169, %add3A_170 : i32
          %lt3A_172 = arith.cmpi slt, %add3A_171, %select_n3A : i32
          %convert_element_type3A_173 = arith.extui %lt3A_172 : i1 to i32
          %cond3A_174 = arith.constant 0 : i32
          %cond3A_175 = arith.cmpi ne, %convert_element_type3A_173, %cond3A_174 : i32
          scf.if %cond3A_175 {
            %add3A_176 = arith.constant 4 : i32
            %add3A_177 = arith.addi %add3A_135, %add3A_176 : i32
            %add3A_178 = arith.constant 5 : i32
            %add3A_179 = arith.addi %add3A_177, %add3A_178 : i32
            %scan3A_180 = arith.constant 0 : i32
            %scan3A_181 = arith.constant 4 : i32
            %scan3A_182 = arith.addi %scan3A_180, %scan3A_181 : i32
            %scan3A_183 = arith.constant 1 : i32
            scf.for %scan3A_187 = %scan3A_180 to %scan3A_182 step %scan3A_183  : i32 {
              %mul3A_188 = arith.constant 1 : i32
              %mul3A_189 = arith.muli %scan3A_187, %mul3A_188 : i32
              %add3A_190 = arith.constant 0 : i32
              %add3A_191 = arith.addi %add3A_190, %mul3A_189 : i32
              %mul3A_192 = arith.constant 16 : i32
              %mul3A_193 = arith.muli %add3A_191, %mul3A_192 : i32
              %mul3A_194 = arith.constant 64 : i32
              %mul3A_195 = arith.muli %add3A_179, %mul3A_194 : i32
              %mul3A_196 = arith.constant 16 : i32
              %mul3A_197 = arith.muli %add3A_191, %mul3A_196 : i32
              %add3A_198 = arith.addi %mul3A_195, %mul3A_197 : i32
              %get3A_199 = arith.index_cast %add3A_198 : i32 to index
              %get3A_200 = tpu.vector_load %arg8[%get3A_199] {strides = array<i32>} : memref<10240xi32, #tpu.memory_space<vmem>>, vector<16xi32>,
              %add3A_201 = vector.broadcast %mul3A_74 : i32 to vector<16xi32>
              %add3A_202 = arith.addi %get3A_200, %add3A_201 : vector<16xi32>
              %swap3A_203 = arith.index_cast %mul3A_193 : i32 to index
              %swap3A_204 = tpu.vector_load %arg14[%swap3A_203] {strides = array<i32>} : memref<64xi32, #tpu.memory_space<vmem>>, vector<16xi32>,
              tpu.vector_store %arg14[%swap3A_203], %add3A_202 {strides = array<i32>} : memref<64xi32, #tpu.memory_space<vmem>>, vector<16xi32>,
              %mul3A_205 = arith.constant 64 : i32
              %mul3A_206 = arith.muli %add3A_179, %mul3A_205 : i32
              %mul3A_207 = arith.constant 16 : i32
              %mul3A_208 = arith.muli %add3A_191, %mul3A_207 : i32
              %add3A_209 = arith.addi %mul3A_206, %mul3A_208 : i32
              %get3A_210 = arith.index_cast %add3A_209 : i32 to index
              %get3A_211 = tpu.vector_load %arg9[%get3A_210] {strides = array<i32>} : memref<10240xi32, #tpu.memory_space<vmem>>, vector<16xi32>,
              %swap3A_212 = arith.index_cast %mul3A_193 : i32 to index
              %swap3A_213 = tpu.vector_load %arg20[%swap3A_212] {strides = array<i32>} : memref<64xi32, #tpu.memory_space<vmem>>, vector<16xi32>,
              tpu.vector_store %arg20[%swap3A_212], %get3A_211 {strides = array<i32>} : memref<64xi32, #tpu.memory_space<vmem>>, vector<16xi32>,
            }
            %scan3A_184 = arith.constant 4 : i32
            %dma_start3A = arith.constant 0 : i32
            %dma_start3A_185 = arith.constant 0 : i32
            %dma_start3A_186 = tpu.memref_slice %arg4[%dma_start3A, %dma_start3A_185] : memref<20000x128xf32, #tpu.memory_space<hbm>> -> memref<20000x128xf32, #tpu.memory_space<hbm>>
            tpu.enqueue_indirect_dma source(%dma_start3A_186 : memref<20000x128xf32, #tpu.memory_space<hbm>>) target(%arg26 : memref<64x128xf32, #tpu.memory_space<vmem>>) offsets(%arg14 : memref<64xi32, #tpu.memory_space<vmem>>) semaphore(%arg32 : memref<!tpu.dma_semaphore, #tpu.memory_space<semaphore_mem>>)
          } else {
          }
        } else {
        }
      }
      %barrier3A_126 = arith.constant 0 : index
      tpu.barrier barrier_id(%barrier3A_126)
      %mul3A_127 = arith.constant 320 : i32
      %mul3A_128 = arith.muli %arg1, %mul3A_127 : i32
      %mul3A_129 = arith.constant 320 : i32
      %mul3A_130 = arith.muli %arg1, %mul3A_129 : i32
      %add3A_131 = arith.addi %mul3A_0, %mul3A_130 : i32
      "tpu.region"() ({
        %run_scoped3A = tpu.sem_alloc : memref<!tpu.dma_semaphore, #tpu.memory_space<semaphore_mem>>
        %dma_start3A = arith.constant 0 : i32
        %dma_start3A_133 = tpu.memref_slice %arg5[%add3A_72, %add3A_131, %dma_start3A] : memref<2x10240x128xf32, #tpu.memory_space<hbm>> -> memref<1x320x128xf32, #tpu.memory_space<hbm>>
        %dma_start3A_134 = tpu.memref_squeeze %dma_start3A_133 : memref<1x320x128xf32, #tpu.memory_space<hbm>> -> memref<320x128xf32, #tpu.memory_space<hbm>>
        %dma_start3A_135 = arith.constant 0 : i32
        %dma_start3A_136 = tpu.memref_slice %arg27[%mul3A_128, %dma_start3A_135] : memref<5128x128xf32, #tpu.memory_space<vmem_shared>> -> memref<320x128xf32, #tpu.memory_space<vmem_shared>>
        tpu.enqueue_dma source(%dma_start3A_136 : memref<320x128xf32, #tpu.memory_space<vmem_shared>>) target(%dma_start3A_134 : memref<320x128xf32, #tpu.memory_space<hbm>>) target_semaphore(%run_scoped3A : memref<!tpu.dma_semaphore, #tpu.memory_space<semaphore_mem>>)
        %dma_wait3A = arith.constant 0 : i32
        %dma_wait3A_137 = tpu.memref_slice %arg5[%add3A_72, %add3A_131, %dma_wait3A] : memref<2x10240x128xf32, #tpu.memory_space<hbm>> -> memref<1x320x128xf32, #tpu.memory_space<hbm>>
        %dma_wait3A_138 = tpu.memref_squeeze %dma_wait3A_137 : memref<1x320x128xf32, #tpu.memory_space<hbm>> -> memref<320x128xf32, #tpu.memory_space<hbm>>
        %dma_wait3A_139 = arith.constant 0 : i32
        %dma_wait3A_140 = tpu.memref_slice %arg27[%mul3A_128, %dma_wait3A_139] : memref<5128x128xf32, #tpu.memory_space<vmem_shared>> -> memref<320x128xf32, #tpu.memory_space<vmem_shared>>
        tpu.wait_dma2 semaphore(%run_scoped3A : memref<!tpu.dma_semaphore, #tpu.memory_space<semaphore_mem>>) src(%dma_wait3A_140 : memref<320x128xf32, #tpu.memory_space<vmem_shared>>) dst(%dma_wait3A_138 : memref<320x128xf32, #tpu.memory_space<hbm>>)
        tpu.yield
      }) : () -> ()
      %barrier3A_132 = arith.constant 0 : index
      tpu.barrier barrier_id(%barrier3A_132)
    }
    %scan3A_67 = arith.constant 2 : i32
    return
  }
}

#map = affine_map<(d0, d1) -> (0)>
module attributes {stable_mosaic.version = 14 : i64} {
  func.func @_sc_count(%arg0: i32, %arg1: i32, %arg2: memref<160256xi32, #tpu.memory_space<hbm>>, %arg3: memref<327680xf32, #tpu.memory_space<hbm>>, %arg4: memref<5008xi32, #tpu.memory_space<vmem>>, %arg5: memref<10240xf32, #tpu.memory_space<vmem>>) attributes {dimension_semantics = [#tpu.dimension_semantics<core_parallel>, #tpu.dimension_semantics<subcore_parallel>], iteration_bounds = array<i64: 2, 16>, scalar_prefetch = 0 : i64, scratch_operands = 2 : i64, tpu.core_type = #tpu.core_type<sc_vector_subcore>, window_params = [{transform_indices = #map}, {transform_indices = #map}]} {
    %mul3A = arith.constant 16 : i32
    %mul3A_0 = arith.muli %arg0, %mul3A : i32
    %add3A = arith.addi %mul3A_0, %arg1 : i32
    %mul3A_1 = arith.constant 5008 : i32
    %mul3A_2 = arith.muli %add3A, %mul3A_1 : i32
    "tpu.region"() ({
      %run_scoped3A = tpu.sem_alloc : memref<!tpu.dma_semaphore, #tpu.memory_space<semaphore_mem>>
      %dma_start3A = tpu.memref_slice %arg2[%mul3A_2] : memref<160256xi32, #tpu.memory_space<hbm>> -> memref<5008xi32, #tpu.memory_space<hbm>>
      %dma_start3A_17 = tpu.memref_slice %arg2[%mul3A_2] : memref<160256xi32, #tpu.memory_space<hbm>> -> memref<5008xi32, #tpu.memory_space<hbm>>
      tpu.enqueue_dma source(%dma_start3A_17 : memref<5008xi32, #tpu.memory_space<hbm>>) target(%arg4 : memref<5008xi32, #tpu.memory_space<vmem>>) target_semaphore(%run_scoped3A : memref<!tpu.dma_semaphore, #tpu.memory_space<semaphore_mem>>)
      %dma_wait3A = tpu.memref_slice %arg2[%mul3A_2] : memref<160256xi32, #tpu.memory_space<hbm>> -> memref<5008xi32, #tpu.memory_space<hbm>>
      %dma_wait3A_18 = tpu.memref_slice %arg2[%mul3A_2] : memref<160256xi32, #tpu.memory_space<hbm>> -> memref<5008xi32, #tpu.memory_space<hbm>>
      tpu.wait_dma2 semaphore(%run_scoped3A : memref<!tpu.dma_semaphore, #tpu.memory_space<semaphore_mem>>) src(%dma_wait3A_18 : memref<5008xi32, #tpu.memory_space<hbm>>) dst(%arg4 : memref<5008xi32, #tpu.memory_space<vmem>>)
      tpu.yield
    }) : () -> ()
    %broadcast_in_dim3A = arith.constant 0.000000e+00 : f32
    %broadcast_in_dim3A_3 = vector.broadcast %broadcast_in_dim3A : f32 to vector<16xf32>
    %broadcast_in_dim3A_4 = arith.constant 1.000000e+00 : f32
    %broadcast_in_dim3A_5 = vector.broadcast %broadcast_in_dim3A_4 : f32 to vector<16xf32>
    %scan3A = arith.constant 0 : i32
    %scan3A_6 = arith.constant 640 : i32
    %scan3A_7 = arith.addi %scan3A, %scan3A_6 : i32
    %scan3A_8 = arith.constant 1 : i32
    scf.for %scan3A_17 = %scan3A to %scan3A_7 step %scan3A_8  : i32 {
      %mul3A_18 = arith.constant 1 : i32
      %mul3A_19 = arith.muli %scan3A_17, %mul3A_18 : i32
      %add3A_20 = arith.constant 0 : i32
      %add3A_21 = arith.addi %add3A_20, %mul3A_19 : i32
      %mul3A_22 = arith.constant 16 : i32
      %mul3A_23 = arith.muli %add3A_21, %mul3A_22 : i32
      %swap3A = arith.index_cast %mul3A_23 : i32 to index
      %swap3A_24 = tpu.vector_load %arg5[%swap3A] {strides = array<i32>} : memref<10240xf32, #tpu.memory_space<vmem>>, vector<16xf32>,
      tpu.vector_store %arg5[%swap3A], %broadcast_in_dim3A_3 {strides = array<i32>} : memref<10240xf32, #tpu.memory_space<vmem>>, vector<16xf32>,
    }
    %scan3A_9 = arith.constant 640 : i32
    %scan3A_10 = arith.constant 0 : i32
    %scan3A_11 = arith.constant 313 : i32
    %scan3A_12 = arith.addi %scan3A_10, %scan3A_11 : i32
    %scan3A_13 = arith.constant 1 : i32
    scf.for %scan3A_17 = %scan3A_10 to %scan3A_12 step %scan3A_13  : i32 {
      %mul3A_18 = arith.constant 1 : i32
      %mul3A_19 = arith.muli %scan3A_17, %mul3A_18 : i32
      %add3A_20 = arith.constant 0 : i32
      %add3A_21 = arith.addi %add3A_20, %mul3A_19 : i32
      %mul3A_22 = arith.constant 16 : i32
      %mul3A_23 = arith.muli %add3A_21, %mul3A_22 : i32
      %get3A = arith.index_cast %mul3A_23 : i32 to index
      %get3A_24 = tpu.vector_load %arg4[%get3A] {strides = array<i32>} : memref<5008xi32, #tpu.memory_space<vmem>>, vector<16xi32>,
      tpu.vector_store_idx %arg5[%get3A_24], %broadcast_in_dim3A_5 {add = true} : memref<10240xf32, #tpu.memory_space<vmem>>[vector<16xi32>], vector<16xf32>,
    }
    %scan3A_14 = arith.constant 313 : i32
    %mul3A_15 = arith.constant 10240 : i32
    %mul3A_16 = arith.muli %add3A, %mul3A_15 : i32
    "tpu.region"() ({
      %run_scoped3A = tpu.sem_alloc : memref<!tpu.dma_semaphore, #tpu.memory_space<semaphore_mem>>
      %dma_start3A = tpu.memref_slice %arg3[%mul3A_16] : memref<327680xf32, #tpu.memory_space<hbm>> -> memref<10240xf32, #tpu.memory_space<hbm>>
      %dma_start3A_17 = tpu.memref_slice %arg3[%mul3A_16] : memref<327680xf32, #tpu.memory_space<hbm>> -> memref<10240xf32, #tpu.memory_space<hbm>>
      tpu.enqueue_dma source(%arg5 : memref<10240xf32, #tpu.memory_space<vmem>>) target(%dma_start3A_17 : memref<10240xf32, #tpu.memory_space<hbm>>) target_semaphore(%run_scoped3A : memref<!tpu.dma_semaphore, #tpu.memory_space<semaphore_mem>>)
      %dma_wait3A = tpu.memref_slice %arg3[%mul3A_16] : memref<327680xf32, #tpu.memory_space<hbm>> -> memref<10240xf32, #tpu.memory_space<hbm>>
      %dma_wait3A_18 = tpu.memref_slice %arg3[%mul3A_16] : memref<327680xf32, #tpu.memory_space<hbm>> -> memref<10240xf32, #tpu.memory_space<hbm>>
      tpu.wait_dma2 semaphore(%run_scoped3A : memref<!tpu.dma_semaphore, #tpu.memory_space<semaphore_mem>>) src(%arg5 : memref<10240xf32, #tpu.memory_space<vmem>>) dst(%dma_wait3A_18 : memref<10240xf32, #tpu.memory_space<hbm>>)
      tpu.yield
    }) : () -> ()
    return
  }
}

#map = affine_map<(d0, d1) -> (0)>
module attributes {stable_mosaic.version = 14 : i64} {
  func.func @_sc_scalarprop(%arg0: i32, %arg1: i32, %arg2: memref<160256xi32, #tpu.memory_space<hbm>>, %arg3: memref<160256xi32, #tpu.memory_space<hbm>>, %arg4: memref<10240xf32, #tpu.memory_space<hbm>>, %arg5: memref<327680xf32, #tpu.memory_space<hbm>>, %arg6: memref<5008xi32, #tpu.memory_space<vmem>>, %arg7: memref<5008xi32, #tpu.memory_space<vmem>>, %arg8: memref<10240xf32, #tpu.memory_space<vmem>>, %arg9: memref<10240xf32, #tpu.memory_space<vmem>>) attributes {dimension_semantics = [#tpu.dimension_semantics<core_parallel>, #tpu.dimension_semantics<subcore_parallel>], iteration_bounds = array<i64: 2, 16>, scalar_prefetch = 0 : i64, scratch_operands = 4 : i64, tpu.core_type = #tpu.core_type<sc_vector_subcore>, window_params = [{transform_indices = #map}, {transform_indices = #map}, {transform_indices = #map}, {transform_indices = #map}]} {
    %mul3A = arith.constant 16 : i32
    %mul3A_0 = arith.muli %arg0, %mul3A : i32
    %add3A = arith.addi %mul3A_0, %arg1 : i32
    %mul3A_1 = arith.constant 5008 : i32
    %mul3A_2 = arith.muli %add3A, %mul3A_1 : i32
    "tpu.region"() ({
      %run_scoped3A = tpu.sem_alloc : memref<!tpu.dma_semaphore, #tpu.memory_space<semaphore_mem>>
      %dma_start3A = tpu.memref_slice %arg2[%mul3A_2] : memref<160256xi32, #tpu.memory_space<hbm>> -> memref<5008xi32, #tpu.memory_space<hbm>>
      %dma_start3A_28 = tpu.memref_slice %arg2[%mul3A_2] : memref<160256xi32, #tpu.memory_space<hbm>> -> memref<5008xi32, #tpu.memory_space<hbm>>
      tpu.enqueue_dma source(%dma_start3A_28 : memref<5008xi32, #tpu.memory_space<hbm>>) target(%arg6 : memref<5008xi32, #tpu.memory_space<vmem>>) target_semaphore(%run_scoped3A : memref<!tpu.dma_semaphore, #tpu.memory_space<semaphore_mem>>)
      %dma_wait3A = tpu.memref_slice %arg2[%mul3A_2] : memref<160256xi32, #tpu.memory_space<hbm>> -> memref<5008xi32, #tpu.memory_space<hbm>>
      %dma_wait3A_29 = tpu.memref_slice %arg2[%mul3A_2] : memref<160256xi32, #tpu.memory_space<hbm>> -> memref<5008xi32, #tpu.memory_space<hbm>>
      tpu.wait_dma2 semaphore(%run_scoped3A : memref<!tpu.dma_semaphore, #tpu.memory_space<semaphore_mem>>) src(%dma_wait3A_29 : memref<5008xi32, #tpu.memory_space<hbm>>) dst(%arg6 : memref<5008xi32, #tpu.memory_space<vmem>>)
      tpu.yield
    }) : () -> ()
    %mul3A_3 = arith.constant 5008 : i32
    %mul3A_4 = arith.muli %add3A, %mul3A_3 : i32
    "tpu.region"() ({
      %run_scoped3A = tpu.sem_alloc : memref<!tpu.dma_semaphore, #tpu.memory_space<semaphore_mem>>
      %dma_start3A = tpu.memref_slice %arg3[%mul3A_4] : memref<160256xi32, #tpu.memory_space<hbm>> -> memref<5008xi32, #tpu.memory_space<hbm>>
      %dma_start3A_28 = tpu.memref_slice %arg3[%mul3A_4] : memref<160256xi32, #tpu.memory_space<hbm>> -> memref<5008xi32, #tpu.memory_space<hbm>>
      tpu.enqueue_dma source(%dma_start3A_28 : memref<5008xi32, #tpu.memory_space<hbm>>) target(%arg7 : memref<5008xi32, #tpu.memory_space<vmem>>) target_semaphore(%run_scoped3A : memref<!tpu.dma_semaphore, #tpu.memory_space<semaphore_mem>>)
      %dma_wait3A = tpu.memref_slice %arg3[%mul3A_4] : memref<160256xi32, #tpu.memory_space<hbm>> -> memref<5008xi32, #tpu.memory_space<hbm>>
      %dma_wait3A_29 = tpu.memref_slice %arg3[%mul3A_4] : memref<160256xi32, #tpu.memory_space<hbm>> -> memref<5008xi32, #tpu.memory_space<hbm>>
      tpu.wait_dma2 semaphore(%run_scoped3A : memref<!tpu.dma_semaphore, #tpu.memory_space<semaphore_mem>>) src(%dma_wait3A_29 : memref<5008xi32, #tpu.memory_space<hbm>>) dst(%arg7 : memref<5008xi32, #tpu.memory_space<vmem>>)
      tpu.yield
    }) : () -> ()
    "tpu.region"() ({
      %run_scoped3A = tpu.sem_alloc : memref<!tpu.dma_semaphore, #tpu.memory_space<semaphore_mem>>
      tpu.enqueue_dma source(%arg4 : memref<10240xf32, #tpu.memory_space<hbm>>) target(%arg8 : memref<10240xf32, #tpu.memory_space<vmem>>) target_semaphore(%run_scoped3A : memref<!tpu.dma_semaphore, #tpu.memory_space<semaphore_mem>>)
      tpu.wait_dma2 semaphore(%run_scoped3A : memref<!tpu.dma_semaphore, #tpu.memory_space<semaphore_mem>>) src(%arg4 : memref<10240xf32, #tpu.memory_space<hbm>>) dst(%arg8 : memref<10240xf32, #tpu.memory_space<vmem>>)
      tpu.yield
    }) : () -> ()
    %broadcast_in_dim3A = arith.constant 0.000000e+00 : f32
    %broadcast_in_dim3A_5 = vector.broadcast %broadcast_in_dim3A : f32 to vector<16xf32>
    %scan3A = arith.constant 0 : i32
    %scan3A_6 = arith.constant 640 : i32
    %scan3A_7 = arith.addi %scan3A, %scan3A_6 : i32
    %scan3A_8 = arith.constant 1 : i32
    scf.for %scan3A_28 = %scan3A to %scan3A_7 step %scan3A_8  : i32 {
      %mul3A_29 = arith.constant 1 : i32
      %mul3A_30 = arith.muli %scan3A_28, %mul3A_29 : i32
      %add3A_31 = arith.constant 0 : i32
      %add3A_32 = arith.addi %add3A_31, %mul3A_30 : i32
      %mul3A_33 = arith.constant 16 : i32
      %mul3A_34 = arith.muli %add3A_32, %mul3A_33 : i32
      %swap3A = arith.index_cast %mul3A_34 : i32 to index
      %swap3A_35 = tpu.vector_load %arg9[%swap3A] {strides = array<i32>} : memref<10240xf32, #tpu.memory_space<vmem>>, vector<16xf32>,
      tpu.vector_store %arg9[%swap3A], %broadcast_in_dim3A_5 {strides = array<i32>} : memref<10240xf32, #tpu.memory_space<vmem>>, vector<16xf32>,
    }
    %scan3A_9 = arith.constant 640 : i32
    %scan3A_10 = arith.constant 0 : i32
    %scan3A_11 = arith.constant 312 : i32
    %scan3A_12 = arith.addi %scan3A_10, %scan3A_11 : i32
    %scan3A_13 = arith.constant 4 : i32
    scf.for %scan3A_28 = %scan3A_10 to %scan3A_12 step %scan3A_13  : i32 {
      %mul3A_29 = arith.constant 1 : i32
      %mul3A_30 = arith.muli %scan3A_28, %mul3A_29 : i32
      %add3A_31 = arith.constant 0 : i32
      %add3A_32 = arith.addi %add3A_31, %mul3A_30 : i32
      %mul3A_33 = arith.constant 16 : i32
      %mul3A_34 = arith.muli %add3A_32, %mul3A_33 : i32
      %get3A_35 = arith.index_cast %mul3A_34 : i32 to index
      %get3A_36 = tpu.vector_load %arg6[%get3A_35] {strides = array<i32>} : memref<5008xi32, #tpu.memory_space<vmem>>, vector<16xi32>,
      %get3A_37 = arith.index_cast %mul3A_34 : i32 to index
      %get3A_38 = tpu.vector_load %arg7[%get3A_37] {strides = array<i32>} : memref<5008xi32, #tpu.memory_space<vmem>>, vector<16xi32>,
      %gather3A_39 = tpu.vector_load_idx %arg8[%get3A_36] : memref<10240xf32, #tpu.memory_space<vmem>>[vector<16xi32>], vector<16xf32>,
      tpu.vector_store_idx %arg9[%get3A_38], %gather3A_39 {add = true} : memref<10240xf32, #tpu.memory_space<vmem>>[vector<16xi32>], vector<16xf32>,
      %scan3A_40 = arith.constant 1 : i32
      %scan3A_41 = arith.addi %scan3A_28, %scan3A_40 : i32
      %mul3A_42 = arith.constant 1 : i32
      %mul3A_43 = arith.muli %scan3A_41, %mul3A_42 : i32
      %add3A_44 = arith.constant 0 : i32
      %add3A_45 = arith.addi %add3A_44, %mul3A_43 : i32
      %mul3A_46 = arith.constant 16 : i32
      %mul3A_47 = arith.muli %add3A_45, %mul3A_46 : i32
      %get3A_48 = arith.index_cast %mul3A_47 : i32 to index
      %get3A_49 = tpu.vector_load %arg6[%get3A_48] {strides = array<i32>} : memref<5008xi32, #tpu.memory_space<vmem>>, vector<16xi32>,
      %get3A_50 = arith.index_cast %mul3A_47 : i32 to index
      %get3A_51 = tpu.vector_load %arg7[%get3A_50] {strides = array<i32>} : memref<5008xi32, #tpu.memory_space<vmem>>, vector<16xi32>,
      %gather3A_52 = tpu.vector_load_idx %arg8[%get3A_49] : memref<10240xf32, #tpu.memory_space<vmem>>[vector<16xi32>], vector<16xf32>,
      tpu.vector_store_idx %arg9[%get3A_51], %gather3A_52 {add = true} : memref<10240xf32, #tpu.memory_space<vmem>>[vector<16xi32>], vector<16xf32>,
      %scan3A_53 = arith.constant 2 : i32
      %scan3A_54 = arith.addi %scan3A_28, %scan3A_53 : i32
      %mul3A_55 = arith.constant 1 : i32
      %mul3A_56 = arith.muli %scan3A_54, %mul3A_55 : i32
      %add3A_57 = arith.constant 0 : i32
      %add3A_58 = arith.addi %add3A_57, %mul3A_56 : i32
      %mul3A_59 = arith.constant 16 : i32
      %mul3A_60 = arith.muli %add3A_58, %mul3A_59 : i32
      %get3A_61 = arith.index_cast %mul3A_60 : i32 to index
      %get3A_62 = tpu.vector_load %arg6[%get3A_61] {strides = array<i32>} : memref<5008xi32, #tpu.memory_space<vmem>>, vector<16xi32>,
      %get3A_63 = arith.index_cast %mul3A_60 : i32 to index
      %get3A_64 = tpu.vector_load %arg7[%get3A_63] {strides = array<i32>} : memref<5008xi32, #tpu.memory_space<vmem>>, vector<16xi32>,
      %gather3A_65 = tpu.vector_load_idx %arg8[%get3A_62] : memref<10240xf32, #tpu.memory_space<vmem>>[vector<16xi32>], vector<16xf32>,
      tpu.vector_store_idx %arg9[%get3A_64], %gather3A_65 {add = true} : memref<10240xf32, #tpu.memory_space<vmem>>[vector<16xi32>], vector<16xf32>,
      %scan3A_66 = arith.constant 3 : i32
      %scan3A_67 = arith.addi %scan3A_28, %scan3A_66 : i32
      %mul3A_68 = arith.constant 1 : i32
      %mul3A_69 = arith.muli %scan3A_67, %mul3A_68 : i32
      %add3A_70 = arith.constant 0 : i32
      %add3A_71 = arith.addi %add3A_70, %mul3A_69 : i32
      %mul3A_72 = arith.constant 16 : i32
      %mul3A_73 = arith.muli %add3A_71, %mul3A_72 : i32
      %get3A_74 = arith.index_cast %mul3A_73 : i32 to index
      %get3A_75 = tpu.vector_load %arg6[%get3A_74] {strides = array<i32>} : memref<5008xi32, #tpu.memory_space<vmem>>, vector<16xi32>,
      %get3A_76 = arith.index_cast %mul3A_73 : i32 to index
      %get3A_77 = tpu.vector_load %arg7[%get3A_76] {strides = array<i32>} : memref<5008xi32, #tpu.memory_space<vmem>>, vector<16xi32>,
      %gather3A_78 = tpu.vector_load_idx %arg8[%get3A_75] : memref<10240xf32, #tpu.memory_space<vmem>>[vector<16xi32>], vector<16xf32>,
      tpu.vector_store_idx %arg9[%get3A_77], %gather3A_78 {add = true} : memref<10240xf32, #tpu.memory_space<vmem>>[vector<16xi32>], vector<16xf32>,
    }
    %scan3A_14 = arith.constant 312 : i32
    %scan3A_15 = arith.addi %scan3A_10, %scan3A_14 : i32
    %mul3A_16 = arith.constant 1 : i32
    %mul3A_17 = arith.muli %scan3A_15, %mul3A_16 : i32
    %add3A_18 = arith.constant 0 : i32
    %add3A_19 = arith.addi %add3A_18, %mul3A_17 : i32
    %mul3A_20 = arith.constant 16 : i32
    %mul3A_21 = arith.muli %add3A_19, %mul3A_20 : i32
    %get3A = arith.index_cast %mul3A_21 : i32 to index
    %get3A_22 = tpu.vector_load %arg6[%get3A] {strides = array<i32>} : memref<5008xi32, #tpu.memory_space<vmem>>, vector<16xi32>,
    %get3A_23 = arith.index_cast %mul3A_21 : i32 to index
    %get3A_24 = tpu.vector_load %arg7[%get3A_23] {strides = array<i32>} : memref<5008xi32, #tpu.memory_space<vmem>>, vector<16xi32>,
    %gather3A = tpu.vector_load_idx %arg8[%get3A_22] : memref<10240xf32, #tpu.memory_space<vmem>>[vector<16xi32>], vector<16xf32>,
    tpu.vector_store_idx %arg9[%get3A_24], %gather3A {add = true} : memref<10240xf32, #tpu.memory_space<vmem>>[vector<16xi32>], vector<16xf32>,
    %scan3A_25 = arith.constant 313 : i32
    %mul3A_26 = arith.constant 10240 : i32
    %mul3A_27 = arith.muli %add3A, %mul3A_26 : i32
    "tpu.region"() ({
      %run_scoped3A = tpu.sem_alloc : memref<!tpu.dma_semaphore, #tpu.memory_space<semaphore_mem>>
      %dma_start3A = tpu.memref_slice %arg5[%mul3A_27] : memref<327680xf32, #tpu.memory_space<hbm>> -> memref<10240xf32, #tpu.memory_space<hbm>>
      %dma_start3A_28 = tpu.memref_slice %arg5[%mul3A_27] : memref<327680xf32, #tpu.memory_space<hbm>> -> memref<10240xf32, #tpu.memory_space<hbm>>
      tpu.enqueue_dma source(%arg9 : memref<10240xf32, #tpu.memory_space<vmem>>) target(%dma_start3A_28 : memref<10240xf32, #tpu.memory_space<hbm>>) target_semaphore(%run_scoped3A : memref<!tpu.dma_semaphore, #tpu.memory_space<semaphore_mem>>)
      %dma_wait3A = tpu.memref_slice %arg5[%mul3A_27] : memref<327680xf32, #tpu.memory_space<hbm>> -> memref<10240xf32, #tpu.memory_space<hbm>>
      %dma_wait3A_29 = tpu.memref_slice %arg5[%mul3A_27] : memref<327680xf32, #tpu.memory_space<hbm>> -> memref<10240xf32, #tpu.memory_space<hbm>>
      tpu.wait_dma2 semaphore(%run_scoped3A : memref<!tpu.dma_semaphore, #tpu.memory_space<semaphore_mem>>) src(%arg9 : memref<10240xf32, #tpu.memory_space<vmem>>) dst(%dma_wait3A_29 : memref<10240xf32, #tpu.memory_space<hbm>>)
      tpu.yield
    }) : () -> ()
    return
  }
}

module attributes {stable_mosaic.version = 14 : i64} {
  func.func @_tc_prep_body(%arg0: i32, %arg1: memref<32x1024xf32, #tpu.memory_space<vmem>>, %arg2: memref<1024x256xf32, #tpu.memory_space<vmem>>, %arg3: memref<1024x16xf32, #tpu.memory_space<vmem>>, %arg4: memref<2x1024x128xf32, #tpu.memory_space<vmem>>) attributes {dimension_semantics = [#tpu.dimension_semantics<arbitrary>], iteration_bounds = array<i64: 10>, scalar_prefetch = 0 : i64, scratch_operands = 0 : i64, tpu.core_type = #tpu.core_type<tc>, window_params = [{transform_indices = @transform_0, window_bounds = array<i64: 32, 1024>}, {transform_indices = @transform_1, window_bounds = array<i64: 1024, 256>}, {transform_indices = @transform_2, window_bounds = array<i64: 1024, 16>}, {transform_indices = @transform_3, window_bounds = array<i64: 2, 1024, 128>}]} {
    %broadcast_in_dim3A = arith.constant 1.000000e+00 : f32
    %broadcast_in_dim3A_0 = vector.broadcast %broadcast_in_dim3A : f32 to vector<32x1xf32>
    %get3A = arith.constant 0 : index
    %get3A_1 = arith.constant 0 : index
    %get3A_2 = vector.load %arg1[%get3A, %get3A_1] : memref<32x1024xf32, #tpu.memory_space<vmem>>, vector<32x1024xf32>
    %dot_general3A = arith.constant dense<0.000000e+00> : vector<1024x1xf32>
    %dot_general3A_3 = tpu.matmul %get3A_2, %broadcast_in_dim3A_0, %dot_general3A {dimension_numbers = #tpu.dot_dimension_numbers<[0], [0], [1], [1], [0, 1, 1, 1], [], []>, transpose_lhs_hint = false} : vector<32x1024xf32>, vector<32x1xf32>, vector<1024x1xf32> -> vector<1024x1xf32>
    %add3A = arith.constant 1.000000e+00 : f32
    %add3A_4 = vector.broadcast %add3A : f32 to vector<1024x1xf32>
    %add3A_5 = arith.addf %dot_general3A_3, %add3A_4 : vector<1024x1xf32>
    %rsqrt3A = math.rsqrt %add3A_5 : vector<1024x1xf32>
    %get3A_6 = arith.constant 0 : index
    %get3A_7 = arith.constant 0 : index
    %get3A_8 = vector.load %arg2[%get3A_6, %get3A_7] : memref<1024x256xf32, #tpu.memory_space<vmem>>, vector<1024x256xf32>
    %mul3A = vector.broadcast %rsqrt3A : vector<1024x1xf32> to vector<1024x256xf32>
    %mul3A_9 = arith.mulf %get3A_8, %mul3A : vector<1024x256xf32>
    %slice3A = vector.extract_strided_slice %mul3A_9 {offsets = [0, 0], sizes = [1024, 128], strides = [1, 1]} : vector<1024x256xf32> to vector<1024x128xf32>
    %swap3A = arith.constant 0 : index
    %swap3A_10 = arith.constant 0 : index
    %swap3A_11 = arith.constant 0 : index
    %swap3A_12 = vector.load %arg4[%swap3A, %swap3A_10, %swap3A_11] : memref<2x1024x128xf32, #tpu.memory_space<vmem>>, vector<1x1024x128xf32>
    %swap3A_13 = vector.shape_cast %swap3A_12 : vector<1x1024x128xf32> to vector<1024x128xf32>
    %swap3A_14 = vector.shape_cast %slice3A : vector<1024x128xf32> to vector<1x1024x128xf32>
    tpu.vector_store %arg4[%swap3A, %swap3A_10, %swap3A_11], %swap3A_14 {strides = array<i32>} : memref<2x1024x128xf32, #tpu.memory_space<vmem>>, vector<1x1024x128xf32>,
    %slice3A_15 = vector.extract_strided_slice %mul3A_9 {offsets = [0, 128], sizes = [1024, 128], strides = [1, 1]} : vector<1024x256xf32> to vector<1024x128xf32>
    %swap3A_16 = arith.constant 1 : index
    %swap3A_17 = arith.constant 0 : index
    %swap3A_18 = arith.constant 0 : index
    %swap3A_19 = vector.load %arg4[%swap3A_16, %swap3A_17, %swap3A_18] : memref<2x1024x128xf32, #tpu.memory_space<vmem>>, vector<1x1024x128xf32>
    %swap3A_20 = vector.shape_cast %swap3A_19 : vector<1x1024x128xf32> to vector<1024x128xf32>
    %swap3A_21 = vector.shape_cast %slice3A_15 : vector<1024x128xf32> to vector<1x1024x128xf32>
    tpu.vector_store %arg4[%swap3A_16, %swap3A_17, %swap3A_18], %swap3A_21 {strides = array<i32>} : memref<2x1024x128xf32, #tpu.memory_space<vmem>>, vector<1x1024x128xf32>,
    %broadcast_in_dim3A_22 = vector.shape_cast %rsqrt3A : vector<1024x1xf32> to vector<1024x1xf32>
    %broadcast_in_dim3A_23 = vector.broadcast %broadcast_in_dim3A_22 : vector<1024x1xf32> to vector<1024x16xf32>
    %swap3A_24 = arith.constant 0 : index
    %swap3A_25 = arith.constant 0 : index
    %swap3A_26 = vector.load %arg3[%swap3A_24, %swap3A_25] : memref<1024x16xf32, #tpu.memory_space<vmem>>, vector<1024x16xf32>
    tpu.vector_store %arg3[%swap3A_24, %swap3A_25], %broadcast_in_dim3A_23 {strides = array<i32>} : memref<1024x16xf32, #tpu.memory_space<vmem>>, vector<1024x16xf32>,
    return
  }
  func.func @transform_0(%arg0: i32) -> (i32, i32) {
    %c0_i32 = arith.constant 0 : i32
    %c0_i32_0 = arith.constant 0 : i32
    return %c0_i32, %arg0 : i32, i32
  }
  func.func @transform_1(%arg0: i32) -> (i32, i32) {
    %c0_i32 = arith.constant 0 : i32
    %c0_i32_0 = arith.constant 0 : i32
    return %arg0, %c0_i32 : i32, i32
  }
  func.func @transform_2(%arg0: i32) -> (i32, i32) {
    %c0_i32 = arith.constant 0 : i32
    %c0_i32_0 = arith.constant 0 : i32
    return %arg0, %c0_i32 : i32, i32
  }
  func.func @transform_3(%arg0: i32) -> (i32, i32, i32) {
    %c0_i32 = arith.constant 0 : i32
    %c0_i32_0 = arith.constant 0 : i32
    %c0_i32_1 = arith.constant 0 : i32
    return %c0_i32, %arg0, %c0_i32_0 : i32, i32, i32
  }
}

module attributes {stable_mosaic.version = 14 : i64} {
  func.func @_tc_mm_body(%arg0: i32, %arg1: memref<2x400x128xf32, #tpu.memory_space<vmem>>, %arg2: memref<2x400x128xf32, #tpu.memory_space<vmem>>, %arg3: memref<400x16xf32, #tpu.memory_space<vmem>>, %arg4: memref<256x512xf32, #tpu.memory_space<vmem>>, %arg5: memref<1x512xf32, #tpu.memory_space<vmem>>, %arg6: memref<512x1xf32, #tpu.memory_space<vmem>>, %arg7: memref<400x16xf32, #tpu.memory_space<vmem>>) attributes {dimension_semantics = [#tpu.dimension_semantics<arbitrary>], iteration_bounds = array<i64: 25>, scalar_prefetch = 0 : i64, scratch_operands = 0 : i64, tpu.core_type = #tpu.core_type<tc>, window_params = [{transform_indices = @transform_0, window_bounds = array<i64: 2, 400, 128>}, {transform_indices = @transform_1, window_bounds = array<i64: 2, 400, 128>}, {transform_indices = @transform_2, window_bounds = array<i64: 400, 16>}, {pipeline_mode = #tpu.pipeline_mode<synchronous>, transform_indices = @transform_3, window_bounds = array<i64: 256, 512>}, {pipeline_mode = #tpu.pipeline_mode<synchronous>, transform_indices = @transform_4, window_bounds = array<i64: 1, 512>}, {pipeline_mode = #tpu.pipeline_mode<synchronous>, transform_indices = @transform_5, window_bounds = array<i64: 512, 1>}, {transform_indices = @transform_6, window_bounds = array<i64: 400, 16>}]} {
    %get3A = arith.constant 0 : index
    %get3A_0 = arith.constant 0 : index
    %get3A_1 = vector.load %arg3[%get3A, %get3A_0] : memref<400x16xf32, #tpu.memory_space<vmem>>, vector<400x1xf32>
    %get3A_2 = arith.constant 0 : index
    %get3A_3 = arith.constant 0 : index
    %get3A_4 = arith.constant 0 : index
    %get3A_5 = vector.load %arg1[%get3A_2, %get3A_3, %get3A_4] : memref<2x400x128xf32, #tpu.memory_space<vmem>>, vector<1x400x128xf32>
    %get3A_6 = vector.shape_cast %get3A_5 : vector<1x400x128xf32> to vector<400x128xf32>
    %get3A_7 = arith.constant 0 : index
    %get3A_8 = arith.constant 0 : index
    %get3A_9 = arith.constant 0 : index
    %get3A_10 = vector.load %arg2[%get3A_7, %get3A_8, %get3A_9] : memref<2x400x128xf32, #tpu.memory_space<vmem>>, vector<1x400x128xf32>
    %get3A_11 = vector.shape_cast %get3A_10 : vector<1x400x128xf32> to vector<400x128xf32>
    %add3A = arith.addf %get3A_6, %get3A_11 : vector<400x128xf32>
    %mul3A = vector.broadcast %get3A_1 : vector<400x1xf32> to vector<400x128xf32>
    %mul3A_12 = arith.mulf %mul3A, %add3A : vector<400x128xf32>
    %get3A_13 = arith.constant 1 : index
    %get3A_14 = arith.constant 0 : index
    %get3A_15 = arith.constant 0 : index
    %get3A_16 = vector.load %arg1[%get3A_13, %get3A_14, %get3A_15] : memref<2x400x128xf32, #tpu.memory_space<vmem>>, vector<1x400x128xf32>
    %get3A_17 = vector.shape_cast %get3A_16 : vector<1x400x128xf32> to vector<400x128xf32>
    %get3A_18 = arith.constant 1 : index
    %get3A_19 = arith.constant 0 : index
    %get3A_20 = arith.constant 0 : index
    %get3A_21 = vector.load %arg2[%get3A_18, %get3A_19, %get3A_20] : memref<2x400x128xf32, #tpu.memory_space<vmem>>, vector<1x400x128xf32>
    %get3A_22 = vector.shape_cast %get3A_21 : vector<1x400x128xf32> to vector<400x128xf32>
    %add3A_23 = arith.addf %get3A_17, %get3A_22 : vector<400x128xf32>
    %mul3A_24 = vector.broadcast %get3A_1 : vector<400x1xf32> to vector<400x128xf32>
    %mul3A_25 = arith.mulf %mul3A_24, %add3A_23 : vector<400x128xf32>
    %get3A_26 = arith.constant 0 : index
    %get3A_27 = arith.constant 0 : index
    %get3A_28 = vector.load %arg4[%get3A_26, %get3A_27] : memref<256x512xf32, #tpu.memory_space<vmem>>, vector<128x512xf32>
    %dot_general3A = arith.constant dense<0.000000e+00> : vector<400x512xf32>
    %dot_general3A_29 = tpu.matmul %mul3A_12, %get3A_28, %dot_general3A {dimension_numbers = #tpu.dot_dimension_numbers<[1], [0], [0], [1], [0, 0, 1, 1], [], []>, transpose_lhs_hint = false} : vector<400x128xf32>, vector<128x512xf32>, vector<400x512xf32> -> vector<400x512xf32>
    %get3A_30 = arith.constant 128 : index
    %get3A_31 = arith.constant 0 : index
    %get3A_32 = vector.load %arg4[%get3A_30, %get3A_31] : memref<256x512xf32, #tpu.memory_space<vmem>>, vector<128x512xf32>
    %dot_general3A_33 = arith.constant dense<0.000000e+00> : vector<400x512xf32>
    %dot_general3A_34 = tpu.matmul %mul3A_25, %get3A_32, %dot_general3A_33 {dimension_numbers = #tpu.dot_dimension_numbers<[1], [0], [0], [1], [0, 0, 1, 1], [], []>, transpose_lhs_hint = false} : vector<400x128xf32>, vector<128x512xf32>, vector<400x512xf32> -> vector<400x512xf32>
    %add3A_35 = arith.addf %dot_general3A_29, %dot_general3A_34 : vector<400x512xf32>
    %get3A_36 = arith.constant 0 : index
    %get3A_37 = arith.constant 0 : index
    %get3A_38 = vector.load %arg5[%get3A_36, %get3A_37] : memref<1x512xf32, #tpu.memory_space<vmem>>, vector<1x512xf32>
    %add3A_39 = vector.broadcast %get3A_38 : vector<1x512xf32> to vector<400x512xf32>
    %add3A_40 = arith.addf %add3A_35, %add3A_39 : vector<400x512xf32>
    %max3A = arith.constant 0.000000e+00 : f32
    %max3A_41 = vector.broadcast %max3A : f32 to vector<400x512xf32>
    %max3A_42 = arith.maximumf %add3A_40, %max3A_41 : vector<400x512xf32>
    %get3A_43 = arith.constant 0 : index
    %get3A_44 = arith.constant 0 : index
    %get3A_45 = vector.load %arg6[%get3A_43, %get3A_44] : memref<512x1xf32, #tpu.memory_space<vmem>>, vector<512x1xf32>
    %dot_general3A_46 = arith.constant dense<0.000000e+00> : vector<400x1xf32>
    %dot_general3A_47 = tpu.matmul %max3A_42, %get3A_45, %dot_general3A_46 {dimension_numbers = #tpu.dot_dimension_numbers<[1], [0], [0], [1], [0, 0, 1, 1], [], []>, transpose_lhs_hint = false} : vector<400x512xf32>, vector<512x1xf32>, vector<400x1xf32> -> vector<400x1xf32>
    %mul3A_48 = arith.mulf %dot_general3A_47, %get3A_1 : vector<400x1xf32>
    %broadcast_in_dim3A = vector.shape_cast %mul3A_48 : vector<400x1xf32> to vector<400x1xf32>
    %broadcast_in_dim3A_49 = vector.broadcast %broadcast_in_dim3A : vector<400x1xf32> to vector<400x16xf32>
    %swap3A = arith.constant 0 : index
    %swap3A_50 = arith.constant 0 : index
    %swap3A_51 = vector.load %arg7[%swap3A, %swap3A_50] : memref<400x16xf32, #tpu.memory_space<vmem>>, vector<400x16xf32>
    tpu.vector_store %arg7[%swap3A, %swap3A_50], %broadcast_in_dim3A_49 {strides = array<i32>} : memref<400x16xf32, #tpu.memory_space<vmem>>, vector<400x16xf32>,
    return
  }
  func.func @transform_0(%arg0: i32) -> (i32, i32, i32) {
    %c0_i32 = arith.constant 0 : i32
    %c0_i32_0 = arith.constant 0 : i32
    %c0_i32_1 = arith.constant 0 : i32
    return %c0_i32, %arg0, %c0_i32_0 : i32, i32, i32
  }
  func.func @transform_1(%arg0: i32) -> (i32, i32, i32) {
    %c0_i32 = arith.constant 0 : i32
    %c0_i32_0 = arith.constant 0 : i32
    %c0_i32_1 = arith.constant 0 : i32
    return %c0_i32, %arg0, %c0_i32_0 : i32, i32, i32
  }
  func.func @transform_2(%arg0: i32) -> (i32, i32) {
    %c0_i32 = arith.constant 0 : i32
    %c0_i32_0 = arith.constant 0 : i32
    return %arg0, %c0_i32 : i32, i32
  }
  func.func @transform_3(%arg0: i32) -> (i32, i32) {
    %c0_i32 = arith.constant 0 : i32
    %c0_i32_0 = arith.constant 0 : i32
    %c0_i32_1 = arith.constant 0 : i32
    return %c0_i32, %c0_i32_0 : i32, i32
  }
  func.func @transform_4(%arg0: i32) -> (i32, i32) {
    %c0_i32 = arith.constant 0 : i32
    %c0_i32_0 = arith.constant 0 : i32
    %c0_i32_1 = arith.constant 0 : i32
    return %c0_i32, %c0_i32_0 : i32, i32
  }
  func.func @transform_5(%arg0: i32) -> (i32, i32) {
    %c0_i32 = arith.constant 0 : i32
    %c0_i32_0 = arith.constant 0 : i32
    %c0_i32_1 = arith.constant 0 : i32
    return %c0_i32, %c0_i32_0 : i32, i32
  }
  func.func @transform_6(%arg0: i32) -> (i32, i32) {
    %c0_i32 = arith.constant 0 : i32
    %c0_i32_0 = arith.constant 0 : i32
    return %arg0, %c0_i32 : i32, i32
  }
}

module attributes {stable_mosaic.version = 14 : i64} {
  func.func @_tc_final_body(%arg0: i32, %arg1: memref<32x16x128xf32, #tpu.memory_space<vmem>>, %arg2: memref<16x128xf32, #tpu.memory_space<vmem>>, %arg3: memref<32x16x128xf32, #tpu.memory_space<vmem>>, %arg4: memref<1x1xf32, #tpu.memory_space<smem>>, %arg5: memref<16x128xf32, #tpu.memory_space<vmem>>) attributes {dimension_semantics = [#tpu.dimension_semantics<arbitrary>], iteration_bounds = array<i64: 5>, scalar_prefetch = 0 : i64, scratch_operands = 0 : i64, tpu.core_type = #tpu.core_type<tc>, window_params = [{transform_indices = @transform_0, window_bounds = array<i64: 32, 16, 128>}, {transform_indices = @transform_1, window_bounds = array<i64: 16, 128>}, {transform_indices = @transform_2, window_bounds = array<i64: 32, 16, 128>}, {transform_indices = @transform_3, window_bounds = array<i64: 1, 1>}, {transform_indices = @transform_4, window_bounds = array<i64: 16, 128>}]} {
    %get3A = arith.constant 0 : index
    %get3A_0 = arith.constant 0 : index
    %get3A_1 = arith.constant 0 : index
    %get3A_2 = vector.load %arg3[%get3A, %get3A_0, %get3A_1] : memref<32x16x128xf32, #tpu.memory_space<vmem>>, vector<32x16x128xf32>
    %reduce_sum3A = arith.constant dense<0.000000e+00> : vector<16x128xf32>
    %reduce_sum3A_3 = vector.multi_reduction <add>, %get3A_2, %reduce_sum3A [0] : vector<32x16x128xf32> to vector<16x128xf32>
    %add3A = arith.constant 1.000000e+00 : f32
    %add3A_4 = vector.broadcast %add3A : f32 to vector<16x128xf32>
    %add3A_5 = arith.addf %reduce_sum3A_3, %add3A_4 : vector<16x128xf32>
    %rsqrt3A = math.rsqrt %add3A_5 : vector<16x128xf32>
    %get3A_6 = arith.constant 0 : index
    %get3A_7 = arith.constant 0 : index
    %get3A_8 = arith.constant 0 : index
    %get3A_9 = vector.load %arg1[%get3A_6, %get3A_7, %get3A_8] : memref<32x16x128xf32, #tpu.memory_space<vmem>>, vector<32x16x128xf32>
    %reduce_sum3A_10 = arith.constant dense<0.000000e+00> : vector<16x128xf32>
    %reduce_sum3A_11 = vector.multi_reduction <add>, %get3A_9, %reduce_sum3A_10 [0] : vector<32x16x128xf32> to vector<16x128xf32>
    %get3A_12 = arith.constant 0 : index
    %get3A_13 = arith.constant 0 : index
    %get3A_14 = vector.load %arg2[%get3A_12, %get3A_13] : memref<16x128xf32, #tpu.memory_space<vmem>>, vector<16x128xf32>
    %add3A_15 = arith.addf %reduce_sum3A_11, %get3A_14 : vector<16x128xf32>
    %mul3A = arith.mulf %rsqrt3A, %add3A_15 : vector<16x128xf32>
    %get3A_16 = arith.constant 0 : index
    %get3A_17 = arith.constant 0 : index
    %get3A_18 = memref.load %arg4[%get3A_16, %get3A_17] : memref<1x1xf32, #tpu.memory_space<smem>>
    %add3A_19 = vector.broadcast %get3A_18 : f32 to vector<16x128xf32>
    %add3A_20 = arith.addf %mul3A, %add3A_19 : vector<16x128xf32>
    %logistic3A = arith.negf %add3A_20 : vector<16x128xf32>
    %logistic3A_21 = math.exp %logistic3A : vector<16x128xf32>
    %logistic3A_22 = arith.constant 1.000000e+00 : f32
    %logistic3A_23 = vector.broadcast %logistic3A_22 : f32 to vector<16x128xf32>
    %logistic3A_24 = arith.addf %logistic3A_23, %logistic3A_21 : vector<16x128xf32>
    %logistic3A_25 = arith.divf %logistic3A_23, %logistic3A_24 : vector<16x128xf32>
    %swap3A = arith.constant 0 : index
    %swap3A_26 = arith.constant 0 : index
    %swap3A_27 = vector.load %arg5[%swap3A, %swap3A_26] : memref<16x128xf32, #tpu.memory_space<vmem>>, vector<16x128xf32>
    tpu.vector_store %arg5[%swap3A, %swap3A_26], %logistic3A_25 {strides = array<i32>} : memref<16x128xf32, #tpu.memory_space<vmem>>, vector<16x128xf32>,
    return
  }
  func.func @transform_0(%arg0: i32) -> (i32, i32, i32) {
    %c0_i32 = arith.constant 0 : i32
    %c0_i32_0 = arith.constant 0 : i32
    %c0_i32_1 = arith.constant 0 : i32
    return %c0_i32, %arg0, %c0_i32_0 : i32, i32, i32
  }
  func.func @transform_1(%arg0: i32) -> (i32, i32) {
    %c0_i32 = arith.constant 0 : i32
    %c0_i32_0 = arith.constant 0 : i32
    return %arg0, %c0_i32 : i32, i32
  }
  func.func @transform_2(%arg0: i32) -> (i32, i32, i32) {
    %c0_i32 = arith.constant 0 : i32
    %c0_i32_0 = arith.constant 0 : i32
    %c0_i32_1 = arith.constant 0 : i32
    return %c0_i32, %arg0, %c0_i32_0 : i32, i32, i32
  }
  func.func @transform_3(%arg0: i32) -> (i32, i32) {
    %c0_i32 = arith.constant 0 : i32
    %c0_i32_0 = arith.constant 0 : i32
    %c0_i32_1 = arith.constant 0 : i32
    return %c0_i32, %c0_i32_0 : i32, i32
  }
  func.func @transform_4(%arg0: i32) -> (i32, i32) {
    %c0_i32 = arith.constant 0 : i32
    %c0_i32_0 = arith.constant 0 : i32
    return %arg0, %c0_i32 : i32, i32
  }
}

</mosaic_0001>

<sc_bundles>
// kernel: kernel.11.cloned.1.call-start
scs
__scs_entry_jumppad:
0x0: {  	(pc) =	sbr.rel $0x88, $3  }
0x1: {  	(tag) =	ssettag $0x0;
	lr =	simm.s32 $0x1  }
0x2: {  	[smem:$0x3F9B] =	sst lr;
	_ =	strace $0xD0000000  }
0x3: {  	_ = 	snop  }
0x4: {  	_ = 	snop  }
0x5: {  	_ = 	snop  }
0x6: {  	_ = 	snop  }
0x7: {  	_ = 	snop  }
__scs_overlays_trampoline_lowered:
0x8: {  	[smem:$0x3FAA] =	sst s0  }
0x9: {  	[smem:$0x3FAB] =	sst s1  }
0xa: {  	[smem:$0x3FAC] =	sst s2  }
0xb: {  	[smem:$0x3FAD] =	sst s3  }
0xc: {  	[smem:$0x3FAE] =	sst s4  }
0xd: {  	[smem:$0x3FAF] =	sst s5  }
0xe: {  	[smem:$0x3FB0] =	sst s6  }
0xf: {  	[smem:$0x3FB1] =	sst s7  }
0x10: {  	[smem:$0x3FB2] =	sst s8  }
0x11: {  	[smem:$0x3FB3] =	sst s9;
	s0 =	simm.s32 @!p0 $0x0  }
0x12: {  	s1 =	sld [smem:$0x3F99];
	s0 =	simm.s32 @p0 $0x1  }
0x13: {  	[smem:$0x3FB4] =	sst s0;
	s0 =	simm.s32 @!p1 $0x0  }
0x14: {  	s2 =	sld [smem:$0x3F98];
	s0 =	simm.s32 @p1 $0x1  }
0x15: {  	[smem:$0x3FB5] =	sst s0;
	s0 =	simm.s32 @!p2 $0x0  }
0x16: {  	s3 =	sld [smem:$0x3FDB];
	s0 =	simm.s32 @p2 $0x1  }
0x17: {  	s4 =	simm.s32 $0x1BF5;
	[smem:$0x3FB7] =	sst s0  }
0x18: {  	s0 =	sld [smem:$0x3F9A];
	_ =	swait.ge [sflag:s4], $0x0  }
0x19: {  	s7 =	sld [smem:$0x3F9B]  }
0x1a: {  	s8 =	sadd.s32 $0xFFFFE003, lr  }
0x1b: {  	s9 =	sadd.s32 $0xFFFFFEF7, lr;
	s5 =	simm.s32 $0xFFFFFFFF;
	p2 =	slt.u32 s8, $0xFFFFF086  }
0x1c: {  	p1 =	slt.u32 s9, $0xF7A;
	s5 =	simm.s32 @!p2 $0x0  }
0x1d: {  	s5 =	simm.s32 @p1 $0x1;
	p0 =	seq.s32 s7, s2  }
0x1e: {  	s7 =	smul.u32 @!p0 $0xF7A, s2;
	p2 =	seq.s32 @!p0 s5, $0x0  }
0x1f: {  	s9 =	smul.u32 $0xF7A, s1;
	s8 =	simm.s32 @!p0 $0x1BF5;
	p2 =	por !p2, p0  }
0x20: {  	[sflag:s8] =	ssyncset.s32 @!p0 $0xFFFFF086;
	s6 =	sadd.s32 @!p0 s3, s7;
	s7 =	simm.s32 @!p0 $0x108  }
0x21: {  	s3 =	sadd.s32 s3, s9;
	s6 =	sadd.s32 @!p0 $0x88, s6;
	s7 =	simm.s32 @p2 $0x1082  }
0x22: {  	[simem:s7], [sflag:s8] =	dma.local @!p0 [hbm:s6], $0xF7A  }
0x23: {  	s9 =	sor.u32 $0xD0000000, s2;
	s6 =	simm.s32 $0x108;
	_ =	swait.ge @!p0 [sflag:s8], $0x0  }
0x24: {  	s3 =	sadd.s32 $0x88, s3;
	s6 =	simm.s32 @!p1 $0x1082;
	[sflag:s4] =	ssyncset.s32 $0xFFFFF086  }
0x25: {  	[simem:s6], [sflag:s4] =	dma.local [hbm:s3], $0xF7A  }
0x26: {  	[smem:$0x3F9B] =	sst s1;
	(tag) =	ssettag s2;
	_ =	strace s9  }
0x27: {  	s1 =	sld [smem:$0x3FAB]  }
0x28: {  	s2 =	sld [smem:$0x3FAC]  }
0x29: {  	s4 =	sld [smem:$0x3FAE]  }
0x2a: {  	p0 =	seq.s32 s5, $0x0;
	s5 =	sld [smem:$0x3FAF]  }
0x2b: {  	s6 =	sld [smem:$0x3FB0]  }
0x2c: {  	s7 =	sld [smem:$0x3FB1]  }
0x2d: {  	s3 =	simm.s32 $0x108;
	s8 =	sld [smem:$0x3FB2]  }
0x2e: {  	s3 =	simm.s32 @!p0 $0x1082;
	s9 =	sld [smem:$0x3FB3]  }
0x2f: {  	lr =	sadd.s32 s0, s3;
	s0 =	sld [smem:$0x3FAA]  }
0x30: {  	s3 =	sld [smem:$0x3FAD]  }
0x31: {  	[smem:$0x3FB6] =	sst s10  }
0x32: {  	s10 =	sld [smem:$0x3FB4];
	_ =	sdelay $0x3  }
0x33: {  	p0 =	seq.s32 s10, $0x1;
	s10 =	sld [smem:$0x3FB6];
	_ =	sdelay $0x3  }
0x34: {  	[smem:$0x3FB6] =	sst s10  }
0x35: {  	s10 =	sld [smem:$0x3FB5];
	_ =	sdelay $0x3  }
0x36: {  	p1 =	seq.s32 s10, $0x1;
	s10 =	sld [smem:$0x3FB6];
	_ =	sdelay $0x3  }
0x37: {  	[smem:$0x3FB6] =	sst s10  }
0x38: {  	s10 =	sld [smem:$0x3FB7]  }
0x39: {  	_ = 	snop;
	(pc) =	sbr.ind lr, $3  }
0x3a: {  	_ = 	snop  }
0x3b: {  	_ = 	snop  }
0x3c: {  	p2 =	seq.s32 s10, $0x1;
	s10 =	sld [smem:$0x3FB6]  }
0x3d: {  	_ =	shalt  }
0x3e: {  	_ =	shalt  }
0x3f: {  	_ =	shalt  }
0x40: {  	_ =	shalt  }
0x41: {  	_ =	shalt  }
0x42: {  	_ =	shalt  }
0x43: {  	_ =	shalt  }
0x44: {  	_ =	shalt  }
0x45: {  	_ =	shalt  }
0x46: {  	_ =	shalt  }
0x47: {  	_ =	shalt  }
0x48: {  	_ =	shalt  }
0x49: {  	_ =	shalt  }
0x4a: {  	_ =	shalt  }
0x4b: {  	_ =	shalt  }
0x4c: {  	_ =	shalt  }
0x4d: {  	_ =	shalt  }
0x4e: {  	_ =	shalt  }
0x4f: {  	_ =	shalt  }
0x50: {  	_ =	shalt  }
0x51: {  	_ =	shalt  }
0x52: {  	_ =	shalt  }
0x53: {  	_ =	shalt  }
0x54: {  	_ =	shalt  }
0x55: {  	_ =	shalt  }
0x56: {  	_ =	shalt  }
0x57: {  	_ =	shalt  }
0x58: {  	_ =	shalt  }
0x59: {  	_ =	shalt  }
0x5a: {  	_ =	shalt  }
0x5b: {  	_ =	shalt  }
0x5c: {  	_ =	shalt  }
0x5d: {  	_ =	shalt  }
0x5e: {  	_ =	shalt  }
0x5f: {  	_ =	shalt  }
0x60: {  	_ =	shalt  }
0x61: {  	_ =	shalt  }
0x62: {  	_ =	shalt  }
0x63: {  	_ =	shalt  }
0x64: {  	_ =	shalt  }
0x65: {  	_ =	shalt  }
0x66: {  	_ =	shalt  }
0x67: {  	_ =	shalt  }
0x68: {  	_ =	shalt  }
0x69: {  	_ =	shalt  }
0x6a: {  	_ =	shalt  }
0x6b: {  	_ =	shalt  }
0x6c: {  	_ =	shalt  }
0x6d: {  	_ =	shalt  }
0x6e: {  	_ =	shalt  }
0x6f: {  	_ =	shalt  }
0x70: {  	_ =	shalt  }
0x71: {  	_ =	shalt  }
0x72: {  	_ =	shalt  }
0x73: {  	_ =	shalt  }
0x74: {  	_ =	shalt  }
0x75: {  	_ =	shalt  }
0x76: {  	_ =	shalt  }
0x77: {  	_ =	shalt  }
0x78: {  	_ =	shalt  }
0x79: {  	_ =	shalt  }
0x7a: {  	_ =	shalt  }
0x7b: {  	_ =	shalt  }
0x7c: {  	_ =	shalt  }
0x7d: {  	_ =	shalt  }
0x7e: {  	_ =	shalt  }
0x7f: {  	_ =	shalt  }
0x80: {  	_ =	shalt  }
0x81: {  	_ =	shalt  }
0x82: {  	_ =	shalt  }
0x83: {  	_ =	shalt  }
0x84: {  	_ =	shalt  }
0x85: {  	_ =	shalt  }
0x86: {  	_ =	shalt  }
0x87: {  	_ =	shalt  }
.Lfunc_end0:
.L_simem_size_0:
called_computation.1_lowered:
.L_overlay_start_0:
0x88: {  	s2 =	sld [smem:$0x3FD9]  }
0x89: {  	s3 =	sld [smem:$0x3FFE];
	_ =	sdelay $0x1  }
0x8a: {  	s1 =	srdreg.scid  }
0x8b: {  	s0 =	sand.u32 $0x1, s1  }
0x8c: {  	s16 =	sshll.u32 s0, $0xA;
	s2 =	sadd.s32 s3, s2  }
0x8d: {  	s2 =	sadd.s32 s2, s16  }
0x8e: {  	[smem:$0x3FC2] =	sst s2  }
0x8f: {  	_ = 	snop  }
0x90: {  	(tm) =	ssettm $0x1  }
0x91: {  	s17 =	sld [smem:$0x3FFB];
	_ =	sdelay $0x3  }
0x92: {  	_ =	strace s17  }
0x93: {  	s2 =	sld [smem:$0x3FFC];
	_ =	sdelay $0x3  }
0x94: {  	_ =	strace s2  }
0x95: {  	s2 =	sld [smem:$0x3FFD];
	_ =	sdelay $0x3  }
0x96: {  	_ =	strace s2  }
0x97: {  	_ =	strace $0x8FFFFFFF  }
0x98: {  	s18 =	sld [smem:$0x3FDB];
	_ =	sdelay $0x1  }
0x99: {  	s19 =	simm.s32 $_scs_section_size  }
0x9a: {  	s4 =	simm.s32 $_size__tile_overlayer_lowered;
	s5 =	simm.s32 $_tile_overlayer_lowered  }
0x9b: {  	s22 =	simm.s32 $0x1BFF;
	s21 =	sshll.u32 s5, $0x1;
	s2 =	sadd.s32 s19, s18  }
0x9c: {  	s6 =	simm.s32 $0x0;
	s20 =	sshll.u32 s4, $0x1;
	s4 =	sadd.s32 s21, s2  }
0x9d: {  	[timem:s6], [sflag:s22] =	dma.local [hbm:s4], s20  }
0x9e: {  	_ =	swait.ge [sflag:s22], s20  }
0x9f: {  	s3 =	ssub.s32 $0x0, s20;
	[sflag:s22] =	ssyncset.done $0x0  }
0xa0: {  	[sflag:s22] =	ssyncadd.s32 s3;
	_ =	sdelay $0x1  }
0xa1: {  	s23 =	simm.s32 $0x1B8B  }
0xa2: {  	_ =	swait.ge [sflag:s23], $0x1  }
0xa3: {  	[sflag:s23] =	ssyncset.done $0x0  }
0xa4: {  	s25 =	simm.s32 $0x1B8E;
	s24 =	sld [smem:$0x3FFE];
	[sflag:s23] =	ssyncadd.s32 $0xFFFFFFFF  }
0xa5: {  	s26 =	simm.s32 $execute0_lowered;
	[smem:$0x3FD2] =	sst s25  }
0xa6: {  	s4 =	sshll.u32 s26, $0x1;
	_ =	strace $0x80000049;
	[dreg:$0x1] =	wrdreg $0xFFFFFFFF  }
0xa7: {  	s28 =	simm.s32 $_size_execute0_lowered;
	s2 =	sadd.s32 s2, s4;
	[dreg:$0x0] =	wrdreg $0x0  }
0xa8: {  	s4 =	sshll.u32 s28, $0x1;
	[dreg:$0x2] =	wrdreg s2  }
0xa9: {  	[dreg:$0x3] =	wrdreg s4  }
0xaa: {  	[dreg:$0x4] =	wrdreg $0xC0  }
0xab: {  	_ =	task [dreg:s6], $0x5FFFF  }
0xac: {  	[dreg:$0x1] =	wrdreg $0xFFFFFFFF  }
0xad: {  	[dreg:$0x0] =	wrdreg $0x60  }
0xae: {  	[dreg:$0x2] =	wrdreg s24  }
0xaf: {  	[dreg:$0x3] =	wrdreg $0x144000  }
0xb0: {  	[dreg:$0x4] =	wrdreg $0x9  }
0xb1: {  	_ =	task.clear_ibuf [dreg:s6], $0x5FFFF;
	_ =	strace $0x90000049  }
0xb2: {  	s29 =	simm.s32 $0x9;
	_ =	strace $0x8000004B  }
0xb3: {  	_ =	swait.ge [sflag:s29], $0x1  }
0xb4: {  	[sflag:s29] =	ssyncadd.s32 $0xFFFFFFFF  }
0xb5: {  	_ =	strace $0x9000004B  }
0xb6: {  	_ =	sfence  }
0xb7: {  	s30 =	sld [smem:$0x0];
	_ =	sdelay $0x2  }
0xb8: {  	s31 =	sshll.u32 s1, $0xD;
	s1 =	sshrl.u32 s1, $0x2  }
0xb9: {  	s3 =	sand.u32 $0x4000, s31;
	s1 =	sadd.s32 s1, s30  }
0xba: {  	s0 =	sor.u32 s3, s0;
	s1 =	sshll.u32 s1, $0x11  }
0xbb: {  	s0 =	sor.u32 s1, s0  }
0xbc: {  	s0 =	sadd.s32 $0x8F2B, s0  }
0xbd: {  	[sflag:s0] =	ssyncadd.remote.s32 $0x1  }
0xbe: {  	_ =	sfence.sel $0xFFFF  }
0xbf: {  	[dreg:$0x0] =	wrdreg $0xFFFFFFFF;
	(pc) =	sbr.abs _section_cstart, $3  }
0xc0: {  	[dreg:$0x1] =	wrdreg $0xFFFFFFFF  }
0xc1: {  	_ =	task.clear_ibuf [dreg:s6], $0x2FFFF;
	_ =	strace $0x9FFFFFFF  }
0xc2: {  	(tm) =	ssettm $0x7FFFFFFF  }
0xc3: {  	_ =	shalt  }
tec
execute0_lowered:
.L_overlay_start_1:
0x0: {  	(tag) =	ssettag $0x1  }
0x1: {  	s5 =	rddreg [dreg:$0x0]  }
0x2: {  	s2 =	rddreg [dreg:$0x1]  }
0x3: {  	s3 =	simm.s32 $0x0;
	s1 =	stileid.u32;
	s4 =	srdreg.scid  }
0x4: {  	s15 =	simm.s32 $0x6;
	s16 =	simm.s32 $0x2780;
	s18 =	simm.s32 $0x40  }
0x5: {  	s19 =	simm.s32 $0x9F00;
	s20 =	simm.s32 $0xA000;
	s6 =	smul.u32 $0x4E2, s1  }
0x6: {  	s21 =	simm.s32 $0xE400;
	s22 =	simm.s32 $0x0;
	s8 =	smul.u32 $0x28000, s1  }
0x7: {  	[smem:$0x7FF] =	sst s3;
	s4 =	sand.u32 $0x1, s4;
	s10 =	smul.u32 $0x140, s1  }
0x8: {  	_ =	strace $0x8000004A;
	s17 =	smul.u32 $0x1400, s4;
	s30 =	ssub.s32 $0x2, s4  }
0x9: {  	s4 =	sadd.s32 $0x1AE00, s5;
	s7 =	sadd.s32 s6, s5;
	s9 =	sshrl.u32 s30, $0x1  }
.Ltmp0:
0xa: {  	s5 =	sadd.s32 $0x69000, s5;
	s8 =	sshrl.u32 s8, $0x2;
	(pc) =	sbr.rel .LBB2_1-.Ltmp0, $4  }
0xb: {  	s11 =	ssub.s32 s30, s9;
	s6 =	sadd.s32 $0x1E00, s7;
	s7 =	sadd.s32 $0x6E00, s7  }
0xc: {  	s31 =	sadd.s32 s10, s17;
	s8 =	sadd.s32 s8, s2;
	v0 =	vmov s17;
	s17 =	simm.s32 $0xA400  }
0xd: {  	s9 =	sshll.u32 s31, $0x7;
	s10 =	smax.u32 s11, $0x1;
	s11 =	sadd.s32 $0x2000, s8  }
0xe: {  	v1 =	vimm.s32 $0x0;
	v2 =	vimm.s32 $0x1400;
	v3 =	vimm.f32 $0.0e+00;
	s12 =	sadd.s32 $0x4000, s8;
	s13 =	sadd.s32 $0x6000, s8;
	s14 =	sadd.s32 $0x8000, s8  }
.LBB2_12:
0xf: {  	s22 =	sadd.s32 $0x1, s22  }
0x10: {  	p0 =	sne.s32 s22, s10  }
.Ltmp1:
0x11: {  	_ = 	snop;
	(pc) =	sbr.rel @!p0 .LBB2_13-.Ltmp1, $1  }
0x12: {  	_ =	sdelay $0x3  }
.LBB2_1:
0x13: {  	[tilespmem:s3], [sflag:$0x6] =	stream.linear.gather [hbm4b:s6+s3], $0x2710, $0x38;
	[tilespmem:$0x1E440] =	vst v63  }
0x14: {  	_ =	swait.ge [sflag:s15], $0x2710  }
0x15: {  	[sflag:s15] =	ssyncset.done $0x0  }
0x16: {  	[sflag:s15] =	ssyncadd.s32 $0xFFFFD8F0  }
0x17: {  	[tilespmem:s16], [sflag:$0x6] =	stream.linear.gather [hbm4b:s7+s3], $0x2710, $0x38;
	[tilespmem:$0x1E440] =	vst v63  }
0x18: {  	_ =	swait.ge [sflag:s15], $0x2710  }
0x19: {  	[sflag:s15] =	ssyncset.done $0x0  }
0x1a: {  	s23 =	simm.s32 $0x27A0;
	[sflag:s15] =	ssyncadd.s32 $0xFFFFD8F0  }
0x1b: {  	v4 =	vld [tilespmem:s23+$0xFFFFFFE0]  }
0x1c: {  	s24 =	simm.s32 $0x20  }
0x1d: {  	v5 =	vld [tilespmem:s24+$0xFFFFFFE0];
	_ =	sdelay $0x2  }
0x1e: {  	v4 =	vsub.s32 v4, v0  }
0x1f: {  	vm0 =	vlt.u32 v4, $0x1400  }
0x20: {  	[tilespmem:s3+$0x4F00] =	vst.msk vm0, v5;
	v5 =	vsel vm0, $0x1, v1  }
0x21: {  	[tilespmem:s3+$0x7700] =	vst.msk vm0, v4;
	(xrf0) =	vadd.scan.msk.s32 $0xffff, v5  }
0x22: {  	v4 =	vld [tilespmem:s23+$0xFFFFFFF0];
	_ =	sdelay $0x4  }
0x23: {  	v4 =	vsub.s32 v4, v0;
	v5, _, _ =	vpop (xrf0)  }
0x24: {  	vm13 =	vlt.u32 v4, $0x1400;
	(v2sf) =	vpush v5, $0xF  }
0x25: {  	v5 =	vsel vm13, $0x1, v1  }
0x26: {  	(xrf0) =	vadd.scan.msk.s32 $0xffff, v5;
	_ =	sdelay $0x5  }
0x27: {  	v5, _, _ =	vpop (xrf0)  }
0x28: {  	(v2sf) =	vpush v5, $0xF;
	_ =	sdelay $0x2  }
0x29: {  	v5 =	vld [tilespmem:s24+$0xFFFFFFF0];
	_ =	sdelay $0x2  }
0x2a: {  	s25 =	spop (v2sf)  }
0x2b: {  	s25 =	sadd.s32 $0x0, s25  }
0x2c: {  	[tilespmem:s25+$0x4F00] =	vst.msk vm13, v5  }
0x2d: {  	[tilespmem:s25+$0x7700] =	vst.msk vm13, v4  }
0x2e: {  	v4 =	vld [tilespmem:s23+$0x0];
	_ =	sdelay $0x1  }
0x2f: {  	v5 =	vld [tilespmem:s24+$0x0];
	_ =	sdelay $0x2  }
0x30: {  	v4 =	vsub.s32 v4, v0;
	s26 =	spop (v2sf)  }
0x31: {  	s25 =	sadd.s32 s25, s26;
	vm14 =	vlt.u32 v4, $0x1400  }
0x32: {  	[tilespmem:s25+$0x4F00] =	vst.msk vm14, v5;
	v5 =	vsel vm14, $0x1, v1  }
0x33: {  	[tilespmem:s25+$0x7700] =	vst.msk vm14, v4;
	(xrf0) =	vadd.scan.msk.s32 $0xffff, v5  }
0x34: {  	v4 =	vld [tilespmem:s23+$0x10];
	_ =	sdelay $0x4  }
0x35: {  	v4 =	vsub.s32 v4, v0;
	v5, _, _ =	vpop (xrf0)  }
0x36: {  	vm15 =	vlt.u32 v4, $0x1400;
	(v2sf) =	vpush v5, $0xF  }
0x37: {  	v5 =	vsel vm15, $0x1, v1  }
0x38: {  	(xrf0) =	vadd.scan.msk.s32 $0xffff, v5;
	_ =	sdelay $0x5  }
0x39: {  	v5, _, _ =	vpop (xrf0)  }
0x3a: {  	(v2sf) =	vpush v5, $0xF;
	_ =	sdelay $0x2  }
0x3b: {  	v5 =	vld [tilespmem:s24+$0x10];
	_ =	sdelay $0x2  }
0x3c: {  	s31 =	spop (v2sf)  }
0x3d: {  	s26 =	sadd.s32 s25, s31  }
0x3e: {  	[tilespmem:s26+$0x4F00] =	vst.msk vm15, v5  }
0x3f: {  	s23 =	simm.s32 $0x27E0;
	[tilespmem:s26+$0x7700] =	vst.msk vm15, v4  }
0x40: {  	v5 =	vld [tilespmem:s23+$0xFFFFFFE0]  }
0x41: {  	s24 =	simm.s32 $0x60  }
0x42: {  	v4 =	vld [tilespmem:s24+$0xFFFFFFE0];
	_ =	sdelay $0x2  }
0x43: {  	s25 =	simm.s32 $0x4;
	v5 =	vsub.s32 v5, v0;
	s28 =	spop (v2sf)  }
.LBB2_2:
0x44: {  	s25 =	sadd.s32 $0x4, s25;
	vm0 =	vlt.u32 v5, $0x1400;
	s26 =	sadd.s32 s26, s28  }
0x45: {  	p0 =	slt.u32 s25, $0x26C;
	[tilespmem:s26+$0x4F00] =	vst.msk vm0, v4;
	v4 =	vsel vm0, $0x1, v1  }
0x46: {  	[tilespmem:s26+$0x7700] =	vst.msk vm0, v5;
	(xrf0) =	vadd.scan.msk.s32 $0xffff, v4  }
0x47: {  	v4 =	vld [tilespmem:s23+$0xFFFFFFF0];
	_ =	sdelay $0x4  }
0x48: {  	v4 =	vsub.s32 v4, v0;
	v5, _, _ =	vpop (xrf0)  }
0x49: {  	vm0 =	vlt.u32 v4, $0x1400;
	(v2sf) =	vpush v5, $0xF  }
0x4a: {  	v5 =	vsel vm0, $0x1, v1  }
0x4b: {  	(xrf0) =	vadd.scan.msk.s32 $0xffff, v5;
	_ =	sdelay $0x5  }
0x4c: {  	v5, _, _ =	vpop (xrf0)  }
0x4d: {  	(v2sf) =	vpush v5, $0xF;
	_ =	sdelay $0x2  }
0x4e: {  	v5 =	vld [tilespmem:s24+$0xFFFFFFF0];
	_ =	sdelay $0x2  }
0x4f: {  	s28 =	spop (v2sf)  }
0x50: {  	s26 =	sadd.s32 s26, s28  }
0x51: {  	[tilespmem:s26+$0x4F00] =	vst.msk vm0, v5  }
0x52: {  	[tilespmem:s26+$0x7700] =	vst.msk vm0, v4  }
0x53: {  	v4 =	vld [tilespmem:s23+$0x0];
	_ =	sdelay $0x1  }
0x54: {  	v5 =	vld [tilespmem:s24+$0x0];
	_ =	sdelay $0x2  }
0x55: {  	v4 =	vsub.s32 v4, v0;
	s28 =	spop (v2sf)  }
0x56: {  	s26 =	sadd.s32 s26, s28;
	vm0 =	vlt.u32 v4, $0x1400  }
0x57: {  	[tilespmem:s26+$0x4F00] =	vst.msk vm0, v5;
	v5 =	vsel vm0, $0x1, v1  }
0x58: {  	[tilespmem:s26+$0x7700] =	vst.msk vm0, v4;
	(xrf0) =	vadd.scan.msk.s32 $0xffff, v5  }
0x59: {  	v4 =	vld [tilespmem:s23+$0x10]  }
0x5a: {  	v5 =	vld [tilespmem:s24+$0x10];
	_ =	sdelay $0x3  }
0x5b: {  	v4 =	vsub.s32 v4, v0;
	v6, _, _ =	vpop (xrf0)  }
0x5c: {  	vm0 =	vlt.u32 v4, $0x1400;
	(v2sf) =	vpush v6, $0xF  }
0x5d: {  	v6 =	vsel vm0, $0x1, v1  }
0x5e: {  	(xrf0) =	vadd.scan.msk.s32 $0xffff, v6;
	_ =	sdelay $0x5  }
0x5f: {  	v6, _, _ =	vpop (xrf0)  }
0x60: {  	(v2sf) =	vpush v6, $0xF;
	_ =	sdelay $0x5  }
0x61: {  	s28 =	spop (v2sf)  }
0x62: {  	s26 =	sadd.s32 s26, s28  }
0x63: {  	[tilespmem:s26+$0x4F00] =	vst.msk vm0, v5  }
0x64: {  	s23 =	sadd.s32 $0x40, s23;
	[tilespmem:s26+$0x7700] =	vst.msk vm0, v4  }
0x65: {  	v5 =	vld [tilespmem:s23+$0xFFFFFFE0]  }
.Ltmp2:
0x66: {  	s24 =	sadd.s32 $0x40, s24;
	(pc) =	sbr.rel @p0 .LBB2_2-.Ltmp2, $2  }
0x67: {  	v4 =	vld [tilespmem:s24+$0xFFFFFFE0];
	_ =	sdelay $0x2  }
0x68: {  	v5 =	vsub.s32 v5, v0;
	s28 =	spop (v2sf)  }
0x69: {  	vm0 =	vlt.u32 v5, $0x1400  }
0x6a: {  	v6 =	vsel vm0, $0x1, v1  }
0x6b: {  	(xrf0) =	vadd.scan.msk.s32 $0xffff, v6;
	_ =	sdelay $0x5  }
0x6c: {  	v6, _, _ =	vpop (xrf0)  }
0x6d: {  	(v2sf) =	vpush v6, $0xF;
	_ =	sdelay $0x6  }
0x6e: {  	s25 =	sadd.s32 s26, s28  }
0x6f: {  	[tilespmem:s25+$0x4F00] =	vst.msk vm0, v4  }
0x70: {  	[tilespmem:s25+$0x7700] =	vst.msk vm0, v5  }
0x71: {  	v4 =	vld [tilespmem:s23+$0xFFFFFFF0];
	_ =	sdelay $0x1  }
0x72: {  	v5 =	vld [tilespmem:s24+$0xFFFFFFF0];
	_ =	sdelay $0x2  }
0x73: {  	v4 =	vsub.s32 v4, v0;
	s31 =	spop (v2sf)  }
0x74: {  	vm12 =	vlt.u32 v4, $0x1400;
	s25 =	sadd.s32 s25, s31  }
0x75: {  	v63 =	vsel vm12, $0x1, v1;
	[tilespmem:s25+$0x4F00] =	vst.msk vm12, v5  }
0x76: {  	(xrf0) =	vadd.scan.msk.s32 $0xffff, v63;
	[tilespmem:s25+$0x7700] =	vst.msk vm12, v4  }
0x77: {  	v4 =	vld [tilespmem:s23+$0x0];
	_ =	sdelay $0x4  }
0x78: {  	v5, _, _ =	vpop (xrf0);
	v4 =	vsub.s32 v4, v0  }
0x79: {  	(v2sf) =	vpush v5, $0xF;
	vm13 =	vlt.u32 v4, $0x1400  }
0x7a: {  	v5 =	vsel vm13, $0x1, v1  }
0x7b: {  	(xrf0) =	vadd.scan.msk.s32 $0xffff, v5;
	_ =	sdelay $0x5  }
0x7c: {  	v5, _, _ =	vpop (xrf0)  }
0x7d: {  	(v2sf) =	vpush v5, $0xF;
	_ =	sdelay $0x2  }
0x7e: {  	v5 =	vld [tilespmem:s24+$0x0];
	_ =	sdelay $0x2  }
0x7f: {  	s0 =	spop (v2sf)  }
0x80: {  	s25 =	sadd.s32 s25, s0  }
0x81: {  	[tilespmem:s25+$0x4F00] =	vst.msk vm13, v5  }
0x82: {  	[tilespmem:s25+$0x7700] =	vst.msk vm13, v4  }
0x83: {  	v4 =	vld [tilespmem:s23+$0x10];
	_ =	sdelay $0x1  }
0x84: {  	v5 =	vld [tilespmem:s24+$0x10];
	_ =	sdelay $0x2  }
0x85: {  	v4 =	vsub.s32 v4, v0;
	s24 =	spop (v2sf)  }
0x86: {  	vm14 =	vlt.u32 v4, $0x1400;
	s23 =	sadd.s32 s25, s24  }
0x87: {  	[tilespmem:s23+$0x4F00] =	vst.msk vm14, v5  }
0x88: {  	[tilespmem:s23+$0x7700] =	vst.msk vm14, v4  }
0x89: {  	v4 =	vld [tilespmem:$0x4E80];
	_ =	sdelay $0x4  }
0x8a: {  	v4 =	vsub.s32 v4, v0  }
0x8b: {  	v5 =	vsel vm14, $0x1, v1;
	vm15 =	vlt.u32 v4, $0x1400  }
0x8c: {  	(xrf0) =	vadd.scan.msk.s32 $0xffff, v5;
	v5 =	vsel vm15, $0x1, v1  }
0x8d: {  	(xrf0) =	vadd.scan.msk.s32 $0xffff, v5;
	_ =	sdelay $0x4  }
0x8e: {  	v5, _, _ =	vpop (xrf0)  }
0x8f: {  	(v2sf) =	vpush v5, $0xF;
	v5, _, _ =	vpop (xrf0)  }
0x90: {  	(v2sf) =	vpush v5, $0xF;
	_ =	sdelay $0xd  }
0x91: {  	s26 =	spop (v2sf)  }
0x92: {  	s24 =	sadd.s32 s23, s26;
	s28 =	spop (v2sf)  }
0x93: {  	s25 =	sadd.s32 s24, s28  }
0x94: {  	s23 =	sadd.s32 $0x3F, s25  }
0x95: {  	s29 =	sand.u32 $0x3F, s23  }
0x96: {  	s30 =	sshra.s32 s23, $0x1F;
	p0 =	slt.s32 s23, $0x1;
	p1 =	sne.s32 s29, $0x0  }
0x97: {  	s31 =	sshrl.u32 s30, $0x1A;
	p0 =	por !p0, !p1  }
0x98: {  	s26 =	simm.s32 $0x1;
	s23 =	sadd.s32 s31, s23;
	p0 =	por !p0, !p0  }
0x99: {  	s23 =	sshra.s32 s23, $0x6;
	s26 =	simm.s32 @!p0 $0x0  }
0x9a: {  	v5 =	vld [tilespmem:$0x2700];
	s23 =	ssub.s32 s23, s26  }
0x9b: {  	s26 =	sadd.s32 $0x4, s23  }
0x9c: {  	s0 =	smulhi.u32 $0x66666667, s26;
	s26 =	sshra.s32 s26, $0x1F  }
0x9d: {  	s26 =	smul.u32 $0x66666667, s26;
	_ =	sdelay $0x1  }
0x9e: {  	p6 =	por $0x1, $0x1;
	[tilespmem:s24+$0x4F00] =	vst.msk vm15, v5;
	s26 =	sadd.s32 s26, s0  }
0x9f: {  	[tilespmem:s24+$0x7700] =	vst.msk vm15, v4;
	s29 =	sadd.s32 $0xFFFFFFFE, s23;
	s28 =	sshrl.u32 s26, $0x1F;
	s26 =	sshra.s32 s26, $0x1  }
0xa0: {  	[tilespmem:s25+$0x4F00] =	vst v1;
	s30 =	sadd.s32 $0xFFFFFFFD, s23;
	s31 =	sadd.s32 $0xFFFFFFFC, s23;
	s24 =	sadd.s32 s28, s26  }
0xa1: {  	[tilespmem:s25+$0x7700] =	vst v2;
	p1 =	seq.s32 s23, $0x3;
	[dreg:$0x4] =	wrdreg s29;
	p0 =	sgt.s32 s24, $0x1  }
0xa2: {  	[tilespmem:s25+$0x4F10] =	vst v1;
	[dreg:$0x5] =	wrdreg s30;
	s24 =	simm.s32 @!p0 $0x1;
	p0 =	seq.s32 s23, $0x1  }
.Ltmp3:
0xa3: {  	[tilespmem:s25+$0x7710] =	vst v2;
	[dreg:$0x6] =	wrdreg s31;
	p3 =	slt.s32 @!p0 s23, $0x3;
	(pc) =	sbr.rel .LBB2_4-.Ltmp3, $4  }
0xa4: {  	[tilespmem:s25+$0x4F20] =	vst v1;
	s28 =	sadd.s32 $0xFFFFFFFF, s23;
	s24 =	smul.u32 $0x5, s24;
	p3 =	por p0, p3  }
0xa5: {  	[tilespmem:s25+$0x7720] =	vst v2;
	p2 =	slt.s32 s23, $0x1;
	[dreg:$0x3] =	wrdreg s28;
	s0 =	simm.s32 @!p3 $0x0  }
0xa6: {  	[tilespmem:s25+$0x4F30] =	vst v1;
	p4 =	slt.s32 @!p1 s23, $0x5;
	[dreg:$0x7] =	wrdreg s24;
	s0 =	simm.s32 @p3 $0x1  }
0xa7: {  	[tilespmem:s25+$0x7730] =	vst v2;
	p4 =	por p4, p1;
	s24 =	simm.s32 $0x0;
	[smem:$0x7FD] =	sst s0  }
.LBB2_11:
0xa8: {  	s0 =	smul.u32 $0x140000, s24;
	_ =	sdelay $0x1  }
0xa9: {  	s0 =	sadd.s32 s9, s0  }
0xaa: {  	[bflag:$0x0] =	sbarrier.arrive $0xFFFF;
	s31 =	sshll.u32 s1, $0x6;
	s0 =	sshrl.u32 s0, $0x3  }
0xab: {  	s25 =	sshrl.u32 s8, $0x3;
	s24 =	sor.u32 $0x1C06, s31;
	s0 =	sadd.s32 s5, s0  }
0xac: {  	[hbm:s0], [sflag:s24] =	dma.local [spmem:s25], $0x1400  }
.Ltmp4:
0xad: {  	_ =	swait.ge [sflag:s15], $0x1400;
	(pc) =	sbr.rel @!p5 .LBB2_12-.Ltmp4, $4  }
0xae: {  	[sflag:s15] =	ssyncset.done $0x0  }
0xaf: {  	[sflag:s15] =	ssyncadd.s32 $0xFFFFEC00  }
0xb0: {  	[bflag:$0x0] =	sbarrier.arrive $0xFFFF  }
0xb1: {  	p6 =	por $0x0, $0x0;
	s24 =	simm.s32 $0x1  }
.LBB2_4:
0xb2: {  	p5 =	por p6, p6;
	s25 =	simm.s32 $0x0;
	s26 =	simm.s32 $0x200  }
.LBB2_5:
0xb3: {  	p6 =	sne.s32 s26, $0x7E00;
	[tilespmem:s25+$0xA470] =	vst v3  }
0xb4: {  	[tilespmem:s25+$0xA400] =	vst v3  }
0xb5: {  	[tilespmem:s25+$0xA410] =	vst v3  }
.Ltmp5:
0xb6: {  	[tilespmem:s25+$0xA420] =	vst v3;
	(pc) =	sbr.rel @p6 .LBB2_5-.Ltmp5, $4  }
0xb7: {  	[tilespmem:s25+$0xA430] =	vst v3  }
0xb8: {  	[tilespmem:s25+$0xA440] =	vst v3  }
0xb9: {  	[tilespmem:s25+$0xA450] =	vst v3  }
0xba: {  	[tilespmem:s25+$0xA460] =	vst v3;
	s25 =	sshra.s32 s26, $0x2;
	s26 =	sadd.s32 $0x200, s26  }
0xbb: {  	[tilespmem:s25+$0xA470] =	vst v3  }
0xbc: {  	[tilespmem:s25+$0xA400] =	vst v3  }
0xbd: {  	[tilespmem:s25+$0xA410] =	vst v3  }
0xbe: {  	[tilespmem:s25+$0xA420] =	vst v3  }
0xbf: {  	[tilespmem:s25+$0xA430] =	vst v3  }
0xc0: {  	[tilespmem:s25+$0xA440] =	vst v3  }
0xc1: {  	[tilespmem:s25+$0xA450] =	vst v3  }
0xc2: {  	[tilespmem:s25+$0xA460] =	vst v3  }
0xc3: {  	[spmem:s8] =	stream.linear.scatter [tilespmem:s17], [sflag:$0x6], $0x2000, $0x38;
	[tilespmem:$0x1E440] =	vst v63  }
0xc4: {  	_ =	swait.ge [sflag:s15], $0x2000  }
0xc5: {  	[sflag:s15] =	ssyncset.done $0x0  }
0xc6: {  	[sflag:s15] =	ssyncadd.s32 $0xFFFFE000  }
0xc7: {  	[spmem:s11] =	stream.linear.scatter [tilespmem:s17], [sflag:$0x6], $0x2000, $0x38;
	[tilespmem:$0x1E440] =	vst v63  }
0xc8: {  	_ =	swait.ge [sflag:s15], $0x2000  }
0xc9: {  	[sflag:s15] =	ssyncset.done $0x0  }
0xca: {  	[sflag:s15] =	ssyncadd.s32 $0xFFFFE000  }
0xcb: {  	[spmem:s12] =	stream.linear.scatter [tilespmem:s17], [sflag:$0x6], $0x2000, $0x38;
	[tilespmem:$0x1E440] =	vst v63  }
0xcc: {  	_ =	swait.ge [sflag:s15], $0x2000  }
0xcd: {  	[sflag:s15] =	ssyncset.done $0x0  }
0xce: {  	[sflag:s15] =	ssyncadd.s32 $0xFFFFE000  }
0xcf: {  	[spmem:s13] =	stream.linear.scatter [tilespmem:s17], [sflag:$0x6], $0x2000, $0x38;
	[tilespmem:$0x1E440] =	vst v63  }
0xd0: {  	_ =	swait.ge [sflag:s15], $0x2000  }
0xd1: {  	[sflag:s15] =	ssyncset.done $0x0  }
0xd2: {  	[sflag:s15] =	ssyncadd.s32 $0xFFFFE000  }
0xd3: {  	[spmem:s14] =	stream.linear.scatter [tilespmem:s17], [sflag:$0x6], $0x2000, $0x38;
	[tilespmem:$0x1E440] =	vst v63  }
.Ltmp6:
0xd4: {  	_ =	swait.ge [sflag:s15], $0x2000;
	(pc) =	sbr.rel @p2 .LBB2_11-.Ltmp6, $3  }
0xd5: {  	[sflag:s15] =	ssyncset.done $0x0  }
0xd6: {  	[sflag:s15] =	ssyncadd.s32 $0xFFFFE000  }
0xd7: {  	[bflag:$0x0] =	sbarrier.arrive $0xFFFF;
	_ =	sdelay $0x1  }
0xd8: {  	v4 =	vld [tilespmem:$0x4F00]  }
0xd9: {  	v5 =	vld [tilespmem:$0x7700]  }
0xda: {  	v6 =	vld [tilespmem:$0x4F10];
	_ =	sdelay $0x1  }
0xdb: {  	s25 =	smul.u32 $0x2710, s24;
	v7 =	vld [tilespmem:$0x7710]  }
0xdc: {  	v8 =	vld [tilespmem:$0x4F20]  }
0xdd: {  	v9 =	vld [tilespmem:$0x7720];
	v4 =	vadd.s32 s25, v4;
	[tilespmem:$0xA180] =	vst v5  }
0xde: {  	v5 =	vadd.s32 s25, v6;
	[tilespmem:$0x9F00] =	vst v4;
	v4 =	vld [tilespmem:$0x4F30]  }
0xdf: {  	[tilespmem:$0x9F10] =	vst v5;
	v5 =	vld [tilespmem:$0x7730];
	_ =	sdelay $0x1  }
0xe0: {  	[tilespmem:$0xA190] =	vst v7  }
0xe1: {  	v6 =	vadd.s32 s25, v8;
	[tilespmem:$0xA1A0] =	vst v9  }
0xe2: {  	[tilespmem:$0x9F20] =	vst v6  }
0xe3: {  	v4 =	vadd.s32 s25, v4;
	[tilespmem:$0xA1B0] =	vst v5  }
0xe4: {  	[tilespmem:$0x9F30] =	vst v4  }
0xe5: {  	[tilespmem:s17], [sflag:$0x1] =	stream.indirect.gather [hbm4b:s4+s18], $0x80, s19, s18, $0xb8;
	[tilespmem:$0x1E440] =	vst v63  }
0xe6: {  	v5 =	vld @!p0 [tilespmem:$0x4F40]  }
0xe7: {  	v6 =	vld @!p0 [tilespmem:$0x7740]  }
0xe8: {  	v7 =	vld @!p0 [tilespmem:$0x4F50];
	_ =	sdelay $0x1  }
0xe9: {  	v8 =	vld @!p0 [tilespmem:$0x7750]  }
0xea: {  	v4 =	vmov s25;
	v9 =	vld @!p0 [tilespmem:$0x4F60]  }
0xeb: {  	v10 =	vld @!p0 [tilespmem:$0x7760];
	v5 =	vadd.s32 @!p0 v4, v5;
	[tilespmem:$0xA200] =	vst @!p0 v6  }
0xec: {  	s0 =	sld [smem:$0x7FD];
	v6 =	vadd.s32 @!p0 v4, v7;
	[tilespmem:$0x9F80] =	vst @!p0 v5;
	v5 =	vld @!p0 [tilespmem:$0x4F70]  }
0xed: {  	[tilespmem:$0x9F90] =	vst @!p0 v6;
	v6 =	vld @!p0 [tilespmem:$0x7770];
	_ =	sdelay $0x1  }
0xee: {  	p3 =	seq.s32 s0, $0x1;
	[tilespmem:$0xA210] =	vst @!p0 v8  }
.Ltmp7:
0xef: {  	v7 =	vadd.s32 @!p0 v4, v9;
	[tilespmem:$0xA220] =	vst @!p0 v10;
	(pc) =	sbr.rel @p3 .LBB2_9-.Ltmp7, $4  }
0xf0: {  	[tilespmem:$0x9FA0] =	vst @!p0 v7  }
0xf1: {  	v5 =	vadd.s32 @!p0 v4, v5;
	[tilespmem:$0xA230] =	vst @!p0 v6  }
0xf2: {  	s26 =	simm.s32 @!p0 $0x9F80;
	s28 =	simm.s32 @!p0 $0xC400;
	s25 =	simm.s32 @!p0 $0x40;
	[tilespmem:$0x9FB0] =	vst @!p0 v5  }
0xf3: {  	[tilespmem:s28], [sflag:$0x2] =	stream.indirect.gather @!p0 [hbm4b:s4+s25], $0x80, s26, s25, $0xb8;
	[tilespmem:$0x1E440] =	vst v63  }
0xf4: {  	v5 =	vld [tilespmem:$0x4F80]  }
0xf5: {  	v6 =	vld [tilespmem:$0x7780]  }
0xf6: {  	v7 =	vld [tilespmem:$0x4F90];
	_ =	sdelay $0x1  }
0xf7: {  	v8 =	vld [tilespmem:$0x7790]  }
0xf8: {  	v9 =	vld [tilespmem:$0x4FA0]  }
0xf9: {  	v10 =	vld [tilespmem:$0x77A0];
	v5 =	vadd.s32 v4, v5;
	[tilespmem:$0xA280] =	vst v6  }
0xfa: {  	v6 =	vadd.s32 v4, v7;
	[tilespmem:$0xA000] =	vst v5;
	v5 =	vld [tilespmem:$0x4FB0]  }
0xfb: {  	[tilespmem:$0xA010] =	vst v6;
	v6 =	vld [tilespmem:$0x77B0];
	_ =	sdelay $0x1  }
0xfc: {  	[tilespmem:$0xA290] =	vst v8  }
0xfd: {  	v7 =	vadd.s32 v4, v9;
	[tilespmem:$0xA2A0] =	vst v10  }
0xfe: {  	[tilespmem:$0xA020] =	vst v7  }
0xff: {  	v5 =	vadd.s32 v4, v5;
	[tilespmem:$0xA2B0] =	vst v6  }
0x100: {  	[tilespmem:$0xA030] =	vst v5  }
0x101: {  	[tilespmem:s21], [sflag:$0x3] =	stream.indirect.gather [hbm4b:s4+s18], $0x80, s20, s18, $0xb8;
	[tilespmem:$0x1E440] =	vst v63  }
0x102: {  	v5 =	vld @!p1 [tilespmem:$0x4FC0]  }
0x103: {  	v6 =	vld @!p1 [tilespmem:$0x77C0]  }
0x104: {  	v7 =	vld @!p1 [tilespmem:$0x4FD0];
	_ =	sdelay $0x1  }
0x105: {  	v8 =	vld @!p1 [tilespmem:$0x77D0]  }
0x106: {  	v9 =	vld @!p1 [tilespmem:$0x4FE0]  }
0x107: {  	v10 =	vld @!p1 [tilespmem:$0x77E0];
	v5 =	vadd.s32 @!p1 v4, v5;
	[tilespmem:$0xA300] =	vst @!p1 v6  }
0x108: {  	v6 =	vadd.s32 @!p1 v4, v7;
	[tilespmem:$0xA080] =	vst @!p1 v5;
	v5 =	vld @!p1 [tilespmem:$0x4FF0]  }
0x109: {  	[tilespmem:$0xA090] =	vst @!p1 v6;
	v6 =	vld @!p1 [tilespmem:$0x77F0];
	_ =	sdelay $0x1  }
0x10a: {  	[tilespmem:$0xA310] =	vst @!p1 v8  }
0x10b: {  	v7 =	vadd.s32 @!p1 v4, v9;
	[tilespmem:$0xA320] =	vst @!p1 v10  }
0x10c: {  	[tilespmem:$0xA0A0] =	vst @!p1 v7  }
0x10d: {  	v5 =	vadd.s32 @!p1 v4, v5;
	[tilespmem:$0xA330] =	vst @!p1 v6  }
0x10e: {  	s25 =	simm.s32 @!p1 $0x40;
	s26 =	simm.s32 @!p1 $0xA080;
	s28 =	simm.s32 @!p1 $0x10400;
	[tilespmem:$0xA0B0] =	vst @!p1 v5  }
0x10f: {  	[tilespmem:s28], [sflag:$0x4] =	stream.indirect.gather @!p1 [hbm4b:s4+s25], $0x80, s26, s25, $0xb8;
	[tilespmem:$0x1E440] =	vst v63  }
0x110: {  	v5 =	vld @!p4 [tilespmem:$0x5000]  }
0x111: {  	v6 =	vld @!p4 [tilespmem:$0x7800]  }
0x112: {  	v7 =	vld @!p4 [tilespmem:$0x5010];
	_ =	sdelay $0x1  }
0x113: {  	v8 =	vld @!p4 [tilespmem:$0x7810]  }
0x114: {  	v9 =	vld @!p4 [tilespmem:$0x5020]  }
0x115: {  	v10 =	vld @!p4 [tilespmem:$0x7820];
	v5 =	vadd.s32 @!p4 v4, v5;
	[tilespmem:$0xA380] =	vst @!p4 v6  }
0x116: {  	v6 =	vadd.s32 @!p4 v4, v7;
	[tilespmem:$0xA100] =	vst @!p4 v5;
	v5 =	vld @!p4 [tilespmem:$0x5030]  }
0x117: {  	[tilespmem:$0xA110] =	vst @!p4 v6;
	v6 =	vld @!p4 [tilespmem:$0x7830];
	_ =	sdelay $0x1  }
0x118: {  	[tilespmem:$0xA390] =	vst @!p4 v8  }
0x119: {  	v7 =	vadd.s32 @!p4 v4, v9;
	[tilespmem:$0xA3A0] =	vst @!p4 v10  }
0x11a: {  	[tilespmem:$0xA120] =	vst @!p4 v7  }
0x11b: {  	v5 =	vadd.s32 @!p4 v4, v5;
	[tilespmem:$0xA3B0] =	vst @!p4 v6  }
0x11c: {  	s25 =	simm.s32 @!p4 $0x40;
	s26 =	simm.s32 @!p4 $0xA100;
	s28 =	simm.s32 @!p4 $0x12400;
	[tilespmem:$0xA130] =	vst @!p4 v5  }
0x11d: {  	[tilespmem:s28], [sflag:$0x5] =	stream.indirect.gather @!p4 [hbm4b:s4+s25], $0x80, s26, s25, $0xb8;
	[tilespmem:$0x1E440] =	vst v63  }
.LBB2_9:
0x11e: {  	s25 =	simm.s32 $0x0;
	s26 =	simm.s32 $0x5170;
	s28 =	simm.s32 $0x7970  }
.LBB2_10:
0x11f: {  	p6 =	sge.s32 s25, s23  }
0x120: {  	s29 =	simm.s32 @!p6 $0x1  }
0x121: {  	_ =	swait.ge @!p6 [sflag:s29], $0x2000  }
0x122: {  	s30 =	simm.s32 @!p6 $0xA180;
	[sflag:s29] =	ssyncset.done @!p6 $0x0  }
0x123: {  	s31 =	simm.s32 @!p6 $0xA400;
	[sflag:s29] =	ssyncadd.s32 @!p6 $0xFFFFE000;
	s29 =	simm.s32 @!p6 $0x40  }
0x124: {  	[spmem:s2] =	stream.indirect.scatter.add.f32 @!p6 [tilespmem:s31], [sflag:$0x6], $0x80, s30, s29, $0xb8;
	[tilespmem:$0x1E440] =	vst v63  }
0x125: {  	s29 =	simm.s32 @!p6 $0x6  }
0x126: {  	s30 =	sadd.s32 @!p6 $0x5, s25;
	_ =	swait.ge @!p6 [sflag:s29], $0x2000  }
0x127: {  	p3 =	sge.u32 @!p6 s30, s23;
	[sflag:s29] =	ssyncset.done @!p6 $0x0  }
0x128: {  	[sflag:s29] =	ssyncadd.s32 @!p6 $0xFFFFE000;
	p6 =	por p3, p6  }
0x129: {  	v5 =	vld @!p6 [tilespmem:s26+$0xFFFFFED0];
	_ =	sdelay $0x4  }
0x12a: {  	v5 =	vadd.s32 @!p6 v4, v5  }
0x12b: {  	[tilespmem:$0x9F00] =	vst @!p6 v5  }
0x12c: {  	v5 =	vld @!p6 [tilespmem:s28+$0xFFFFFED0];
	_ =	sdelay $0x4  }
0x12d: {  	[tilespmem:$0xA180] =	vst @!p6 v5  }
0x12e: {  	v5 =	vld @!p6 [tilespmem:s26+$0xFFFFFEE0];
	_ =	sdelay $0x4  }
0x12f: {  	v5 =	vadd.s32 @!p6 v4, v5  }
0x130: {  	[tilespmem:$0x9F10] =	vst @!p6 v5  }
0x131: {  	v5 =	vld @!p6 [tilespmem:s28+$0xFFFFFEE0];
	_ =	sdelay $0x4  }
0x132: {  	[tilespmem:$0xA190] =	vst @!p6 v5  }
0x133: {  	v5 =	vld @!p6 [tilespmem:s26+$0xFFFFFEF0];
	_ =	sdelay $0x4  }
0x134: {  	v5 =	vadd.s32 @!p6 v4, v5  }
0x135: {  	[tilespmem:$0x9F20] =	vst @!p6 v5  }
0x136: {  	v5 =	vld @!p6 [tilespmem:s28+$0xFFFFFEF0];
	_ =	sdelay $0x4  }
0x137: {  	[tilespmem:$0xA1A0] =	vst @!p6 v5  }
0x138: {  	v5 =	vld @!p6 [tilespmem:s26+$0xFFFFFF00];
	_ =	sdelay $0x4  }
0x139: {  	v5 =	vadd.s32 @!p6 v4, v5  }
0x13a: {  	[tilespmem:$0x9F30] =	vst @!p6 v5  }
0x13b: {  	v5 =	vld @!p6 [tilespmem:s28+$0xFFFFFF00];
	_ =	sdelay $0x3  }
0x13c: {  	s29 =	rddreg [dreg:$0x3]  }
0x13d: {  	s30 =	simm.s32 @!p6 $0x40;
	s31 =	simm.s32 @!p6 $0x9F00;
	s0 =	simm.s32 @!p6 $0xA400;
	[tilespmem:$0xA1B0] =	vst @!p6 v5  }
0x13e: {  	[tilespmem:s0], [sflag:$0x1] =	stream.indirect.gather @!p6 [hbm4b:s4+s30], $0x80, s31, s30, $0xb8;
	[tilespmem:$0x1E440] =	vst v63  }
0x13f: {  	p6 =	sge.s32 s25, s29  }
0x140: {  	s0 =	simm.s32 @!p6 $0x2  }
0x141: {  	_ =	swait.ge @!p6 [sflag:s0], $0x2000  }
0x142: {  	s29 =	simm.s32 @!p6 $0xA200;
	[sflag:s0] =	ssyncset.done @!p6 $0x0  }
0x143: {  	s30 =	simm.s32 @!p6 $0xC400;
	[sflag:s0] =	ssyncadd.s32 @!p6 $0xFFFFE000;
	s0 =	simm.s32 @!p6 $0x40  }
0x144: {  	[spmem:s2] =	stream.indirect.scatter.add.f32 @!p6 [tilespmem:s30], [sflag:$0x6], $0x80, s29, s0, $0xb8;
	[tilespmem:$0x1E440] =	vst v63  }
0x145: {  	s0 =	simm.s32 @!p6 $0x6  }
0x146: {  	s29 =	sadd.s32 @!p6 $0x6, s25;
	_ =	swait.ge @!p6 [sflag:s0], $0x2000  }
0x147: {  	p3 =	sge.u32 @!p6 s29, s23;
	[sflag:s0] =	ssyncset.done @!p6 $0x0  }
0x148: {  	[sflag:s0] =	ssyncadd.s32 @!p6 $0xFFFFE000;
	p6 =	por p3, p6  }
0x149: {  	v5 =	vld @!p6 [tilespmem:s26+$0xFFFFFF10];
	_ =	sdelay $0x4  }
0x14a: {  	v5 =	vadd.s32 @!p6 v4, v5  }
0x14b: {  	[tilespmem:$0x9F80] =	vst @!p6 v5  }
0x14c: {  	v5 =	vld @!p6 [tilespmem:s28+$0xFFFFFF10];
	_ =	sdelay $0x4  }
0x14d: {  	[tilespmem:$0xA200] =	vst @!p6 v5  }
0x14e: {  	v5 =	vld @!p6 [tilespmem:s26+$0xFFFFFF20];
	_ =	sdelay $0x4  }
0x14f: {  	v5 =	vadd.s32 @!p6 v4, v5  }
0x150: {  	[tilespmem:$0x9F90] =	vst @!p6 v5  }
0x151: {  	v5 =	vld @!p6 [tilespmem:s28+$0xFFFFFF20];
	_ =	sdelay $0x4  }
0x152: {  	[tilespmem:$0xA210] =	vst @!p6 v5  }
0x153: {  	v5 =	vld @!p6 [tilespmem:s26+$0xFFFFFF30];
	_ =	sdelay $0x4  }
0x154: {  	v5 =	vadd.s32 @!p6 v4, v5  }
0x155: {  	[tilespmem:$0x9FA0] =	vst @!p6 v5  }
0x156: {  	v5 =	vld @!p6 [tilespmem:s28+$0xFFFFFF30];
	_ =	sdelay $0x4  }
0x157: {  	[tilespmem:$0xA220] =	vst @!p6 v5  }
0x158: {  	v5 =	vld @!p6 [tilespmem:s26+$0xFFFFFF40];
	_ =	sdelay $0x4  }
0x159: {  	v5 =	vadd.s32 @!p6 v4, v5  }
0x15a: {  	[tilespmem:$0x9FB0] =	vst @!p6 v5  }
0x15b: {  	v5 =	vld @!p6 [tilespmem:s28+$0xFFFFFF40];
	_ =	sdelay $0x3  }
0x15c: {  	s0 =	rddreg [dreg:$0x4]  }
0x15d: {  	s29 =	simm.s32 @!p6 $0x40;
	s30 =	simm.s32 @!p6 $0x9F80;
	s31 =	simm.s32 @!p6 $0xC400;
	[tilespmem:$0xA230] =	vst @!p6 v5  }
0x15e: {  	[tilespmem:s31], [sflag:$0x2] =	stream.indirect.gather @!p6 [hbm4b:s4+s29], $0x80, s30, s29, $0xb8;
	[tilespmem:$0x1E440] =	vst v63  }
0x15f: {  	p6 =	sge.s32 s25, s0  }
0x160: {  	s0 =	simm.s32 @!p6 $0x3  }
0x161: {  	_ =	swait.ge @!p6 [sflag:s0], $0x2000  }
0x162: {  	s29 =	simm.s32 @!p6 $0xA280;
	[sflag:s0] =	ssyncset.done @!p6 $0x0  }
0x163: {  	s30 =	simm.s32 @!p6 $0xE400;
	[sflag:s0] =	ssyncadd.s32 @!p6 $0xFFFFE000;
	s0 =	simm.s32 @!p6 $0x40  }
0x164: {  	[spmem:s2] =	stream.indirect.scatter.add.f32 @!p6 [tilespmem:s30], [sflag:$0x6], $0x80, s29, s0, $0xb8;
	[tilespmem:$0x1E440] =	vst v63  }
0x165: {  	s0 =	simm.s32 @!p6 $0x6  }
0x166: {  	s29 =	sadd.s32 @!p6 $0x7, s25;
	_ =	swait.ge @!p6 [sflag:s0], $0x2000  }
0x167: {  	p3 =	sge.u32 @!p6 s29, s23;
	[sflag:s0] =	ssyncset.done @!p6 $0x0  }
0x168: {  	[sflag:s0] =	ssyncadd.s32 @!p6 $0xFFFFE000;
	p6 =	por p3, p6  }
0x169: {  	v5 =	vld @!p6 [tilespmem:s26+$0xFFFFFF50];
	_ =	sdelay $0x4  }
0x16a: {  	v5 =	vadd.s32 @!p6 v4, v5  }
0x16b: {  	[tilespmem:$0xA000] =	vst @!p6 v5  }
0x16c: {  	v5 =	vld @!p6 [tilespmem:s28+$0xFFFFFF50];
	_ =	sdelay $0x4  }
0x16d: {  	[tilespmem:$0xA280] =	vst @!p6 v5  }
0x16e: {  	v5 =	vld @!p6 [tilespmem:s26+$0xFFFFFF60];
	_ =	sdelay $0x4  }
0x16f: {  	v5 =	vadd.s32 @!p6 v4, v5  }
0x170: {  	[tilespmem:$0xA010] =	vst @!p6 v5  }
0x171: {  	v5 =	vld @!p6 [tilespmem:s28+$0xFFFFFF60];
	_ =	sdelay $0x4  }
0x172: {  	[tilespmem:$0xA290] =	vst @!p6 v5  }
0x173: {  	v5 =	vld @!p6 [tilespmem:s26+$0xFFFFFF70];
	_ =	sdelay $0x4  }
0x174: {  	v5 =	vadd.s32 @!p6 v4, v5  }
0x175: {  	[tilespmem:$0xA020] =	vst @!p6 v5  }
0x176: {  	v5 =	vld @!p6 [tilespmem:s28+$0xFFFFFF70];
	_ =	sdelay $0x4  }
0x177: {  	[tilespmem:$0xA2A0] =	vst @!p6 v5  }
0x178: {  	v5 =	vld @!p6 [tilespmem:s26+$0xFFFFFF80];
	_ =	sdelay $0x4  }
0x179: {  	v5 =	vadd.s32 @!p6 v4, v5  }
0x17a: {  	[tilespmem:$0xA030] =	vst @!p6 v5  }
0x17b: {  	v5 =	vld @!p6 [tilespmem:s28+$0xFFFFFF80];
	_ =	sdelay $0x3  }
0x17c: {  	s0 =	rddreg [dreg:$0x5]  }
0x17d: {  	s29 =	simm.s32 @!p6 $0x40;
	s30 =	simm.s32 @!p6 $0xA000;
	s31 =	simm.s32 @!p6 $0xE400;
	[tilespmem:$0xA2B0] =	vst @!p6 v5  }
0x17e: {  	[tilespmem:s31], [sflag:$0x3] =	stream.indirect.gather @!p6 [hbm4b:s4+s29], $0x80, s30, s29, $0xb8;
	[tilespmem:$0x1E440] =	vst v63  }
0x17f: {  	p6 =	sge.s32 s25, s0  }
0x180: {  	s0 =	simm.s32 @!p6 $0x4  }
0x181: {  	_ =	swait.ge @!p6 [sflag:s0], $0x2000  }
0x182: {  	s29 =	simm.s32 @!p6 $0xA300;
	[sflag:s0] =	ssyncset.done @!p6 $0x0  }
0x183: {  	s30 =	simm.s32 @!p6 $0x10400;
	[sflag:s0] =	ssyncadd.s32 @!p6 $0xFFFFE000;
	s0 =	simm.s32 @!p6 $0x40  }
0x184: {  	[spmem:s2] =	stream.indirect.scatter.add.f32 @!p6 [tilespmem:s30], [sflag:$0x6], $0x80, s29, s0, $0xb8;
	[tilespmem:$0x1E440] =	vst v63  }
0x185: {  	s0 =	simm.s32 @!p6 $0x6  }
0x186: {  	s29 =	sadd.s32 @!p6 $0x8, s25;
	_ =	swait.ge @!p6 [sflag:s0], $0x2000  }
0x187: {  	p3 =	sge.u32 @!p6 s29, s23;
	[sflag:s0] =	ssyncset.done @!p6 $0x0  }
0x188: {  	[sflag:s0] =	ssyncadd.s32 @!p6 $0xFFFFE000;
	p6 =	por p3, p6  }
0x189: {  	v5 =	vld @!p6 [tilespmem:s26+$0xFFFFFF90];
	_ =	sdelay $0x4  }
0x18a: {  	v5 =	vadd.s32 @!p6 v4, v5  }
0x18b: {  	[tilespmem:$0xA080] =	vst @!p6 v5  }
0x18c: {  	v5 =	vld @!p6 [tilespmem:s28+$0xFFFFFF90];
	_ =	sdelay $0x4  }
0x18d: {  	[tilespmem:$0xA300] =	vst @!p6 v5  }
0x18e: {  	v5 =	vld @!p6 [tilespmem:s26+$0xFFFFFFA0];
	_ =	sdelay $0x4  }
0x18f: {  	v5 =	vadd.s32 @!p6 v4, v5  }
0x190: {  	[tilespmem:$0xA090] =	vst @!p6 v5  }
0x191: {  	v5 =	vld @!p6 [tilespmem:s28+$0xFFFFFFA0];
	_ =	sdelay $0x4  }
0x192: {  	[tilespmem:$0xA310] =	vst @!p6 v5  }
0x193: {  	v5 =	vld @!p6 [tilespmem:s26+$0xFFFFFFB0];
	_ =	sdelay $0x4  }
0x194: {  	v5 =	vadd.s32 @!p6 v4, v5  }
0x195: {  	[tilespmem:$0xA0A0] =	vst @!p6 v5  }
0x196: {  	v5 =	vld @!p6 [tilespmem:s28+$0xFFFFFFB0];
	_ =	sdelay $0x4  }
0x197: {  	[tilespmem:$0xA320] =	vst @!p6 v5  }
0x198: {  	v5 =	vld @!p6 [tilespmem:s26+$0xFFFFFFC0];
	_ =	sdelay $0x4  }
0x199: {  	v5 =	vadd.s32 @!p6 v4, v5  }
0x19a: {  	[tilespmem:$0xA0B0] =	vst @!p6 v5  }
0x19b: {  	v5 =	vld @!p6 [tilespmem:s28+$0xFFFFFFC0];
	_ =	sdelay $0x3  }
0x19c: {  	s0 =	rddreg [dreg:$0x6]  }
0x19d: {  	s29 =	simm.s32 @!p6 $0x40;
	s30 =	simm.s32 @!p6 $0xA080;
	s31 =	simm.s32 @!p6 $0x10400;
	[tilespmem:$0xA330] =	vst @!p6 v5  }
0x19e: {  	[tilespmem:s31], [sflag:$0x4] =	stream.indirect.gather @!p6 [hbm4b:s4+s29], $0x80, s30, s29, $0xb8;
	[tilespmem:$0x1E440] =	vst v63  }
0x19f: {  	p6 =	sge.s32 s25, s0  }
0x1a0: {  	s0 =	simm.s32 @!p6 $0x5  }
0x1a1: {  	_ =	swait.ge @!p6 [sflag:s0], $0x2000  }
0x1a2: {  	s29 =	simm.s32 @!p6 $0xA380;
	[sflag:s0] =	ssyncset.done @!p6 $0x0  }
0x1a3: {  	s30 =	simm.s32 @!p6 $0x12400;
	[sflag:s0] =	ssyncadd.s32 @!p6 $0xFFFFE000;
	s0 =	simm.s32 @!p6 $0x40  }
0x1a4: {  	[spmem:s2] =	stream.indirect.scatter.add.f32 @!p6 [tilespmem:s30], [sflag:$0x6], $0x80, s29, s0, $0xb8;
	[tilespmem:$0x1E440] =	vst v63  }
0x1a5: {  	s0 =	simm.s32 @!p6 $0x6  }
0x1a6: {  	s29 =	sadd.s32 @!p6 $0x9, s25;
	_ =	swait.ge @!p6 [sflag:s0], $0x2000  }
0x1a7: {  	p3 =	sge.u32 @!p6 s29, s23;
	[sflag:s0] =	ssyncset.done @!p6 $0x0  }
0x1a8: {  	[sflag:s0] =	ssyncadd.s32 @!p6 $0xFFFFE000;
	p6 =	por p3, p6  }
0x1a9: {  	v5 =	vld @!p6 [tilespmem:s26+$0xFFFFFFD0];
	_ =	sdelay $0x4  }
0x1aa: {  	v5 =	vadd.s32 @!p6 v4, v5  }
0x1ab: {  	[tilespmem:$0xA100] =	vst @!p6 v5  }
0x1ac: {  	v5 =	vld @!p6 [tilespmem:s28+$0xFFFFFFD0];
	_ =	sdelay $0x4  }
0x1ad: {  	[tilespmem:$0xA380] =	vst @!p6 v5  }
0x1ae: {  	v5 =	vld @!p6 [tilespmem:s26+$0xFFFFFFE0];
	_ =	sdelay $0x4  }
0x1af: {  	v5 =	vadd.s32 @!p6 v4, v5  }
0x1b0: {  	[tilespmem:$0xA110] =	vst @!p6 v5  }
0x1b1: {  	v5 =	vld @!p6 [tilespmem:s28+$0xFFFFFFE0];
	_ =	sdelay $0x4  }
0x1b2: {  	[tilespmem:$0xA390] =	vst @!p6 v5  }
0x1b3: {  	v5 =	vld @!p6 [tilespmem:s26+$0xFFFFFFF0];
	_ =	sdelay $0x4  }
0x1b4: {  	v5 =	vadd.s32 @!p6 v4, v5  }
0x1b5: {  	[tilespmem:$0xA120] =	vst @!p6 v5  }
0x1b6: {  	v5 =	vld @!p6 [tilespmem:s28+$0xFFFFFFF0];
	_ =	sdelay $0x4  }
0x1b7: {  	[tilespmem:$0xA3A0] =	vst @!p6 v5  }
0x1b8: {  	v5 =	vld @!p6 [tilespmem:s26+$0x0];
	_ =	sdelay $0x4  }
0x1b9: {  	v5 =	vadd.s32 @!p6 v4, v5  }
0x1ba: {  	[tilespmem:$0xA130] =	vst @!p6 v5  }
0x1bb: {  	s25 =	sadd.s32 $0x5, s25;
	s31 =	rddreg [dreg:$0x7];
	v5 =	vld @!p6 [tilespmem:s28+$0x0]  }
0x1bc: {  	p3 =	sne.s32 s31, s25  }
.Ltmp8:
0x1bd: {  	_ = 	snop;
	(pc) =	sbr.rel @p3 .LBB2_10-.Ltmp8, $4  }
0x1be: {  	_ = 	snop  }
0x1bf: {  	s0 =	simm.s32 @!p6 $0x40;
	s29 =	simm.s32 @!p6 $0xA100  }
0x1c0: {  	s30 =	simm.s32 @!p6 $0x12400;
	s26 =	sadd.s32 $0x140, s26;
	s28 =	sadd.s32 $0x140, s28;
	[tilespmem:$0xA3B0] =	vst @!p6 v5  }
0x1c1: {  	[tilespmem:s30], [sflag:$0x5] =	stream.indirect.gather @!p6 [hbm4b:s4+s0], $0x80, s29, s0, $0xb8;
	[tilespmem:$0x1E440] =	vst v63  }
.Ltmp9:
0x1c2: {  	_ = 	snop;
	(pc) =	sbr.rel .LBB2_11-.Ltmp9, $1  }
0x1c3: {  	_ =	sdelay $0x3  }
.LBB2_13:
0x1c4: {  	_ =	sfence.sel $0x180000  }
0x1c5: {  	[bflag:$0x0] =	sbarrier.arrive $0xFFFF  }
0x1c6: {  	_ =	strace $0x9000004A  }
0x1c7: {  	[bflag:$0x2] =	sbarrier.arrive $0xFFFF  }
0x1c8: {  	p0 =	sne.s32 s1, $0x0;
	s0 =	rddreg [dreg:$0x2]  }
0x1c9: {  	s0 =	sadd.s32 @!p0 $0x100000, s0  }
0x1ca: {  	[sflag:s0] =	ssyncadd.tile.s32 @!p0 $0x1;
	_ =	shalt  }
.Lfunc_end2:
_tile_overlayer_lowered:
.L_overlay_start_2:
0x1cb: {  	(tag) =	ssettag $0x2  }
0x1cc: {  	s0 =	rddreg [dreg:$0x0];
	s2 =	stileid.u32  }
0x1cd: {  	s1 =	rddreg [dreg:$0x1];
	p0 =	sne.s32 s2, $0x0  }
0x1ce: {  	s3 =	rddreg [dreg:$0x2];
	[bflag:$0x3] =	sbarrier.arrive $0xFFFF;
	s2 =	simm.s32 @!p0 $0x1C06  }
0x1cf: {  	[timem:s3], [sflag:s2] =	dma.local @!p0 [hbm:s0], s1  }
0x1d0: {  	s0 =	simm.s32 @!p0 $0x6  }
0x1d1: {  	_ =	swait.ge @!p0 [sflag:s0], s1  }
0x1d2: {  	s1 =	ssub.s32 @!p0 $0x0, s1;
	[sflag:s0] =	ssyncset.done @!p0 $0x0  }
0x1d3: {  	[sflag:s0] =	ssyncadd.s32 @!p0 s1  }
0x1d4: {  	[bflag:$0x3] =	sbarrier.arrive $0xFFFF  }
0x1d5: {  	_ =	shalt  }

// kernel: kernel.14.cloned.1.call-start
scs
__scs_entry_jumppad:
0x0: {  	(pc) =	sbr.rel $0x88, $3  }
0x1: {  	(tag) =	ssettag $0x0;
	lr =	simm.s32 $0x1  }
0x2: {  	[smem:$0x3F9B] =	sst lr;
	_ =	strace $0xD0000000  }
0x3: {  	_ = 	snop  }
0x4: {  	_ = 	snop  }
0x5: {  	_ = 	snop  }
0x6: {  	_ = 	snop  }
0x7: {  	_ = 	snop  }
__scs_overlays_trampoline_lowered:
0x8: {  	[smem:$0x3FAA] =	sst s0  }
0x9: {  	[smem:$0x3FAB] =	sst s1  }
0xa: {  	[smem:$0x3FAC] =	sst s2  }
0xb: {  	[smem:$0x3FAD] =	sst s3  }
0xc: {  	[smem:$0x3FAE] =	sst s4  }
0xd: {  	[smem:$0x3FAF] =	sst s5  }
0xe: {  	[smem:$0x3FB0] =	sst s6  }
0xf: {  	[smem:$0x3FB1] =	sst s7  }
0x10: {  	[smem:$0x3FB2] =	sst s8  }
0x11: {  	[smem:$0x3FB3] =	sst s9;
	s0 =	simm.s32 @!p0 $0x0  }
0x12: {  	s1 =	sld [smem:$0x3F99];
	s0 =	simm.s32 @p0 $0x1  }
0x13: {  	[smem:$0x3FB4] =	sst s0;
	s0 =	simm.s32 @!p1 $0x0  }
0x14: {  	s2 =	sld [smem:$0x3F98];
	s0 =	simm.s32 @p1 $0x1  }
0x15: {  	[smem:$0x3FB5] =	sst s0;
	s0 =	simm.s32 @!p2 $0x0  }
0x16: {  	s3 =	sld [smem:$0x3FDB];
	s0 =	simm.s32 @p2 $0x1  }
0x17: {  	s4 =	simm.s32 $0x1BF5;
	[smem:$0x3FB7] =	sst s0  }
0x18: {  	s0 =	sld [smem:$0x3F9A];
	_ =	swait.ge [sflag:s4], $0x0  }
0x19: {  	s7 =	sld [smem:$0x3F9B]  }
0x1a: {  	s8 =	sadd.s32 $0xFFFFE003, lr  }
0x1b: {  	s9 =	sadd.s32 $0xFFFFFEF7, lr;
	s5 =	simm.s32 $0xFFFFFFFF;
	p2 =	slt.u32 s8, $0xFFFFF086  }
0x1c: {  	p1 =	slt.u32 s9, $0xF7A;
	s5 =	simm.s32 @!p2 $0x0  }
0x1d: {  	s5 =	simm.s32 @p1 $0x1;
	p0 =	seq.s32 s7, s2  }
0x1e: {  	s7 =	smul.u32 @!p0 $0xF7A, s2;
	p2 =	seq.s32 @!p0 s5, $0x0  }
0x1f: {  	s9 =	smul.u32 $0xF7A, s1;
	s8 =	simm.s32 @!p0 $0x1BF5;
	p2 =	por !p2, p0  }
0x20: {  	[sflag:s8] =	ssyncset.s32 @!p0 $0xFFFFF086;
	s6 =	sadd.s32 @!p0 s3, s7;
	s7 =	simm.s32 @!p0 $0x108  }
0x21: {  	s3 =	sadd.s32 s3, s9;
	s6 =	sadd.s32 @!p0 $0x88, s6;
	s7 =	simm.s32 @p2 $0x1082  }
0x22: {  	[simem:s7], [sflag:s8] =	dma.local @!p0 [hbm:s6], $0xF7A  }
0x23: {  	s9 =	sor.u32 $0xD0000000, s2;
	s6 =	simm.s32 $0x108;
	_ =	swait.ge @!p0 [sflag:s8], $0x0  }
0x24: {  	s3 =	sadd.s32 $0x88, s3;
	s6 =	simm.s32 @!p1 $0x1082;
	[sflag:s4] =	ssyncset.s32 $0xFFFFF086  }
0x25: {  	[simem:s6], [sflag:s4] =	dma.local [hbm:s3], $0xF7A  }
0x26: {  	[smem:$0x3F9B] =	sst s1;
	(tag) =	ssettag s2;
	_ =	strace s9  }
0x27: {  	s1 =	sld [smem:$0x3FAB]  }
0x28: {  	s2 =	sld [smem:$0x3FAC]  }
0x29: {  	s4 =	sld [smem:$0x3FAE]  }
0x2a: {  	p0 =	seq.s32 s5, $0x0;
	s5 =	sld [smem:$0x3FAF]  }
0x2b: {  	s6 =	sld [smem:$0x3FB0]  }
0x2c: {  	s7 =	sld [smem:$0x3FB1]  }
0x2d: {  	s3 =	simm.s32 $0x108;
	s8 =	sld [smem:$0x3FB2]  }
0x2e: {  	s3 =	simm.s32 @!p0 $0x1082;
	s9 =	sld [smem:$0x3FB3]  }
0x2f: {  	lr =	sadd.s32 s0, s3;
	s0 =	sld [smem:$0x3FAA]  }
0x30: {  	s3 =	sld [smem:$0x3FAD]  }
0x31: {  	[smem:$0x3FB6] =	sst s10  }
0x32: {  	s10 =	sld [smem:$0x3FB4];
	_ =	sdelay $0x3  }
0x33: {  	p0 =	seq.s32 s10, $0x1;
	s10 =	sld [smem:$0x3FB6];
	_ =	sdelay $0x3  }
0x34: {  	[smem:$0x3FB6] =	sst s10  }
0x35: {  	s10 =	sld [smem:$0x3FB5];
	_ =	sdelay $0x3  }
0x36: {  	p1 =	seq.s32 s10, $0x1;
	s10 =	sld [smem:$0x3FB6];
	_ =	sdelay $0x3  }
0x37: {  	[smem:$0x3FB6] =	sst s10  }
0x38: {  	s10 =	sld [smem:$0x3FB7]  }
0x39: {  	_ = 	snop;
	(pc) =	sbr.ind lr, $3  }
0x3a: {  	_ = 	snop  }
0x3b: {  	_ = 	snop  }
0x3c: {  	p2 =	seq.s32 s10, $0x1;
	s10 =	sld [smem:$0x3FB6]  }
0x3d: {  	_ =	shalt  }
0x3e: {  	_ =	shalt  }
0x3f: {  	_ =	shalt  }
0x40: {  	_ =	shalt  }
0x41: {  	_ =	shalt  }
0x42: {  	_ =	shalt  }
0x43: {  	_ =	shalt  }
0x44: {  	_ =	shalt  }
0x45: {  	_ =	shalt  }
0x46: {  	_ =	shalt  }
0x47: {  	_ =	shalt  }
0x48: {  	_ =	shalt  }
0x49: {  	_ =	shalt  }
0x4a: {  	_ =	shalt  }
0x4b: {  	_ =	shalt  }
0x4c: {  	_ =	shalt  }
0x4d: {  	_ =	shalt  }
0x4e: {  	_ =	shalt  }
0x4f: {  	_ =	shalt  }
0x50: {  	_ =	shalt  }
0x51: {  	_ =	shalt  }
0x52: {  	_ =	shalt  }
0x53: {  	_ =	shalt  }
0x54: {  	_ =	shalt  }
0x55: {  	_ =	shalt  }
0x56: {  	_ =	shalt  }
0x57: {  	_ =	shalt  }
0x58: {  	_ =	shalt  }
0x59: {  	_ =	shalt  }
0x5a: {  	_ =	shalt  }
0x5b: {  	_ =	shalt  }
0x5c: {  	_ =	shalt  }
0x5d: {  	_ =	shalt  }
0x5e: {  	_ =	shalt  }
0x5f: {  	_ =	shalt  }
0x60: {  	_ =	shalt  }
0x61: {  	_ =	shalt  }
0x62: {  	_ =	shalt  }
0x63: {  	_ =	shalt  }
0x64: {  	_ =	shalt  }
0x65: {  	_ =	shalt  }
0x66: {  	_ =	shalt  }
0x67: {  	_ =	shalt  }
0x68: {  	_ =	shalt  }
0x69: {  	_ =	shalt  }
0x6a: {  	_ =	shalt  }
0x6b: {  	_ =	shalt  }
0x6c: {  	_ =	shalt  }
0x6d: {  	_ =	shalt  }
0x6e: {  	_ =	shalt  }
0x6f: {  	_ =	shalt  }
0x70: {  	_ =	shalt  }
0x71: {  	_ =	shalt  }
0x72: {  	_ =	shalt  }
0x73: {  	_ =	shalt  }
0x74: {  	_ =	shalt  }
0x75: {  	_ =	shalt  }
0x76: {  	_ =	shalt  }
0x77: {  	_ =	shalt  }
0x78: {  	_ =	shalt  }
0x79: {  	_ =	shalt  }
0x7a: {  	_ =	shalt  }
0x7b: {  	_ =	shalt  }
0x7c: {  	_ =	shalt  }
0x7d: {  	_ =	shalt  }
0x7e: {  	_ =	shalt  }
0x7f: {  	_ =	shalt  }
0x80: {  	_ =	shalt  }
0x81: {  	_ =	shalt  }
0x82: {  	_ =	shalt  }
0x83: {  	_ =	shalt  }
0x84: {  	_ =	shalt  }
0x85: {  	_ =	shalt  }
0x86: {  	_ =	shalt  }
0x87: {  	_ =	shalt  }
.Lfunc_end0:
.L_simem_size_0:
called_computation.2_lowered:
.L_overlay_start_0:
0x88: {  	s2 =	sld [smem:$0x3FD9]  }
0x89: {  	s3 =	sld [smem:$0x3FFE];
	_ =	sdelay $0x1  }
0x8a: {  	s1 =	srdreg.scid  }
0x8b: {  	s0 =	sand.u32 $0x1, s1  }
0x8c: {  	s16 =	sshll.u32 s0, $0xA;
	s2 =	sadd.s32 s3, s2  }
0x8d: {  	s2 =	sadd.s32 s2, s16  }
0x8e: {  	[smem:$0x3FC2] =	sst s2  }
0x8f: {  	_ = 	snop  }
0x90: {  	(tm) =	ssettm $0x1  }
0x91: {  	s17 =	sld [smem:$0x3FFB];
	_ =	sdelay $0x3  }
0x92: {  	_ =	strace s17  }
0x93: {  	s2 =	sld [smem:$0x3FFC];
	_ =	sdelay $0x3  }
0x94: {  	_ =	strace s2  }
0x95: {  	s2 =	sld [smem:$0x3FFD];
	_ =	sdelay $0x3  }
0x96: {  	_ =	strace s2  }
0x97: {  	_ =	strace $0x8FFFFFFF  }
0x98: {  	s18 =	sld [smem:$0x3FDB];
	_ =	sdelay $0x1  }
0x99: {  	s19 =	simm.s32 $_scs_section_size  }
0x9a: {  	s4 =	simm.s32 $_size__tile_overlayer_lowered;
	s5 =	simm.s32 $_tile_overlayer_lowered  }
0x9b: {  	s22 =	simm.s32 $0x1BFF;
	s21 =	sshll.u32 s5, $0x1;
	s2 =	sadd.s32 s19, s18  }
0x9c: {  	s6 =	simm.s32 $0x0;
	s20 =	sshll.u32 s4, $0x1;
	s4 =	sadd.s32 s21, s2  }
0x9d: {  	[timem:s6], [sflag:s22] =	dma.local [hbm:s4], s20  }
0x9e: {  	_ =	swait.ge [sflag:s22], s20  }
0x9f: {  	s3 =	ssub.s32 $0x0, s20;
	[sflag:s22] =	ssyncset.done $0x0  }
0xa0: {  	[sflag:s22] =	ssyncadd.s32 s3;
	_ =	sdelay $0x1  }
0xa1: {  	s23 =	simm.s32 $0x1B8B  }
0xa2: {  	_ =	swait.ge [sflag:s23], $0x1  }
0xa3: {  	[sflag:s23] =	ssyncset.done $0x0  }
0xa4: {  	s25 =	simm.s32 $0x1B8E;
	s24 =	sld [smem:$0x3FFE];
	[sflag:s23] =	ssyncadd.s32 $0xFFFFFFFF  }
0xa5: {  	s26 =	simm.s32 $execute0_lowered;
	[smem:$0x3FD2] =	sst s25  }
0xa6: {  	s4 =	sshll.u32 s26, $0x1;
	_ =	strace $0x8000004C;
	[dreg:$0x1] =	wrdreg $0xFFFFFFFF  }
0xa7: {  	s28 =	simm.s32 $_size_execute0_lowered;
	s2 =	sadd.s32 s2, s4;
	[dreg:$0x0] =	wrdreg $0x0  }
0xa8: {  	s4 =	sshll.u32 s28, $0x1;
	[dreg:$0x2] =	wrdreg s2  }
0xa9: {  	[dreg:$0x3] =	wrdreg s4  }
0xaa: {  	[dreg:$0x4] =	wrdreg $0xC0  }
0xab: {  	_ =	task [dreg:s6], $0x5FFFF  }
0xac: {  	[dreg:$0x1] =	wrdreg $0xFFFFFFFF  }
0xad: {  	[dreg:$0x0] =	wrdreg $0x60  }
0xae: {  	[dreg:$0x2] =	wrdreg s24  }
0xaf: {  	[dreg:$0x3] =	wrdreg $0x9  }
0xb0: {  	_ =	task.clear_ibuf [dreg:s6], $0x4FFFF;
	_ =	strace $0x9000004C  }
0xb1: {  	s29 =	simm.s32 $0x9;
	_ =	strace $0x8000004E  }
0xb2: {  	_ =	swait.ge [sflag:s29], $0x1  }
0xb3: {  	[sflag:s29] =	ssyncadd.s32 $0xFFFFFFFF  }
0xb4: {  	_ =	strace $0x9000004E  }
0xb5: {  	_ =	sfence  }
0xb6: {  	s30 =	sld [smem:$0x0];
	_ =	sdelay $0x2  }
0xb7: {  	s31 =	sshll.u32 s1, $0xD;
	s1 =	sshrl.u32 s1, $0x2  }
0xb8: {  	s3 =	sand.u32 $0x4000, s31;
	s1 =	sadd.s32 s1, s30  }
0xb9: {  	s0 =	sor.u32 s3, s0;
	s1 =	sshll.u32 s1, $0x11  }
0xba: {  	s0 =	sor.u32 s1, s0  }
0xbb: {  	s0 =	sadd.s32 $0x8F2B, s0  }
0xbc: {  	[sflag:s0] =	ssyncadd.remote.s32 $0x1  }
0xbd: {  	_ =	sfence.sel $0xFFFF  }
0xbe: {  	[dreg:$0x0] =	wrdreg $0xFFFFFFFF;
	(pc) =	sbr.abs _section_cstart, $3  }
0xbf: {  	[dreg:$0x1] =	wrdreg $0xFFFFFFFF  }
0xc0: {  	_ =	task.clear_ibuf [dreg:s6], $0x2FFFF;
	_ =	strace $0x9FFFFFFF  }
0xc1: {  	(tm) =	ssettm $0x7FFFFFFF  }
tec
execute0_lowered:
.L_overlay_start_1:
0x0: {  	(tag) =	ssettag $0x1  }
0x1: {  	s0 =	srdreg.scid;
	s4 =	rddreg [dreg:$0x0];
	s2 =	simm.s32 $0x0  }
0x2: {  	s10 =	simm.s32 $0x2800;
	s11 =	simm.s32 $0x5000;
	s3 =	sand.u32 $0x1, s0  }
0x3: {  	s12 =	simm.s32 $0x0;
	s0 =	stileid.u32;
	s1 =	sshll.u32 s3, $0x4  }
0x4: {  	[smem:$0x7FF] =	sst s2;
	s7 =	ssub.s32 $0x2, s3;
	s5 =	sor.u32 s0, s1  }
0x5: {  	s3 =	sadd.s32 $0x1E00, s4;
	s1 =	rddreg [dreg:$0x1];
	s6 =	smul.u32 $0x272, s5  }
0x6: {  	_ =	strace $0x8000004D;
	s8 =	sshrl.u32 s7, $0x1;
	s5 =	smul.u32 $0x500, s5  }
0x7: {  	s7 =	ssub.s32 s7, s8;
	s8 =	simm.s32 $0x1;
	s6 =	sadd.s32 s6, s4  }
0x8: {  	s7 =	smax.u32 s7, $0x1;
	s9 =	sadd.s32 s5, s4;
	s4 =	sadd.s32 $0xB9000, s6  }
0x9: {  	v0 =	vimm.f32 $0.0e+00;
	s5 =	sadd.s32 $0xBE00, s6;
	s6 =	sadd.s32 $0x1AE00, s9;
	s9 =	simm.s32 $0x1400  }
.LBB2_1:
0xa: {  	[tilespmem:s2], [sflag:$0x1] =	stream.linear.gather [hbm4b:s4+s2], $0x1390, $0x38;
	[tilespmem:$0x7800] =	vst v63  }
0xb: {  	_ =	swait.ge [sflag:s8], $0x1390  }
0xc: {  	[sflag:s8] =	ssyncset.done $0x0  }
0xd: {  	[sflag:s8] =	ssyncadd.s32 $0xFFFFEC70  }
0xe: {  	[tilespmem:s9], [sflag:$0x1] =	stream.linear.gather [hbm4b:s5+s2], $0x1390, $0x38;
	[tilespmem:$0x7800] =	vst v63  }
0xf: {  	_ =	swait.ge [sflag:s8], $0x1390  }
0x10: {  	[sflag:s8] =	ssyncset.done $0x0  }
0x11: {  	[sflag:s8] =	ssyncadd.s32 $0xFFFFEC70  }
0x12: {  	[tilespmem:s10], [sflag:$0x1] =	stream.linear.gather [hbm4b:s3+s2], $0x2800, $0x38;
	[tilespmem:$0x7800] =	vst v63  }
0x13: {  	_ =	swait.ge [sflag:s8], $0x2800  }
0x14: {  	[sflag:s8] =	ssyncset.done $0x0  }
0x15: {  	s13 =	simm.s32 $0x0;
	[sflag:s8] =	ssyncadd.s32 $0xFFFFD800  }
.LBB2_2:
0x16: {  	p0 =	sne.s32 s13, $0x9FC0  }
.Ltmp0:
0x17: {  	_ = 	snop;
	(pc) =	sbr.rel @p0 .LBB2_2-.Ltmp0, $3  }
0x18: {  	_ =	sdelay $0x1  }
0x19: {  	s14 =	sshra.s32 s13, $0x2  }
0x1a: {  	s13 =	sadd.s32 $0x40, s13;
	[tilespmem:s14+$0x5000] =	vst v0  }
0x1b: {  	s13 =	simm.s32 $0xFFFFFFFC;
	s14 =	simm.s32 $0x1420;
	s15 =	simm.s32 $0x20  }
.LBB2_4:
0x1c: {  	v1 =	vld [tilespmem:s15+$0xFFFFFFE0];
	_ =	sdelay $0x4  }
0x1d: {  	v2 =	vld [tilespmem:s14+$0xFFFFFFE0];
	_ =	sdelay $0x2  }
0x1e: {  	v1 =	vld.idx.msk [tilespmem:v1+s10+$0x0], $0xffff;
	_ =	sdelay $0x4  }
0x1f: {  	[tilespmem:v2+s11+$0x0] =	vst.idx.add.f32.msk $0xffff, v1  }
0x20: {  	v1 =	vld [tilespmem:s15+$0xFFFFFFF0];
	_ =	sdelay $0x4  }
0x21: {  	v2 =	vld [tilespmem:s14+$0xFFFFFFF0];
	_ =	sdelay $0x2  }
0x22: {  	v1 =	vld.idx.msk [tilespmem:v1+s10+$0x0], $0xffff;
	_ =	sdelay $0x4  }
0x23: {  	[tilespmem:v2+s11+$0x0] =	vst.idx.add.f32.msk $0xffff, v1  }
0x24: {  	v1 =	vld [tilespmem:s15+$0x0];
	_ =	sdelay $0x4  }
0x25: {  	v2 =	vld [tilespmem:s14+$0x0];
	_ =	sdelay $0x2  }
0x26: {  	v1 =	vld.idx.msk [tilespmem:v1+s10+$0x0], $0xffff;
	_ =	sdelay $0x4  }
0x27: {  	[tilespmem:v2+s11+$0x0] =	vst.idx.add.f32.msk $0xffff, v1  }
0x28: {  	v1 =	vld [tilespmem:s15+$0x10];
	_ =	sdelay $0x4  }
0x29: {  	v2 =	vld [tilespmem:s14+$0x10];
	_ =	sdelay $0x1  }
0x2a: {  	s13 =	sadd.s32 $0x4, s13  }
0x2b: {  	p0 =	slt.u32 s13, $0x134;
	v1 =	vld.idx.msk [tilespmem:v1+s10+$0x0], $0xffff  }
.Ltmp1:
0x2c: {  	_ = 	snop;
	(pc) =	sbr.rel @p0 .LBB2_4-.Ltmp1, $2  }
0x2d: {  	_ =	sdelay $0x2  }
0x2e: {  	s14 =	sadd.s32 $0x40, s14;
	s15 =	sadd.s32 $0x40, s15;
	[tilespmem:v2+s11+$0x0] =	vst.idx.add.f32.msk $0xffff, v1  }
0x2f: {  	v1 =	vld [tilespmem:$0x1380];
	_ =	sdelay $0x4  }
0x30: {  	v2 =	vld [tilespmem:$0x2780];
	_ =	sdelay $0x2  }
0x31: {  	v1 =	vld.idx.msk [tilespmem:v1+s10+$0x0], $0xffff;
	_ =	sdelay $0x2  }
0x32: {  	s12 =	sadd.s32 $0x1, s12  }
0x33: {  	p0 =	sne.s32 s12, s7  }
.Ltmp2:
0x34: {  	[tilespmem:v2+s11+$0x0] =	vst.idx.add.f32.msk $0xffff, v1;
	(pc) =	sbr.rel @p0 .LBB2_1-.Ltmp2, $4  }
0x35: {  	[hbm4b:s6+s2] =	stream.linear.scatter [tilespmem:s11], [sflag:$0x1], $0x2800, $0x38;
	[tilespmem:$0x7800] =	vst v63  }
0x36: {  	_ =	swait.ge [sflag:s8], $0x2800  }
0x37: {  	[sflag:s8] =	ssyncset.done $0x0  }
0x38: {  	[sflag:s8] =	ssyncadd.s32 $0xFFFFD800  }
0x39: {  	_ =	sfence.sel $0x180000  }
0x3a: {  	[bflag:$0x0] =	sbarrier.arrive $0xFFFF  }
0x3b: {  	p0 =	sne.s32 s0, $0x0;
	_ =	strace $0x9000004D  }
0x3c: {  	s0 =	sadd.s32 @!p0 $0x100000, s1;
	[bflag:$0x2] =	sbarrier.arrive $0xFFFF  }
0x3d: {  	[sflag:s0] =	ssyncadd.tile.s32 @!p0 $0x1;
	_ =	shalt  }
.Lfunc_end2:
_tile_overlayer_lowered:
.L_overlay_start_2:
0x3e: {  	(tag) =	ssettag $0x2  }
0x3f: {  	s0 =	rddreg [dreg:$0x0];
	s2 =	stileid.u32  }
0x40: {  	s1 =	rddreg [dreg:$0x1];
	p0 =	sne.s32 s2, $0x0  }
0x41: {  	s3 =	rddreg [dreg:$0x2];
	[bflag:$0x3] =	sbarrier.arrive $0xFFFF;
	s2 =	simm.s32 @!p0 $0x1C01  }
0x42: {  	[timem:s3], [sflag:s2] =	dma.local @!p0 [hbm:s0], s1  }
0x43: {  	s0 =	simm.s32 @!p0 $0x1  }
0x44: {  	_ =	swait.ge @!p0 [sflag:s0], s1  }
0x45: {  	s1 =	ssub.s32 @!p0 $0x0, s1;
	[sflag:s0] =	ssyncset.done @!p0 $0x0  }
0x46: {  	[sflag:s0] =	ssyncadd.s32 @!p0 s1  }
0x47: {  	[bflag:$0x3] =	sbarrier.arrive $0xFFFF  }
0x48: {  	_ =	shalt  }

// kernel: kernel.8.cloned.1.call-start
scs
__scs_entry_jumppad:
0x0: {  	(pc) =	sbr.rel $0x88, $3  }
0x1: {  	(tag) =	ssettag $0x0;
	lr =	simm.s32 $0x1  }
0x2: {  	[smem:$0x3F9B] =	sst lr;
	_ =	strace $0xD0000000  }
0x3: {  	_ = 	snop  }
0x4: {  	_ = 	snop  }
0x5: {  	_ = 	snop  }
0x6: {  	_ = 	snop  }
0x7: {  	_ = 	snop  }
__scs_overlays_trampoline_lowered:
0x8: {  	[smem:$0x3FAA] =	sst s0  }
0x9: {  	[smem:$0x3FAB] =	sst s1  }
0xa: {  	[smem:$0x3FAC] =	sst s2  }
0xb: {  	[smem:$0x3FAD] =	sst s3  }
0xc: {  	[smem:$0x3FAE] =	sst s4  }
0xd: {  	[smem:$0x3FAF] =	sst s5  }
0xe: {  	[smem:$0x3FB0] =	sst s6  }
0xf: {  	[smem:$0x3FB1] =	sst s7  }
0x10: {  	[smem:$0x3FB2] =	sst s8  }
0x11: {  	[smem:$0x3FB3] =	sst s9;
	s0 =	simm.s32 @!p0 $0x0  }
0x12: {  	s1 =	sld [smem:$0x3F99];
	s0 =	simm.s32 @p0 $0x1  }
0x13: {  	[smem:$0x3FB4] =	sst s0;
	s0 =	simm.s32 @!p1 $0x0  }
0x14: {  	s2 =	sld [smem:$0x3F98];
	s0 =	simm.s32 @p1 $0x1  }
0x15: {  	[smem:$0x3FB5] =	sst s0;
	s0 =	simm.s32 @!p2 $0x0  }
0x16: {  	s3 =	sld [smem:$0x3FDB];
	s0 =	simm.s32 @p2 $0x1  }
0x17: {  	s4 =	simm.s32 $0x1BF5;
	[smem:$0x3FB7] =	sst s0  }
0x18: {  	s0 =	sld [smem:$0x3F9A];
	_ =	swait.ge [sflag:s4], $0x0  }
0x19: {  	s7 =	sld [smem:$0x3F9B]  }
0x1a: {  	s8 =	sadd.s32 $0xFFFFE003, lr  }
0x1b: {  	s9 =	sadd.s32 $0xFFFFFEF7, lr;
	s5 =	simm.s32 $0xFFFFFFFF;
	p2 =	slt.u32 s8, $0xFFFFF086  }
0x1c: {  	p1 =	slt.u32 s9, $0xF7A;
	s5 =	simm.s32 @!p2 $0x0  }
0x1d: {  	s5 =	simm.s32 @p1 $0x1;
	p0 =	seq.s32 s7, s2  }
0x1e: {  	s7 =	smul.u32 @!p0 $0xF7A, s2;
	p2 =	seq.s32 @!p0 s5, $0x0  }
0x1f: {  	s9 =	smul.u32 $0xF7A, s1;
	s8 =	simm.s32 @!p0 $0x1BF5;
	p2 =	por !p2, p0  }
0x20: {  	[sflag:s8] =	ssyncset.s32 @!p0 $0xFFFFF086;
	s6 =	sadd.s32 @!p0 s3, s7;
	s7 =	simm.s32 @!p0 $0x108  }
0x21: {  	s3 =	sadd.s32 s3, s9;
	s6 =	sadd.s32 @!p0 $0x88, s6;
	s7 =	simm.s32 @p2 $0x1082  }
0x22: {  	[simem:s7], [sflag:s8] =	dma.local @!p0 [hbm:s6], $0xF7A  }
0x23: {  	s9 =	sor.u32 $0xD0000000, s2;
	s6 =	simm.s32 $0x108;
	_ =	swait.ge @!p0 [sflag:s8], $0x0  }
0x24: {  	s3 =	sadd.s32 $0x88, s3;
	s6 =	simm.s32 @!p1 $0x1082;
	[sflag:s4] =	ssyncset.s32 $0xFFFFF086  }
0x25: {  	[simem:s6], [sflag:s4] =	dma.local [hbm:s3], $0xF7A  }
0x26: {  	[smem:$0x3F9B] =	sst s1;
	(tag) =	ssettag s2;
	_ =	strace s9  }
0x27: {  	s1 =	sld [smem:$0x3FAB]  }
0x28: {  	s2 =	sld [smem:$0x3FAC]  }
0x29: {  	s4 =	sld [smem:$0x3FAE]  }
0x2a: {  	p0 =	seq.s32 s5, $0x0;
	s5 =	sld [smem:$0x3FAF]  }
0x2b: {  	s6 =	sld [smem:$0x3FB0]  }
0x2c: {  	s7 =	sld [smem:$0x3FB1]  }
0x2d: {  	s3 =	simm.s32 $0x108;
	s8 =	sld [smem:$0x3FB2]  }
0x2e: {  	s3 =	simm.s32 @!p0 $0x1082;
	s9 =	sld [smem:$0x3FB3]  }
0x2f: {  	lr =	sadd.s32 s0, s3;
	s0 =	sld [smem:$0x3FAA]  }
0x30: {  	s3 =	sld [smem:$0x3FAD]  }
0x31: {  	[smem:$0x3FB6] =	sst s10  }
0x32: {  	s10 =	sld [smem:$0x3FB4];
	_ =	sdelay $0x3  }
0x33: {  	p0 =	seq.s32 s10, $0x1;
	s10 =	sld [smem:$0x3FB6];
	_ =	sdelay $0x3  }
0x34: {  	[smem:$0x3FB6] =	sst s10  }
0x35: {  	s10 =	sld [smem:$0x3FB5];
	_ =	sdelay $0x3  }
0x36: {  	p1 =	seq.s32 s10, $0x1;
	s10 =	sld [smem:$0x3FB6];
	_ =	sdelay $0x3  }
0x37: {  	[smem:$0x3FB6] =	sst s10  }
0x38: {  	s10 =	sld [smem:$0x3FB7]  }
0x39: {  	_ = 	snop;
	(pc) =	sbr.ind lr, $3  }
0x3a: {  	_ = 	snop  }
0x3b: {  	_ = 	snop  }
0x3c: {  	p2 =	seq.s32 s10, $0x1;
	s10 =	sld [smem:$0x3FB6]  }
0x3d: {  	_ =	shalt  }
0x3e: {  	_ =	shalt  }
0x3f: {  	_ =	shalt  }
0x40: {  	_ =	shalt  }
0x41: {  	_ =	shalt  }
0x42: {  	_ =	shalt  }
0x43: {  	_ =	shalt  }
0x44: {  	_ =	shalt  }
0x45: {  	_ =	shalt  }
0x46: {  	_ =	shalt  }
0x47: {  	_ =	shalt  }
0x48: {  	_ =	shalt  }
0x49: {  	_ =	shalt  }
0x4a: {  	_ =	shalt  }
0x4b: {  	_ =	shalt  }
0x4c: {  	_ =	shalt  }
0x4d: {  	_ =	shalt  }
0x4e: {  	_ =	shalt  }
0x4f: {  	_ =	shalt  }
0x50: {  	_ =	shalt  }
0x51: {  	_ =	shalt  }
0x52: {  	_ =	shalt  }
0x53: {  	_ =	shalt  }
0x54: {  	_ =	shalt  }
0x55: {  	_ =	shalt  }
0x56: {  	_ =	shalt  }
0x57: {  	_ =	shalt  }
0x58: {  	_ =	shalt  }
0x59: {  	_ =	shalt  }
0x5a: {  	_ =	shalt  }
0x5b: {  	_ =	shalt  }
0x5c: {  	_ =	shalt  }
0x5d: {  	_ =	shalt  }
0x5e: {  	_ =	shalt  }
0x5f: {  	_ =	shalt  }
0x60: {  	_ =	shalt  }
0x61: {  	_ =	shalt  }
0x62: {  	_ =	shalt  }
0x63: {  	_ =	shalt  }
0x64: {  	_ =	shalt  }
0x65: {  	_ =	shalt  }
0x66: {  	_ =	shalt  }
0x67: {  	_ =	shalt  }
0x68: {  	_ =	shalt  }
0x69: {  	_ =	shalt  }
0x6a: {  	_ =	shalt  }
0x6b: {  	_ =	shalt  }
0x6c: {  	_ =	shalt  }
0x6d: {  	_ =	shalt  }
0x6e: {  	_ =	shalt  }
0x6f: {  	_ =	shalt  }
0x70: {  	_ =	shalt  }
0x71: {  	_ =	shalt  }
0x72: {  	_ =	shalt  }
0x73: {  	_ =	shalt  }
0x74: {  	_ =	shalt  }
0x75: {  	_ =	shalt  }
0x76: {  	_ =	shalt  }
0x77: {  	_ =	shalt  }
0x78: {  	_ =	shalt  }
0x79: {  	_ =	shalt  }
0x7a: {  	_ =	shalt  }
0x7b: {  	_ =	shalt  }
0x7c: {  	_ =	shalt  }
0x7d: {  	_ =	shalt  }
0x7e: {  	_ =	shalt  }
0x7f: {  	_ =	shalt  }
0x80: {  	_ =	shalt  }
0x81: {  	_ =	shalt  }
0x82: {  	_ =	shalt  }
0x83: {  	_ =	shalt  }
0x84: {  	_ =	shalt  }
0x85: {  	_ =	shalt  }
0x86: {  	_ =	shalt  }
0x87: {  	_ =	shalt  }
.Lfunc_end0:
.L_simem_size_0:
called_computation_lowered:
.L_overlay_start_0:
0x88: {  	s2 =	sld [smem:$0x3FD9]  }
0x89: {  	s3 =	sld [smem:$0x3FFE];
	_ =	sdelay $0x1  }
0x8a: {  	s1 =	srdreg.scid  }
0x8b: {  	s0 =	sand.u32 $0x1, s1  }
0x8c: {  	s16 =	sshll.u32 s0, $0xA;
	s2 =	sadd.s32 s3, s2  }
0x8d: {  	s2 =	sadd.s32 s2, s16  }
0x8e: {  	[smem:$0x3FC2] =	sst s2  }
0x8f: {  	_ = 	snop  }
0x90: {  	(tm) =	ssettm $0x1  }
0x91: {  	s17 =	sld [smem:$0x3FFB];
	_ =	sdelay $0x3  }
0x92: {  	_ =	strace s17  }
0x93: {  	s2 =	sld [smem:$0x3FFC];
	_ =	sdelay $0x3  }
0x94: {  	_ =	strace s2  }
0x95: {  	s2 =	sld [smem:$0x3FFD];
	_ =	sdelay $0x3  }
0x96: {  	_ =	strace s2  }
0x97: {  	_ =	strace $0x8FFFFFFF  }
0x98: {  	s18 =	sld [smem:$0x3FDB];
	_ =	sdelay $0x1  }
0x99: {  	s19 =	simm.s32 $_scs_section_size  }
0x9a: {  	s4 =	simm.s32 $_size__tile_overlayer_lowered;
	s5 =	simm.s32 $_tile_overlayer_lowered  }
0x9b: {  	s22 =	simm.s32 $0x1BFF;
	s21 =	sshll.u32 s5, $0x1;
	s2 =	sadd.s32 s19, s18  }
0x9c: {  	s6 =	simm.s32 $0x0;
	s20 =	sshll.u32 s4, $0x1;
	s4 =	sadd.s32 s21, s2  }
0x9d: {  	[timem:s6], [sflag:s22] =	dma.local [hbm:s4], s20  }
0x9e: {  	_ =	swait.ge [sflag:s22], s20  }
0x9f: {  	s3 =	ssub.s32 $0x0, s20;
	[sflag:s22] =	ssyncset.done $0x0  }
0xa0: {  	[sflag:s22] =	ssyncadd.s32 s3;
	_ =	sdelay $0x1  }
0xa1: {  	s23 =	simm.s32 $0x1B8B  }
0xa2: {  	_ =	swait.ge [sflag:s23], $0x1  }
0xa3: {  	[sflag:s23] =	ssyncset.done $0x0  }
0xa4: {  	s25 =	simm.s32 $0x1B8E;
	s24 =	sld [smem:$0x3FFE];
	[sflag:s23] =	ssyncadd.s32 $0xFFFFFFFF  }
0xa5: {  	s26 =	simm.s32 $execute0_lowered;
	[smem:$0x3FD2] =	sst s25  }
0xa6: {  	s4 =	sshll.u32 s26, $0x1;
	_ =	strace $0x80000046;
	[dreg:$0x1] =	wrdreg $0xFFFFFFFF  }
0xa7: {  	s28 =	simm.s32 $_size_execute0_lowered;
	s2 =	sadd.s32 s2, s4;
	[dreg:$0x0] =	wrdreg $0x0  }
0xa8: {  	s4 =	sshll.u32 s28, $0x1;
	[dreg:$0x2] =	wrdreg s2  }
0xa9: {  	[dreg:$0x3] =	wrdreg s4  }
0xaa: {  	[dreg:$0x4] =	wrdreg $0xC0  }
0xab: {  	_ =	task [dreg:s6], $0x5FFFF  }
0xac: {  	[dreg:$0x1] =	wrdreg $0xFFFFFFFF  }
0xad: {  	[dreg:$0x0] =	wrdreg $0x60  }
0xae: {  	[dreg:$0x2] =	wrdreg s24  }
0xaf: {  	[dreg:$0x3] =	wrdreg $0x9  }
0xb0: {  	_ =	task.clear_ibuf [dreg:s6], $0x4FFFF;
	_ =	strace $0x90000046  }
0xb1: {  	s29 =	simm.s32 $0x9;
	_ =	strace $0x80000048  }
0xb2: {  	_ =	swait.ge [sflag:s29], $0x1  }
0xb3: {  	[sflag:s29] =	ssyncadd.s32 $0xFFFFFFFF  }
0xb4: {  	_ =	strace $0x90000048  }
0xb5: {  	_ =	sfence  }
0xb6: {  	s30 =	sld [smem:$0x0];
	_ =	sdelay $0x2  }
0xb7: {  	s31 =	sshll.u32 s1, $0xD;
	s1 =	sshrl.u32 s1, $0x2  }
0xb8: {  	s3 =	sand.u32 $0x4000, s31;
	s1 =	sadd.s32 s1, s30  }
0xb9: {  	s0 =	sor.u32 s3, s0;
	s1 =	sshll.u32 s1, $0x11  }
0xba: {  	s0 =	sor.u32 s1, s0  }
0xbb: {  	s0 =	sadd.s32 $0x8F2B, s0  }
0xbc: {  	[sflag:s0] =	ssyncadd.remote.s32 $0x1  }
0xbd: {  	_ =	sfence.sel $0xFFFF  }
0xbe: {  	[dreg:$0x0] =	wrdreg $0xFFFFFFFF;
	(pc) =	sbr.abs _section_cstart, $3  }
0xbf: {  	[dreg:$0x1] =	wrdreg $0xFFFFFFFF  }
0xc0: {  	_ =	task.clear_ibuf [dreg:s6], $0x2FFFF;
	_ =	strace $0x9FFFFFFF  }
0xc1: {  	(tm) =	ssettm $0x7FFFFFFF  }
tec
execute0_lowered:
.L_overlay_start_1:
0x0: {  	(tag) =	ssettag $0x1  }
0x1: {  	s0 =	srdreg.scid  }
0x2: {  	s3 =	sand.u32 $0x1, s0  }
0x3: {  	s4 =	rddreg [dreg:$0x0];
	s0 =	stileid.u32;
	s1 =	sshll.u32 s3, $0x4  }
0x4: {  	s2 =	simm.s32 $0x0;
	s8 =	simm.s32 $0x0;
	s5 =	sor.u32 s0, s1  }
0x5: {  	[smem:$0x7FF] =	sst s2;
	s3 =	ssub.s32 $0x2, s3;
	s6 =	smul.u32 $0x272, s5  }
0x6: {  	s1 =	rddreg [dreg:$0x1];
	s7 =	sshrl.u32 s3, $0x1;
	s5 =	smul.u32 $0x500, s5  }
0x7: {  	_ =	strace $0x80000047;
	s31 =	ssub.s32 s3, s7;
	s7 =	simm.s32 $0x1400  }
0x8: {  	s6 =	sadd.s32 s6, s4;
	s4 =	sadd.s32 s5, s4;
	s5 =	smax.u32 s31, $0x1  }
0x9: {  	v0 =	vimm.f32 $0.0e+00;
	v1 =	vimm.f32 $1.000000000e+00;
	s3 =	sadd.s32 $0xBE00, s6;
	s4 =	sadd.s32 $0x10E00, s4;
	s6 =	simm.s32 $0x1  }
.LBB2_1:
0xa: {  	[tilespmem:s2], [sflag:$0x1] =	stream.linear.gather [hbm4b:s3+s2], $0x1390, $0x38;
	[tilespmem:$0x3C00] =	vst v63  }
0xb: {  	_ =	swait.ge [sflag:s6], $0x1390  }
0xc: {  	[sflag:s6] =	ssyncset.done $0x0  }
0xd: {  	s9 =	simm.s32 $0x0;
	[sflag:s6] =	ssyncadd.s32 $0xFFFFEC70  }
.LBB2_2:
0xe: {  	p0 =	sne.s32 s9, $0x9FC0  }
.Ltmp0:
0xf: {  	_ = 	snop;
	(pc) =	sbr.rel @p0 .LBB2_2-.Ltmp0, $3  }
0x10: {  	_ =	sdelay $0x1  }
0x11: {  	s10 =	sshra.s32 s9, $0x2  }
0x12: {  	s9 =	sadd.s32 $0x40, s9;
	[tilespmem:s10+$0x1400] =	vst v0  }
0x13: {  	s10 =	simm.s32 $0x0;
	s9 =	simm.s32 $0x40  }
.LBB2_4:
0x14: {  	p0 =	sne.s32 s9, $0x4E00;
	v2 =	vld [tilespmem:s10+$0x0];
	_ =	sdelay $0x3  }
.Ltmp1:
0x15: {  	(pc) =	sbr.rel @p0 .LBB2_4-.Ltmp1, $2  }
0x16: {  	_ =	sdelay $0x2  }
0x17: {  	s10 =	sshra.s32 s9, $0x2;
	s9 =	sadd.s32 $0x40, s9;
	[tilespmem:v2+s7+$0x0] =	vst.idx.add.f32.msk $0xffff, v1  }
0x18: {  	v2 =	vld [tilespmem:s10+$0x0];
	_ =	sdelay $0x5  }
0x19: {  	s8 =	sadd.s32 $0x1, s8  }
0x1a: {  	p0 =	sne.s32 s8, s5  }
.Ltmp2:
0x1b: {  	[tilespmem:v2+s7+$0x0] =	vst.idx.add.f32.msk $0xffff, v1;
	(pc) =	sbr.rel @p0 .LBB2_1-.Ltmp2, $4  }
0x1c: {  	[hbm4b:s4+s2] =	stream.linear.scatter [tilespmem:s7], [sflag:$0x1], $0x2800, $0x38;
	[tilespmem:$0x3C00] =	vst v63  }
0x1d: {  	_ =	swait.ge [sflag:s6], $0x2800  }
0x1e: {  	[sflag:s6] =	ssyncset.done $0x0  }
0x1f: {  	[sflag:s6] =	ssyncadd.s32 $0xFFFFD800  }
0x20: {  	_ =	sfence.sel $0x180000  }
0x21: {  	[bflag:$0x0] =	sbarrier.arrive $0xFFFF  }
0x22: {  	p0 =	sne.s32 s0, $0x0;
	_ =	strace $0x90000047  }
0x23: {  	s0 =	sadd.s32 @!p0 $0x100000, s1;
	[bflag:$0x2] =	sbarrier.arrive $0xFFFF  }
0x24: {  	[sflag:s0] =	ssyncadd.tile.s32 @!p0 $0x1;
	_ =	shalt  }
.Lfunc_end2:
_tile_overlayer_lowered:
.L_overlay_start_2:
0x25: {  	(tag) =	ssettag $0x2  }
0x26: {  	s0 =	rddreg [dreg:$0x0];
	s2 =	stileid.u32  }
0x27: {  	s1 =	rddreg [dreg:$0x1];
	p0 =	sne.s32 s2, $0x0  }
0x28: {  	s3 =	rddreg [dreg:$0x2];
	[bflag:$0x3] =	sbarrier.arrive $0xFFFF;
	s2 =	simm.s32 @!p0 $0x1C01  }
0x29: {  	[timem:s3], [sflag:s2] =	dma.local @!p0 [hbm:s0], s1  }
0x2a: {  	s0 =	simm.s32 @!p0 $0x1  }
0x2b: {  	_ =	swait.ge @!p0 [sflag:s0], s1  }
0x2c: {  	s1 =	ssub.s32 @!p0 $0x0, s1;
	[sflag:s0] =	ssyncset.done @!p0 $0x0  }
0x2d: {  	[sflag:s0] =	ssyncadd.s32 @!p0 s1  }
0x2e: {  	[bflag:$0x3] =	sbarrier.arrive $0xFFFF  }
0x2f: {  	_ =	shalt  }

</sc_bundles>
